<compile_context>
chip_gen: v7x
topology: tpu7x:2x2x1
jax: 0.10.2.dev20260603
libtpu: 0.0.44.dev20260713+nightly
codegen_flags: <defaults>
</compile_context>

<pallas_src>
import functools

import jax
import jax.numpy as jnp
from jax import lax
from jax.experimental import pallas as pl
from jax.experimental.pallas import tpu as pltpu
from jax.experimental.pallas import tpu_sc as plsc

NODES = 10000
T = 10
CH = 10
HID = 512
NA = 18
E = 160000
NTILES = 32
EPAD = 161792
EPT_DEG = EPAD // NTILES
EPT_SPMM = EPAD // 16
ECHUNK = EPT_SPMM // 2
UNROLL = 4
HF = CH // 2

_sc_mesh = plsc.VectorSubcoreMesh(core_axis_name="c", subcore_axis_name="s")
_sc_params = pltpu.CompilerParams(needs_layout_passes=False)


@functools.partial(
    pl.kernel,
    mesh=_sc_mesh,
    out_type=jax.ShapeDtypeStruct((NTILES * NODES,), jnp.float32),
    compiler_params=_sc_params,
    scratch_types=[
        pltpu.VMEM((EPT_DEG,), jnp.int32),
        pltpu.VMEM((EPT_DEG,), jnp.float32),
        pltpu.VMEM((NODES,), jnp.float32),
    ],
)
def _deg_kernel(dst_hbm, attr_hbm, zrow_hbm, out_hbm, dst_v, attr_v, deg_v):
    wid = lax.axis_index("s") * 2 + lax.axis_index("c")
    pltpu.sync_copy(dst_hbm.at[pl.ds(wid * EPT_DEG, EPT_DEG)], dst_v)
    pltpu.sync_copy(attr_hbm.at[pl.ds(wid * EPT_DEG, EPT_DEG)], attr_v)
    pltpu.sync_copy(zrow_hbm, deg_v)

    @plsc.parallel_loop(0, EPT_DEG // 16, 1, unroll=UNROLL)
    def _deg_loop(i):
        d = dst_v[pl.ds(i * 16, 16)]
        a = attr_v[pl.ds(i * 16, 16)]
        plsc.addupdate_scatter(deg_v, [d], a)
    pltpu.sync_copy(deg_v, out_hbm.at[pl.ds(wid * NODES, NODES)])


HFN = HF * NODES


@functools.partial(
    pl.kernel,
    mesh=_sc_mesh,
    out_type=jax.ShapeDtypeStruct((2 * 16 * 2 * HFN,), jnp.float32),
    compiler_params=_sc_params,
    scratch_types=[
        pltpu.VMEM((HFN,), jnp.float32),
        pltpu.VMEM((HFN,), jnp.float32),
        pltpu.VMEM((ECHUNK,), jnp.int32),
        pltpu.VMEM((ECHUNK,), jnp.int32),
        pltpu.VMEM((ECHUNK,), jnp.float32),
    ],
)
def _spmm_kernel(v_hbm, src_hbm, dst_hbm, attr_hbm, zhalf_hbm, out_hbm,
                 vh, acc, src_v, dst_v, attr_v):
    c = lax.axis_index("c")
    s = lax.axis_index("s")
    for h in range(2):
        pltpu.sync_copy(v_hbm.at[pl.ds(c * CH * NODES + h * HFN, HFN)], vh)
        pltpu.sync_copy(zhalf_hbm, acc)
        for chunk in range(2):
            ebase = s * EPT_SPMM + chunk * ECHUNK
            pltpu.sync_copy(src_hbm.at[pl.ds(ebase, ECHUNK)], src_v)
            pltpu.sync_copy(dst_hbm.at[pl.ds(ebase, ECHUNK)], dst_v)
            pltpu.sync_copy(attr_hbm.at[pl.ds(ebase, ECHUNK)], attr_v)

            @plsc.parallel_loop(0, ECHUNK // 16, 1, unroll=UNROLL)
            def _edge_loop(i):
                sidx = src_v[pl.ds(i * 16, 16)]
                didx = dst_v[pl.ds(i * 16, 16)]
                a = attr_v[pl.ds(i * 16, 16)]
                for f in range(HF):
                    col = plsc.load_gather(vh, [sidx + (f * NODES)])
                    plsc.addupdate_scatter(acc, [didx + (f * NODES)], col * a)
        obase = ((c * 16 + s) * 2 + h) * HFN
        pltpu.sync_copy(acc, out_hbm.at[pl.ds(obase, HFN)])


def _front_body(xT_ref, wr_ref, wi_ref, br_ref, bi_ref, degp_ref,
                y_ref, v_ref, dinv_ref):
    xT = xT_ref[...]
    yr = jnp.dot(wr_ref[...], xT, preferred_element_type=jnp.float32) + br_ref[...]
    yi = jnp.dot(wi_ref[...], xT, preferred_element_type=jnp.float32) + bi_ref[...]
    yr = jnp.maximum(yr, 0.0)
    yi = jnp.maximum(yi, 0.0)
    deg = jnp.sum(degp_ref[...], axis=0, keepdims=True)
    dinv = jnp.where(deg > 0, lax.rsqrt(jnp.maximum(deg, 1e-12)), 0.0)
    dinv_ref[...] = dinv
    y_ref[0] = yr
    y_ref[1] = yi
    v_ref[0] = yr * dinv
    v_ref[1] = yi * dinv


_front_call = pl.pallas_call(
    _front_body,
    out_shape=[
        jax.ShapeDtypeStruct((2, CH, NODES), jnp.float32),
        jax.ShapeDtypeStruct((2, CH, NODES), jnp.float32),
        jax.ShapeDtypeStruct((1, NODES), jnp.float32),
    ],
)


def _comb1_body(part_ref, y_ref, dinv_ref, t1_ref, v2_ref):
    sv = jnp.sum(part_ref[...], axis=1).reshape(2, CH, NODES)
    dinv = dinv_ref[...]
    t1 = y_ref[...] - sv * dinv[None]
    t1_ref[...] = t1
    v2_ref[...] = t1 * dinv[None]


_comb1_call = pl.pallas_call(
    _comb1_body,
    out_shape=[
        jax.ShapeDtypeStruct((2, CH, NODES), jnp.float32),
        jax.ShapeDtypeStruct((2, CH, NODES), jnp.float32),
    ],
)


def _comb2_body(part_ref, t1_ref, y_ref, dinv_ref, wt_ref, b_ref,
                zr_ref, zi_ref):
    st1 = jnp.sum(part_ref[...], axis=1).reshape(2, CH, NODES)
    dinv = dinv_ref[...]
    t1 = t1_ref[...]
    y = y_ref[...]
    t2 = 2.0 * (t1 - st1 * dinv[None]) - y
    wt = wt_ref[...]
    dot = lambda a, b: jnp.dot(a, b, preferred_element_type=jnp.float32)
    zr = dot(wt[0], y[0]) + dot(wt[1], t1[0]) + dot(wt[2], t2[0]) + b_ref[...]
    zi = dot(wt[0], y[1]) + dot(wt[1], t1[1]) + dot(wt[2], t2[1])
    zr_ref[...] = jnp.maximum(zr, 0.0)
    zi_ref[...] = jnp.maximum(zi, 0.0)


_comb2_call = pl.pallas_call(
    _comb2_body,
    out_shape=[
        jax.ShapeDtypeStruct((CH, NODES), jnp.float32),
        jax.ShapeDtypeStruct((CH, NODES), jnp.float32),
    ],
)


RB = 2000
NBLK = (NODES * T) // RB


def _dot3(a, b):
    ah = a.astype(jnp.bfloat16)
    al = (a - ah.astype(jnp.float32)).astype(jnp.bfloat16)
    bh = b.astype(jnp.bfloat16)
    bl = (b - bh.astype(jnp.float32)).astype(jnp.bfloat16)
    d = lambda p, q: jnp.dot(p, q, preferred_element_type=jnp.float32)
    return d(ah, bh) + d(ah, bl) + d(al, bh)


def _fc1_body(z_ref, wr_ref, wi_ref, fb_ref, cw_ref, cb_ref, aw_ref, ab_ref,
              logits_ref, value_ref, accA, accC):
    k = pl.program_id(0)

    @pl.when(k == 0)
    def _init():
        accA[...] = jnp.zeros_like(accA)
        accC[...] = jnp.zeros_like(accC)

    z = z_ref[0]
    accA[...] += jnp.dot(z, wr_ref[...], preferred_element_type=jnp.float32)
    accC[...] += jnp.dot(z, wi_ref[...], preferred_element_type=jnp.float32)

    @pl.when(k == NBLK - 1)
    def _fin():
        A = accA[...]
        C = accC[...]
        fb = fb_ref[...]
        hr = jnp.maximum(A[0:1] - C[1:2] + fb[0:1], 0.0)
        hi = jnp.maximum(C[0:1] + A[1:2] + fb[1:2], 0.0)
        xcat = jnp.concatenate([hr, hi], axis=1)
        value_ref[...] = (
            _dot3(xcat, cw_ref[...])
            + cb_ref[...]
        )
        logits_ref[...] = (
            _dot3(xcat, aw_ref[...])
            + ab_ref[...]
        )


_fc1_call = pl.pallas_call(
    _fc1_body,
    grid=(NBLK,),
    in_specs=[
        pl.BlockSpec((1, 2, RB), lambda k: (k, 0, 0)),
        pl.BlockSpec((RB, HID), lambda k: (k, 0)),
        pl.BlockSpec((RB, HID), lambda k: (k, 0)),
        pl.BlockSpec((2, HID), lambda k: (0, 0)),
        pl.BlockSpec((2 * HID, 1), lambda k: (0, 0)),
        pl.BlockSpec((1, 1), lambda k: (0, 0)),
        pl.BlockSpec((2 * HID, NA), lambda k: (0, 0)),
        pl.BlockSpec((1, NA), lambda k: (0, 0)),
    ],
    out_specs=[
        pl.BlockSpec((1, NA), lambda k: (0, 0)),
        pl.BlockSpec((1, 1), lambda k: (0, 0)),
    ],
    out_shape=[
        jax.ShapeDtypeStruct((1, NA), jnp.float32),
        jax.ShapeDtypeStruct((1, 1), jnp.float32),
    ],
    scratch_shapes=[
        pltpu.VMEM((2, HID), jnp.float32),
        pltpu.VMEM((2, HID), jnp.float32),
    ],
)


def kernel(x, edge_index, edge_attr, conv1_Wr, conv1_Wi, conv1_br, conv1_bi,
           cheb_W, cheb_b, fc1_Wr, fc1_Wi, fc1_br, fc1_bi,
           critic_W, critic_b, actor_W, actor_b):
    xT = x.reshape(NODES, T).T
    pad = EPAD - E
    src = jnp.concatenate([edge_index[0], jnp.zeros((pad,), jnp.int32)])
    dst = jnp.concatenate([edge_index[1], jnp.zeros((pad,), jnp.int32)])
    attr = jnp.concatenate([edge_attr, jnp.zeros((pad,), jnp.float32)])
    zrow = jnp.zeros((NODES,), jnp.float32)
    zhalf = jnp.zeros((HFN,), jnp.float32)
    pshape = (2, 16, 2, HF, NODES)

    deg_p = _deg_kernel(dst, attr, zrow).reshape(NTILES, NODES)
    y2, v1, dinv = _front_call(
        xT, conv1_Wr, conv1_Wi,
        conv1_br.reshape(CH, 1), conv1_bi.reshape(CH, 1), deg_p,
    )

    part1 = _spmm_kernel(v1.reshape(-1), src, dst, attr, zhalf).reshape(pshape)
    t1, v2 = _comb1_call(part1, y2, dinv)

    part2 = _spmm_kernel(v2.reshape(-1), src, dst, attr, zhalf).reshape(pshape)
    wt = jnp.transpose(cheb_W, (0, 2, 1))
    zrT, ziT = _comb2_call(part2, t1, y2, dinv, wt, cheb_b.reshape(CH, 1))

    z2 = jnp.stack([zrT.T.reshape(-1), ziT.T.reshape(-1)])
    z3 = jnp.transpose(z2.reshape(2, NBLK, RB), (1, 0, 2))
    fb = jnp.stack([fc1_br, fc1_bi])
    logits, value = _fc1_call(
        z3, fc1_Wr, fc1_Wi, fb,
        critic_W, critic_b.reshape(1, 1), actor_W, actor_b.reshape(1, NA),
    )
    return (logits, value)

# --- scband reference (transcript-rebuilt; emitter-appended) ---
"""Pipeline reference for scband-actor-critic-gcn-cnn-17995912970395 (READ-ONLY COPY).

The authoritative reference and input builder live on the scoring server;
editing this copy changes nothing except your own understanding.
"""

import jax, jax.numpy as jnp
import numpy as np

B = 1
NODES = 10000
T = 10
CH_T = 10
K = 3
CH_S = 10
HID = 512
NUM_ACTIONS = 18
E = 160000


def setup_inputs(seed: int = 0):
    key = jax.random.key(seed)
    ks = jax.random.split(key, 20)
    inp = {}
    inp["x"] = jax.random.normal(ks[0], (B, NODES, T), jnp.float32)
    inp["edge_index"] = jax.random.randint(ks[1], (2, E), 0, NODES, dtype=jnp.int32)
    inp["edge_attr"] = jax.random.uniform(ks[2], (E,), jnp.float32)
    # CplxConv1d(in=T, out=CH_T, kernel_size=1): complex weight = Wr + i*Wi
    inp["conv1_Wr"] = 0.3 * jax.random.normal(ks[3], (CH_T, T), jnp.float32)
    inp["conv1_Wi"] = 0.3 * jax.random.normal(ks[4], (CH_T, T), jnp.float32)
    inp["conv1_br"] = jnp.zeros((CH_T,), jnp.float32)
    inp["conv1_bi"] = jnp.zeros((CH_T,), jnp.float32)
    # ChebGraphConv(K=3, n_feat=CH_T, out=CH_S) real weights
    inp["cheb_W"] = 0.3 * jax.random.normal(ks[5], (K, CH_T, CH_S), jnp.float32)
    inp["cheb_b"] = jnp.zeros((CH_S,), jnp.float32)
    # CplxLinear(NODES*T, 512)
    scale = 1.0 / np.sqrt(NODES * T)
    inp["fc1_Wr"] = scale * jax.random.normal(ks[6], (NODES * T, HID), jnp.float32)
    inp["fc1_Wi"] = scale * jax.random.normal(ks[7], (NODES * T, HID), jnp.float32)
    inp["fc1_br"] = jnp.zeros((HID,), jnp.float32)
    inp["fc1_bi"] = jnp.zeros((HID,), jnp.float32)
    # critic / actor heads on concat(real, imag) -> 2*HID
    inp["critic_W"] = 0.05 * jax.random.normal(ks[8], (2 * HID, 1), jnp.float32)
    inp["critic_b"] = jnp.zeros((1,), jnp.float32)
    inp["actor_W"] = 0.01 * jax.random.normal(ks[9], (2 * HID, NUM_ACTIONS), jnp.float32)
    inp["actor_b"] = jnp.zeros((NUM_ACTIONS,), jnp.float32)
    return inp


def reference(x, edge_index, edge_attr, conv1_Wr, conv1_Wi, conv1_br, conv1_bi,
              cheb_W, cheb_b, fc1_Wr, fc1_Wi, fc1_br, fc1_bi,
              critic_W, critic_b, actor_W, actor_b):
    b, n, t = x.shape
    # x is real -> complex with zero imaginary part; permute(0, 2, 1)
    xr = jnp.transpose(x, (0, 2, 1))  # [B, T, N]
    xi = jnp.zeros_like(xr)
    # CplxConv1d kernel_size=1 == complex 1x1 conv over the channel dim
    yr = jnp.einsum('oc,bcn->bon', conv1_Wr, xr) - jnp.einsum('oc,bcn->bon', conv1_Wi, xi) + conv1_br[None, :, None]
    yi = jnp.einsum('oc,bcn->bon', conv1_Wr, xi) + jnp.einsum('oc,bcn->bon', conv1_Wi, xr) + conv1_bi[None, :, None]
    # CplxReLU: ReLU applied to real and imaginary parts independently
    yr = jax.nn.relu(yr)
    yi = jax.nn.relu(yi)
    # permute back and flatten nodes across batch: [B*N, CH_T]
    yr = jnp.transpose(yr, (0, 2, 1)).reshape(-1, CH_T)
    yi = jnp.transpose(yi, (0, 2, 1)).reshape(-1, CH_T)
    n_tot = b * n
    # calc_gso(edge_index, edge_weight, n_tot, 'sym_norm_lap'):
    #   L = I - D^{-1/2} A D^{-1/2}, applied as a sparse operator via gather/scatter
    src = edge_index[0]
    dst = edge_index[1]
    deg = jax.ops.segment_sum(edge_attr, dst, num_segments=n_tot)
    dinv = jnp.where(deg > 0, 1.0 / jnp.sqrt(jnp.maximum(deg, 1e-12)), 0.0)
    coef = edge_attr * dinv[src] * dinv[dst]

    def lap(v):
        return v - jax.ops.segment_sum(coef[:, None] * v[src], dst, num_segments=n_tot)

    # ChebGraphConv, K=3: T0 = x, T1 = L x, T2 = 2 L T1 - T0
    def cheb(v):
        t0 = v
        t1 = lap(v)
        t2 = 2.0 * lap(t1) - t0
        return t0 @ cheb_W[0] + t1 @ cheb_W[1] + t2 @ cheb_W[2]

    zr = cheb(yr) + cheb_b[None, :]  # real bias adds to real part
    zi = cheb(yi)
    zr = jax.nn.relu(zr)
    zi = jax.nn.relu(zi)
    # view(-1, nodes, T) then flatten per batch element (CH_S == T)
    zr = zr.reshape(b, n * t)
    zi = zi.reshape(b, n * t)
    # CplxLinear fc1: (Wr + iWi)(zr + izi)
    hr = zr @ fc1_Wr - zi @ fc1_Wi + fc1_br
    hi = zr @ fc1_Wi + zi @ fc1_Wr + fc1_bi
    hr = jax.nn.relu(hr)
    hi = jax.nn.relu(hi)
    x_cat = jnp.concatenate([hr, hi], axis=1)
    value = x_cat @ critic_W + critic_b
    logits = x_cat @ actor_W + actor_b
    return (logits, value)

if __name__ == "__main__":
    import jax
    _d = setup_inputs()
    print(jax.jit(kernel)(*tuple(_d.values())))

</pallas_src>

<mosaic_0001>
#map = affine_map<(d0, d1) -> (0)>
module attributes {stable_mosaic.version = 14 : i64} {
  func.func @_spmm_kernel(%arg0: i32, %arg1: i32, %arg2: memref<200000xf32, #tpu.memory_space<hbm>>, %arg3: memref<161792xi32, #tpu.memory_space<hbm>>, %arg4: memref<161792xi32, #tpu.memory_space<hbm>>, %arg5: memref<161792xf32, #tpu.memory_space<hbm>>, %arg6: memref<50000xf32, #tpu.memory_space<hbm>>, %arg7: memref<3200000xf32, #tpu.memory_space<hbm>>, %arg8: memref<50000xf32, #tpu.memory_space<vmem>>, %arg9: memref<50000xf32, #tpu.memory_space<vmem>>, %arg10: memref<5056xi32, #tpu.memory_space<vmem>>, %arg11: memref<5056xi32, #tpu.memory_space<vmem>>, %arg12: memref<5056xf32, #tpu.memory_space<vmem>>) attributes {dimension_semantics = [#tpu.dimension_semantics<core_parallel>, #tpu.dimension_semantics<subcore_parallel>], iteration_bounds = array<i64: 2, 16>, scalar_prefetch = 0 : i64, scratch_operands = 5 : i64, tpu.core_type = #tpu.core_type<sc_vector_subcore>, window_params = [{transform_indices = #map}, {transform_indices = #map}, {transform_indices = #map}, {transform_indices = #map}, {transform_indices = #map}, {transform_indices = #map}]} {
    %mul3A = arith.constant 10 : i32
    %mul3A_0 = arith.muli %arg0, %mul3A : i32
    %mul3A_1 = arith.constant 10000 : i32
    %mul3A_2 = arith.muli %mul3A_0, %mul3A_1 : i32
    %add3A = arith.constant 0 : i32
    %add3A_3 = arith.addi %mul3A_2, %add3A : i32
    "tpu.region"() ({
      %run_scoped3A = tpu.sem_alloc : memref<!tpu.dma_semaphore, #tpu.memory_space<semaphore_mem>>
      %dma_start3A = tpu.memref_slice %arg2[%add3A_3] : memref<200000xf32, #tpu.memory_space<hbm>> -> memref<50000xf32, #tpu.memory_space<hbm>>
      %dma_start3A_55 = tpu.memref_slice %arg2[%add3A_3] : memref<200000xf32, #tpu.memory_space<hbm>> -> memref<50000xf32, #tpu.memory_space<hbm>>
      tpu.enqueue_dma source(%dma_start3A_55 : memref<50000xf32, #tpu.memory_space<hbm>>) target(%arg8 : memref<50000xf32, #tpu.memory_space<vmem>>) target_semaphore(%run_scoped3A : memref<!tpu.dma_semaphore, #tpu.memory_space<semaphore_mem>>)
      %dma_wait3A = tpu.memref_slice %arg2[%add3A_3] : memref<200000xf32, #tpu.memory_space<hbm>> -> memref<50000xf32, #tpu.memory_space<hbm>>
      %dma_wait3A_56 = tpu.memref_slice %arg2[%add3A_3] : memref<200000xf32, #tpu.memory_space<hbm>> -> memref<50000xf32, #tpu.memory_space<hbm>>
      tpu.wait_dma2 semaphore(%run_scoped3A : memref<!tpu.dma_semaphore, #tpu.memory_space<semaphore_mem>>) src(%dma_wait3A_56 : memref<50000xf32, #tpu.memory_space<hbm>>) dst(%arg8 : memref<50000xf32, #tpu.memory_space<vmem>>)
      tpu.yield
    }) : () -> ()
    "tpu.region"() ({
      %run_scoped3A = tpu.sem_alloc : memref<!tpu.dma_semaphore, #tpu.memory_space<semaphore_mem>>
      tpu.enqueue_dma source(%arg6 : memref<50000xf32, #tpu.memory_space<hbm>>) target(%arg9 : memref<50000xf32, #tpu.memory_space<vmem>>) target_semaphore(%run_scoped3A : memref<!tpu.dma_semaphore, #tpu.memory_space<semaphore_mem>>)
      tpu.wait_dma2 semaphore(%run_scoped3A : memref<!tpu.dma_semaphore, #tpu.memory_space<semaphore_mem>>) src(%arg6 : memref<50000xf32, #tpu.memory_space<hbm>>) dst(%arg9 : memref<50000xf32, #tpu.memory_space<vmem>>)
      tpu.yield
    }) : () -> ()
    %mul3A_4 = arith.constant 10112 : i32
    %mul3A_5 = arith.muli %arg1, %mul3A_4 : i32
    %add3A_6 = arith.constant 0 : i32
    %add3A_7 = arith.addi %mul3A_5, %add3A_6 : i32
    "tpu.region"() ({
      %run_scoped3A = tpu.sem_alloc : memref<!tpu.dma_semaphore, #tpu.memory_space<semaphore_mem>>
      %dma_start3A = tpu.memref_slice %arg3[%add3A_7] : memref<161792xi32, #tpu.memory_space<hbm>> -> memref<5056xi32, #tpu.memory_space<hbm>>
      %dma_start3A_55 = tpu.memref_slice %arg3[%add3A_7] : memref<161792xi32, #tpu.memory_space<hbm>> -> memref<5056xi32, #tpu.memory_space<hbm>>
      tpu.enqueue_dma source(%dma_start3A_55 : memref<5056xi32, #tpu.memory_space<hbm>>) target(%arg10 : memref<5056xi32, #tpu.memory_space<vmem>>) target_semaphore(%run_scoped3A : memref<!tpu.dma_semaphore, #tpu.memory_space<semaphore_mem>>)
      %dma_wait3A = tpu.memref_slice %arg3[%add3A_7] : memref<161792xi32, #tpu.memory_space<hbm>> -> memref<5056xi32, #tpu.memory_space<hbm>>
      %dma_wait3A_56 = tpu.memref_slice %arg3[%add3A_7] : memref<161792xi32, #tpu.memory_space<hbm>> -> memref<5056xi32, #tpu.memory_space<hbm>>
      tpu.wait_dma2 semaphore(%run_scoped3A : memref<!tpu.dma_semaphore, #tpu.memory_space<semaphore_mem>>) src(%dma_wait3A_56 : memref<5056xi32, #tpu.memory_space<hbm>>) dst(%arg10 : memref<5056xi32, #tpu.memory_space<vmem>>)
      tpu.yield
    }) : () -> ()
    "tpu.region"() ({
      %run_scoped3A = tpu.sem_alloc : memref<!tpu.dma_semaphore, #tpu.memory_space<semaphore_mem>>
      %dma_start3A = tpu.memref_slice %arg4[%add3A_7] : memref<161792xi32, #tpu.memory_space<hbm>> -> memref<5056xi32, #tpu.memory_space<hbm>>
      %dma_start3A_55 = tpu.memref_slice %arg4[%add3A_7] : memref<161792xi32, #tpu.memory_space<hbm>> -> memref<5056xi32, #tpu.memory_space<hbm>>
      tpu.enqueue_dma source(%dma_start3A_55 : memref<5056xi32, #tpu.memory_space<hbm>>) target(%arg11 : memref<5056xi32, #tpu.memory_space<vmem>>) target_semaphore(%run_scoped3A : memref<!tpu.dma_semaphore, #tpu.memory_space<semaphore_mem>>)
      %dma_wait3A = tpu.memref_slice %arg4[%add3A_7] : memref<161792xi32, #tpu.memory_space<hbm>> -> memref<5056xi32, #tpu.memory_space<hbm>>
      %dma_wait3A_56 = tpu.memref_slice %arg4[%add3A_7] : memref<161792xi32, #tpu.memory_space<hbm>> -> memref<5056xi32, #tpu.memory_space<hbm>>
      tpu.wait_dma2 semaphore(%run_scoped3A : memref<!tpu.dma_semaphore, #tpu.memory_space<semaphore_mem>>) src(%dma_wait3A_56 : memref<5056xi32, #tpu.memory_space<hbm>>) dst(%arg11 : memref<5056xi32, #tpu.memory_space<vmem>>)
      tpu.yield
    }) : () -> ()
    "tpu.region"() ({
      %run_scoped3A = tpu.sem_alloc : memref<!tpu.dma_semaphore, #tpu.memory_space<semaphore_mem>>
      %dma_start3A = tpu.memref_slice %arg5[%add3A_7] : memref<161792xf32, #tpu.memory_space<hbm>> -> memref<5056xf32, #tpu.memory_space<hbm>>
      %dma_start3A_55 = tpu.memref_slice %arg5[%add3A_7] : memref<161792xf32, #tpu.memory_space<hbm>> -> memref<5056xf32, #tpu.memory_space<hbm>>
      tpu.enqueue_dma source(%dma_start3A_55 : memref<5056xf32, #tpu.memory_space<hbm>>) target(%arg12 : memref<5056xf32, #tpu.memory_space<vmem>>) target_semaphore(%run_scoped3A : memref<!tpu.dma_semaphore, #tpu.memory_space<semaphore_mem>>)
      %dma_wait3A = tpu.memref_slice %arg5[%add3A_7] : memref<161792xf32, #tpu.memory_space<hbm>> -> memref<5056xf32, #tpu.memory_space<hbm>>
      %dma_wait3A_56 = tpu.memref_slice %arg5[%add3A_7] : memref<161792xf32, #tpu.memory_space<hbm>> -> memref<5056xf32, #tpu.memory_space<hbm>>
      tpu.wait_dma2 semaphore(%run_scoped3A : memref<!tpu.dma_semaphore, #tpu.memory_space<semaphore_mem>>) src(%dma_wait3A_56 : memref<5056xf32, #tpu.memory_space<hbm>>) dst(%arg12 : memref<5056xf32, #tpu.memory_space<vmem>>)
      tpu.yield
    }) : () -> ()
    %parallel_loop3A = arith.constant 0 : i32
    %parallel_loop3A_8 = arith.constant 316 : i32
    %parallel_loop3A_9 = arith.constant 1 : i32
    scf.for %parallel_loop3A_55 = %parallel_loop3A to %parallel_loop3A_8 step %parallel_loop3A_9  : i32 {
      %parallel_loop3A_56 = arith.constant 16 : i32
      %parallel_loop3A_57 = arith.muli %parallel_loop3A_55, %parallel_loop3A_56 : i32
      %parallel_loop3A_58 = arith.index_cast %parallel_loop3A_57 : i32 to index
      %parallel_loop3A_59 = tpu.vector_load %arg10[%parallel_loop3A_58] {strides = array<i32>} : memref<5056xi32, #tpu.memory_space<vmem>>, vector<16xi32>,
      %parallel_loop3A_60 = arith.constant 16 : i32
      %parallel_loop3A_61 = arith.muli %parallel_loop3A_55, %parallel_loop3A_60 : i32
      %parallel_loop3A_62 = arith.index_cast %parallel_loop3A_61 : i32 to index
      %parallel_loop3A_63 = tpu.vector_load %arg11[%parallel_loop3A_62] {strides = array<i32>} : memref<5056xi32, #tpu.memory_space<vmem>>, vector<16xi32>,
      %parallel_loop3A_64 = arith.constant 16 : i32
      %parallel_loop3A_65 = arith.muli %parallel_loop3A_55, %parallel_loop3A_64 : i32
      %parallel_loop3A_66 = arith.index_cast %parallel_loop3A_65 : i32 to index
      %parallel_loop3A_67 = tpu.vector_load %arg12[%parallel_loop3A_66] {strides = array<i32>} : memref<5056xf32, #tpu.memory_space<vmem>>, vector<16xf32>,
      %parallel_loop3A_68 = arith.constant 0 : i32
      %parallel_loop3A_69 = vector.broadcast %parallel_loop3A_68 : i32 to vector<16xi32>
      %parallel_loop3A_70 = arith.addi %parallel_loop3A_59, %parallel_loop3A_69 : vector<16xi32>
      %parallel_loop3A_71 = tpu.vector_load_idx %arg8[%parallel_loop3A_70] : memref<50000xf32, #tpu.memory_space<vmem>>[vector<16xi32>], vector<16xf32>,
      %parallel_loop3A_72 = arith.constant 0 : i32
      %parallel_loop3A_73 = vector.broadcast %parallel_loop3A_72 : i32 to vector<16xi32>
      %parallel_loop3A_74 = arith.addi %parallel_loop3A_63, %parallel_loop3A_73 : vector<16xi32>
      %parallel_loop3A_75 = arith.mulf %parallel_loop3A_71, %parallel_loop3A_67 : vector<16xf32>
      tpu.vector_store_idx %arg9[%parallel_loop3A_74], %parallel_loop3A_75 {add = true} : memref<50000xf32, #tpu.memory_space<vmem>>[vector<16xi32>], vector<16xf32>,
      %parallel_loop3A_76 = arith.constant 10000 : i32
      %parallel_loop3A_77 = vector.broadcast %parallel_loop3A_76 : i32 to vector<16xi32>
      %parallel_loop3A_78 = arith.addi %parallel_loop3A_59, %parallel_loop3A_77 : vector<16xi32>
      %parallel_loop3A_79 = tpu.vector_load_idx %arg8[%parallel_loop3A_78] : memref<50000xf32, #tpu.memory_space<vmem>>[vector<16xi32>], vector<16xf32>,
      %parallel_loop3A_80 = arith.constant 10000 : i32
      %parallel_loop3A_81 = vector.broadcast %parallel_loop3A_80 : i32 to vector<16xi32>
      %parallel_loop3A_82 = arith.addi %parallel_loop3A_63, %parallel_loop3A_81 : vector<16xi32>
      %parallel_loop3A_83 = arith.mulf %parallel_loop3A_79, %parallel_loop3A_67 : vector<16xf32>
      tpu.vector_store_idx %arg9[%parallel_loop3A_82], %parallel_loop3A_83 {add = true} : memref<50000xf32, #tpu.memory_space<vmem>>[vector<16xi32>], vector<16xf32>,
      %parallel_loop3A_84 = arith.constant 20000 : i32
      %parallel_loop3A_85 = vector.broadcast %parallel_loop3A_84 : i32 to vector<16xi32>
      %parallel_loop3A_86 = arith.addi %parallel_loop3A_59, %parallel_loop3A_85 : vector<16xi32>
      %parallel_loop3A_87 = tpu.vector_load_idx %arg8[%parallel_loop3A_86] : memref<50000xf32, #tpu.memory_space<vmem>>[vector<16xi32>], vector<16xf32>,
      %parallel_loop3A_88 = arith.constant 20000 : i32
      %parallel_loop3A_89 = vector.broadcast %parallel_loop3A_88 : i32 to vector<16xi32>
      %parallel_loop3A_90 = arith.addi %parallel_loop3A_63, %parallel_loop3A_89 : vector<16xi32>
      %parallel_loop3A_91 = arith.mulf %parallel_loop3A_87, %parallel_loop3A_67 : vector<16xf32>
      tpu.vector_store_idx %arg9[%parallel_loop3A_90], %parallel_loop3A_91 {add = true} : memref<50000xf32, #tpu.memory_space<vmem>>[vector<16xi32>], vector<16xf32>,
      %parallel_loop3A_92 = arith.constant 30000 : i32
      %parallel_loop3A_93 = vector.broadcast %parallel_loop3A_92 : i32 to vector<16xi32>
      %parallel_loop3A_94 = arith.addi %parallel_loop3A_59, %parallel_loop3A_93 : vector<16xi32>
      %parallel_loop3A_95 = tpu.vector_load_idx %arg8[%parallel_loop3A_94] : memref<50000xf32, #tpu.memory_space<vmem>>[vector<16xi32>], vector<16xf32>,
      %parallel_loop3A_96 = arith.constant 30000 : i32
      %parallel_loop3A_97 = vector.broadcast %parallel_loop3A_96 : i32 to vector<16xi32>
      %parallel_loop3A_98 = arith.addi %parallel_loop3A_63, %parallel_loop3A_97 : vector<16xi32>
      %parallel_loop3A_99 = arith.mulf %parallel_loop3A_95, %parallel_loop3A_67 : vector<16xf32>
      tpu.vector_store_idx %arg9[%parallel_loop3A_98], %parallel_loop3A_99 {add = true} : memref<50000xf32, #tpu.memory_space<vmem>>[vector<16xi32>], vector<16xf32>,
      %parallel_loop3A_100 = arith.constant 40000 : i32
      %parallel_loop3A_101 = vector.broadcast %parallel_loop3A_100 : i32 to vector<16xi32>
      %parallel_loop3A_102 = arith.addi %parallel_loop3A_59, %parallel_loop3A_101 : vector<16xi32>
      %parallel_loop3A_103 = tpu.vector_load_idx %arg8[%parallel_loop3A_102] : memref<50000xf32, #tpu.memory_space<vmem>>[vector<16xi32>], vector<16xf32>,
      %parallel_loop3A_104 = arith.constant 40000 : i32
      %parallel_loop3A_105 = vector.broadcast %parallel_loop3A_104 : i32 to vector<16xi32>
      %parallel_loop3A_106 = arith.addi %parallel_loop3A_63, %parallel_loop3A_105 : vector<16xi32>
      %parallel_loop3A_107 = arith.mulf %parallel_loop3A_103, %parallel_loop3A_67 : vector<16xf32>
      tpu.vector_store_idx %arg9[%parallel_loop3A_106], %parallel_loop3A_107 {add = true} : memref<50000xf32, #tpu.memory_space<vmem>>[vector<16xi32>], vector<16xf32>,
    } {sc.loop_unroll_factor = 4 : i64, sc.parallel_access}
    %mul3A_10 = arith.constant 10112 : i32
    %mul3A_11 = arith.muli %arg1, %mul3A_10 : i32
    %add3A_12 = arith.constant 5056 : i32
    %add3A_13 = arith.addi %mul3A_11, %add3A_12 : i32
    "tpu.region"() ({
      %run_scoped3A = tpu.sem_alloc : memref<!tpu.dma_semaphore, #tpu.memory_space<semaphore_mem>>
      %dma_start3A = tpu.memref_slice %arg3[%add3A_13] : memref<161792xi32, #tpu.memory_space<hbm>> -> memref<5056xi32, #tpu.memory_space<hbm>>
      %dma_start3A_55 = tpu.memref_slice %arg3[%add3A_13] : memref<161792xi32, #tpu.memory_space<hbm>> -> memref<5056xi32, #tpu.memory_space<hbm>>
      tpu.enqueue_dma source(%dma_start3A_55 : memref<5056xi32, #tpu.memory_space<hbm>>) target(%arg10 : memref<5056xi32, #tpu.memory_space<vmem>>) target_semaphore(%run_scoped3A : memref<!tpu.dma_semaphore, #tpu.memory_space<semaphore_mem>>)
      %dma_wait3A = tpu.memref_slice %arg3[%add3A_13] : memref<161792xi32, #tpu.memory_space<hbm>> -> memref<5056xi32, #tpu.memory_space<hbm>>
      %dma_wait3A_56 = tpu.memref_slice %arg3[%add3A_13] : memref<161792xi32, #tpu.memory_space<hbm>> -> memref<5056xi32, #tpu.memory_space<hbm>>
      tpu.wait_dma2 semaphore(%run_scoped3A : memref<!tpu.dma_semaphore, #tpu.memory_space<semaphore_mem>>) src(%dma_wait3A_56 : memref<5056xi32, #tpu.memory_space<hbm>>) dst(%arg10 : memref<5056xi32, #tpu.memory_space<vmem>>)
      tpu.yield
    }) : () -> ()
    "tpu.region"() ({
      %run_scoped3A = tpu.sem_alloc : memref<!tpu.dma_semaphore, #tpu.memory_space<semaphore_mem>>
      %dma_start3A = tpu.memref_slice %arg4[%add3A_13] : memref<161792xi32, #tpu.memory_space<hbm>> -> memref<5056xi32, #tpu.memory_space<hbm>>
      %dma_start3A_55 = tpu.memref_slice %arg4[%add3A_13] : memref<161792xi32, #tpu.memory_space<hbm>> -> memref<5056xi32, #tpu.memory_space<hbm>>
      tpu.enqueue_dma source(%dma_start3A_55 : memref<5056xi32, #tpu.memory_space<hbm>>) target(%arg11 : memref<5056xi32, #tpu.memory_space<vmem>>) target_semaphore(%run_scoped3A : memref<!tpu.dma_semaphore, #tpu.memory_space<semaphore_mem>>)
      %dma_wait3A = tpu.memref_slice %arg4[%add3A_13] : memref<161792xi32, #tpu.memory_space<hbm>> -> memref<5056xi32, #tpu.memory_space<hbm>>
      %dma_wait3A_56 = tpu.memref_slice %arg4[%add3A_13] : memref<161792xi32, #tpu.memory_space<hbm>> -> memref<5056xi32, #tpu.memory_space<hbm>>
      tpu.wait_dma2 semaphore(%run_scoped3A : memref<!tpu.dma_semaphore, #tpu.memory_space<semaphore_mem>>) src(%dma_wait3A_56 : memref<5056xi32, #tpu.memory_space<hbm>>) dst(%arg11 : memref<5056xi32, #tpu.memory_space<vmem>>)
      tpu.yield
    }) : () -> ()
    "tpu.region"() ({
      %run_scoped3A = tpu.sem_alloc : memref<!tpu.dma_semaphore, #tpu.memory_space<semaphore_mem>>
      %dma_start3A = tpu.memref_slice %arg5[%add3A_13] : memref<161792xf32, #tpu.memory_space<hbm>> -> memref<5056xf32, #tpu.memory_space<hbm>>
      %dma_start3A_55 = tpu.memref_slice %arg5[%add3A_13] : memref<161792xf32, #tpu.memory_space<hbm>> -> memref<5056xf32, #tpu.memory_space<hbm>>
      tpu.enqueue_dma source(%dma_start3A_55 : memref<5056xf32, #tpu.memory_space<hbm>>) target(%arg12 : memref<5056xf32, #tpu.memory_space<vmem>>) target_semaphore(%run_scoped3A : memref<!tpu.dma_semaphore, #tpu.memory_space<semaphore_mem>>)
      %dma_wait3A = tpu.memref_slice %arg5[%add3A_13] : memref<161792xf32, #tpu.memory_space<hbm>> -> memref<5056xf32, #tpu.memory_space<hbm>>
      %dma_wait3A_56 = tpu.memref_slice %arg5[%add3A_13] : memref<161792xf32, #tpu.memory_space<hbm>> -> memref<5056xf32, #tpu.memory_space<hbm>>
      tpu.wait_dma2 semaphore(%run_scoped3A : memref<!tpu.dma_semaphore, #tpu.memory_space<semaphore_mem>>) src(%dma_wait3A_56 : memref<5056xf32, #tpu.memory_space<hbm>>) dst(%arg12 : memref<5056xf32, #tpu.memory_space<vmem>>)
      tpu.yield
    }) : () -> ()
    %parallel_loop3A_14 = arith.constant 0 : i32
    %parallel_loop3A_15 = arith.constant 316 : i32
    %parallel_loop3A_16 = arith.constant 1 : i32
    scf.for %parallel_loop3A_55 = %parallel_loop3A_14 to %parallel_loop3A_15 step %parallel_loop3A_16  : i32 {
      %parallel_loop3A_56 = arith.constant 16 : i32
      %parallel_loop3A_57 = arith.muli %parallel_loop3A_55, %parallel_loop3A_56 : i32
      %parallel_loop3A_58 = arith.index_cast %parallel_loop3A_57 : i32 to index
      %parallel_loop3A_59 = tpu.vector_load %arg10[%parallel_loop3A_58] {strides = array<i32>} : memref<5056xi32, #tpu.memory_space<vmem>>, vector<16xi32>,
      %parallel_loop3A_60 = arith.constant 16 : i32
      %parallel_loop3A_61 = arith.muli %parallel_loop3A_55, %parallel_loop3A_60 : i32
      %parallel_loop3A_62 = arith.index_cast %parallel_loop3A_61 : i32 to index
      %parallel_loop3A_63 = tpu.vector_load %arg11[%parallel_loop3A_62] {strides = array<i32>} : memref<5056xi32, #tpu.memory_space<vmem>>, vector<16xi32>,
      %parallel_loop3A_64 = arith.constant 16 : i32
      %parallel_loop3A_65 = arith.muli %parallel_loop3A_55, %parallel_loop3A_64 : i32
      %parallel_loop3A_66 = arith.index_cast %parallel_loop3A_65 : i32 to index
      %parallel_loop3A_67 = tpu.vector_load %arg12[%parallel_loop3A_66] {strides = array<i32>} : memref<5056xf32, #tpu.memory_space<vmem>>, vector<16xf32>,
      %parallel_loop3A_68 = arith.constant 0 : i32
      %parallel_loop3A_69 = vector.broadcast %parallel_loop3A_68 : i32 to vector<16xi32>
      %parallel_loop3A_70 = arith.addi %parallel_loop3A_59, %parallel_loop3A_69 : vector<16xi32>
      %parallel_loop3A_71 = tpu.vector_load_idx %arg8[%parallel_loop3A_70] : memref<50000xf32, #tpu.memory_space<vmem>>[vector<16xi32>], vector<16xf32>,
      %parallel_loop3A_72 = arith.constant 0 : i32
      %parallel_loop3A_73 = vector.broadcast %parallel_loop3A_72 : i32 to vector<16xi32>
      %parallel_loop3A_74 = arith.addi %parallel_loop3A_63, %parallel_loop3A_73 : vector<16xi32>
      %parallel_loop3A_75 = arith.mulf %parallel_loop3A_71, %parallel_loop3A_67 : vector<16xf32>
      tpu.vector_store_idx %arg9[%parallel_loop3A_74], %parallel_loop3A_75 {add = true} : memref<50000xf32, #tpu.memory_space<vmem>>[vector<16xi32>], vector<16xf32>,
      %parallel_loop3A_76 = arith.constant 10000 : i32
      %parallel_loop3A_77 = vector.broadcast %parallel_loop3A_76 : i32 to vector<16xi32>
      %parallel_loop3A_78 = arith.addi %parallel_loop3A_59, %parallel_loop3A_77 : vector<16xi32>
      %parallel_loop3A_79 = tpu.vector_load_idx %arg8[%parallel_loop3A_78] : memref<50000xf32, #tpu.memory_space<vmem>>[vector<16xi32>], vector<16xf32>,
      %parallel_loop3A_80 = arith.constant 10000 : i32
      %parallel_loop3A_81 = vector.broadcast %parallel_loop3A_80 : i32 to vector<16xi32>
      %parallel_loop3A_82 = arith.addi %parallel_loop3A_63, %parallel_loop3A_81 : vector<16xi32>
      %parallel_loop3A_83 = arith.mulf %parallel_loop3A_79, %parallel_loop3A_67 : vector<16xf32>
      tpu.vector_store_idx %arg9[%parallel_loop3A_82], %parallel_loop3A_83 {add = true} : memref<50000xf32, #tpu.memory_space<vmem>>[vector<16xi32>], vector<16xf32>,
      %parallel_loop3A_84 = arith.constant 20000 : i32
      %parallel_loop3A_85 = vector.broadcast %parallel_loop3A_84 : i32 to vector<16xi32>
      %parallel_loop3A_86 = arith.addi %parallel_loop3A_59, %parallel_loop3A_85 : vector<16xi32>
      %parallel_loop3A_87 = tpu.vector_load_idx %arg8[%parallel_loop3A_86] : memref<50000xf32, #tpu.memory_space<vmem>>[vector<16xi32>], vector<16xf32>,
      %parallel_loop3A_88 = arith.constant 20000 : i32
      %parallel_loop3A_89 = vector.broadcast %parallel_loop3A_88 : i32 to vector<16xi32>
      %parallel_loop3A_90 = arith.addi %parallel_loop3A_63, %parallel_loop3A_89 : vector<16xi32>
      %parallel_loop3A_91 = arith.mulf %parallel_loop3A_87, %parallel_loop3A_67 : vector<16xf32>
      tpu.vector_store_idx %arg9[%parallel_loop3A_90], %parallel_loop3A_91 {add = true} : memref<50000xf32, #tpu.memory_space<vmem>>[vector<16xi32>], vector<16xf32>,
      %parallel_loop3A_92 = arith.constant 30000 : i32
      %parallel_loop3A_93 = vector.broadcast %parallel_loop3A_92 : i32 to vector<16xi32>
      %parallel_loop3A_94 = arith.addi %parallel_loop3A_59, %parallel_loop3A_93 : vector<16xi32>
      %parallel_loop3A_95 = tpu.vector_load_idx %arg8[%parallel_loop3A_94] : memref<50000xf32, #tpu.memory_space<vmem>>[vector<16xi32>], vector<16xf32>,
      %parallel_loop3A_96 = arith.constant 30000 : i32
      %parallel_loop3A_97 = vector.broadcast %parallel_loop3A_96 : i32 to vector<16xi32>
      %parallel_loop3A_98 = arith.addi %parallel_loop3A_63, %parallel_loop3A_97 : vector<16xi32>
      %parallel_loop3A_99 = arith.mulf %parallel_loop3A_95, %parallel_loop3A_67 : vector<16xf32>
      tpu.vector_store_idx %arg9[%parallel_loop3A_98], %parallel_loop3A_99 {add = true} : memref<50000xf32, #tpu.memory_space<vmem>>[vector<16xi32>], vector<16xf32>,
      %parallel_loop3A_100 = arith.constant 40000 : i32
      %parallel_loop3A_101 = vector.broadcast %parallel_loop3A_100 : i32 to vector<16xi32>
      %parallel_loop3A_102 = arith.addi %parallel_loop3A_59, %parallel_loop3A_101 : vector<16xi32>
      %parallel_loop3A_103 = tpu.vector_load_idx %arg8[%parallel_loop3A_102] : memref<50000xf32, #tpu.memory_space<vmem>>[vector<16xi32>], vector<16xf32>,
      %parallel_loop3A_104 = arith.constant 40000 : i32
      %parallel_loop3A_105 = vector.broadcast %parallel_loop3A_104 : i32 to vector<16xi32>
      %parallel_loop3A_106 = arith.addi %parallel_loop3A_63, %parallel_loop3A_105 : vector<16xi32>
      %parallel_loop3A_107 = arith.mulf %parallel_loop3A_103, %parallel_loop3A_67 : vector<16xf32>
      tpu.vector_store_idx %arg9[%parallel_loop3A_106], %parallel_loop3A_107 {add = true} : memref<50000xf32, #tpu.memory_space<vmem>>[vector<16xi32>], vector<16xf32>,
    } {sc.loop_unroll_factor = 4 : i64, sc.parallel_access}
    %mul3A_17 = arith.constant 16 : i32
    %mul3A_18 = arith.muli %arg0, %mul3A_17 : i32
    %add3A_19 = arith.addi %mul3A_18, %arg1 : i32
    %mul3A_20 = arith.constant 2 : i32
    %mul3A_21 = arith.muli %add3A_19, %mul3A_20 : i32
    %add3A_22 = arith.constant 0 : i32
    %add3A_23 = arith.addi %mul3A_21, %add3A_22 : i32
    %mul3A_24 = arith.constant 50000 : i32
    %mul3A_25 = arith.muli %add3A_23, %mul3A_24 : i32
    "tpu.region"() ({
      %run_scoped3A = tpu.sem_alloc : memref<!tpu.dma_semaphore, #tpu.memory_space<semaphore_mem>>
      %dma_start3A = tpu.memref_slice %arg7[%mul3A_25] : memref<3200000xf32, #tpu.memory_space<hbm>> -> memref<50000xf32, #tpu.memory_space<hbm>>
      %dma_start3A_55 = tpu.memref_slice %arg7[%mul3A_25] : memref<3200000xf32, #tpu.memory_space<hbm>> -> memref<50000xf32, #tpu.memory_space<hbm>>
      tpu.enqueue_dma source(%arg9 : memref<50000xf32, #tpu.memory_space<vmem>>) target(%dma_start3A_55 : memref<50000xf32, #tpu.memory_space<hbm>>) target_semaphore(%run_scoped3A : memref<!tpu.dma_semaphore, #tpu.memory_space<semaphore_mem>>)
      %dma_wait3A = tpu.memref_slice %arg7[%mul3A_25] : memref<3200000xf32, #tpu.memory_space<hbm>> -> memref<50000xf32, #tpu.memory_space<hbm>>
      %dma_wait3A_56 = tpu.memref_slice %arg7[%mul3A_25] : memref<3200000xf32, #tpu.memory_space<hbm>> -> memref<50000xf32, #tpu.memory_space<hbm>>
      tpu.wait_dma2 semaphore(%run_scoped3A : memref<!tpu.dma_semaphore, #tpu.memory_space<semaphore_mem>>) src(%arg9 : memref<50000xf32, #tpu.memory_space<vmem>>) dst(%dma_wait3A_56 : memref<50000xf32, #tpu.memory_space<hbm>>)
      tpu.yield
    }) : () -> ()
    %mul3A_26 = arith.constant 10 : i32
    %mul3A_27 = arith.muli %arg0, %mul3A_26 : i32
    %mul3A_28 = arith.constant 10000 : i32
    %mul3A_29 = arith.muli %mul3A_27, %mul3A_28 : i32
    %add3A_30 = arith.constant 50000 : i32
    %add3A_31 = arith.addi %mul3A_29, %add3A_30 : i32
    "tpu.region"() ({
      %run_scoped3A = tpu.sem_alloc : memref<!tpu.dma_semaphore, #tpu.memory_space<semaphore_mem>>
      %dma_start3A = tpu.memref_slice %arg2[%add3A_31] : memref<200000xf32, #tpu.memory_space<hbm>> -> memref<50000xf32, #tpu.memory_space<hbm>>
      %dma_start3A_55 = tpu.memref_slice %arg2[%add3A_31] : memref<200000xf32, #tpu.memory_space<hbm>> -> memref<50000xf32, #tpu.memory_space<hbm>>
      tpu.enqueue_dma source(%dma_start3A_55 : memref<50000xf32, #tpu.memory_space<hbm>>) target(%arg8 : memref<50000xf32, #tpu.memory_space<vmem>>) target_semaphore(%run_scoped3A : memref<!tpu.dma_semaphore, #tpu.memory_space<semaphore_mem>>)
      %dma_wait3A = tpu.memref_slice %arg2[%add3A_31] : memref<200000xf32, #tpu.memory_space<hbm>> -> memref<50000xf32, #tpu.memory_space<hbm>>
      %dma_wait3A_56 = tpu.memref_slice %arg2[%add3A_31] : memref<200000xf32, #tpu.memory_space<hbm>> -> memref<50000xf32, #tpu.memory_space<hbm>>
      tpu.wait_dma2 semaphore(%run_scoped3A : memref<!tpu.dma_semaphore, #tpu.memory_space<semaphore_mem>>) src(%dma_wait3A_56 : memref<50000xf32, #tpu.memory_space<hbm>>) dst(%arg8 : memref<50000xf32, #tpu.memory_space<vmem>>)
      tpu.yield
    }) : () -> ()
    "tpu.region"() ({
      %run_scoped3A = tpu.sem_alloc : memref<!tpu.dma_semaphore, #tpu.memory_space<semaphore_mem>>
      tpu.enqueue_dma source(%arg6 : memref<50000xf32, #tpu.memory_space<hbm>>) target(%arg9 : memref<50000xf32, #tpu.memory_space<vmem>>) target_semaphore(%run_scoped3A : memref<!tpu.dma_semaphore, #tpu.memory_space<semaphore_mem>>)
      tpu.wait_dma2 semaphore(%run_scoped3A : memref<!tpu.dma_semaphore, #tpu.memory_space<semaphore_mem>>) src(%arg6 : memref<50000xf32, #tpu.memory_space<hbm>>) dst(%arg9 : memref<50000xf32, #tpu.memory_space<vmem>>)
      tpu.yield
    }) : () -> ()
    %mul3A_32 = arith.constant 10112 : i32
    %mul3A_33 = arith.muli %arg1, %mul3A_32 : i32
    %add3A_34 = arith.constant 0 : i32
    %add3A_35 = arith.addi %mul3A_33, %add3A_34 : i32
    "tpu.region"() ({
      %run_scoped3A = tpu.sem_alloc : memref<!tpu.dma_semaphore, #tpu.memory_space<semaphore_mem>>
      %dma_start3A = tpu.memref_slice %arg3[%add3A_35] : memref<161792xi32, #tpu.memory_space<hbm>> -> memref<5056xi32, #tpu.memory_space<hbm>>
      %dma_start3A_55 = tpu.memref_slice %arg3[%add3A_35] : memref<161792xi32, #tpu.memory_space<hbm>> -> memref<5056xi32, #tpu.memory_space<hbm>>
      tpu.enqueue_dma source(%dma_start3A_55 : memref<5056xi32, #tpu.memory_space<hbm>>) target(%arg10 : memref<5056xi32, #tpu.memory_space<vmem>>) target_semaphore(%run_scoped3A : memref<!tpu.dma_semaphore, #tpu.memory_space<semaphore_mem>>)
      %dma_wait3A = tpu.memref_slice %arg3[%add3A_35] : memref<161792xi32, #tpu.memory_space<hbm>> -> memref<5056xi32, #tpu.memory_space<hbm>>
      %dma_wait3A_56 = tpu.memref_slice %arg3[%add3A_35] : memref<161792xi32, #tpu.memory_space<hbm>> -> memref<5056xi32, #tpu.memory_space<hbm>>
      tpu.wait_dma2 semaphore(%run_scoped3A : memref<!tpu.dma_semaphore, #tpu.memory_space<semaphore_mem>>) src(%dma_wait3A_56 : memref<5056xi32, #tpu.memory_space<hbm>>) dst(%arg10 : memref<5056xi32, #tpu.memory_space<vmem>>)
      tpu.yield
    }) : () -> ()
    "tpu.region"() ({
      %run_scoped3A = tpu.sem_alloc : memref<!tpu.dma_semaphore, #tpu.memory_space<semaphore_mem>>
      %dma_start3A = tpu.memref_slice %arg4[%add3A_35] : memref<161792xi32, #tpu.memory_space<hbm>> -> memref<5056xi32, #tpu.memory_space<hbm>>
      %dma_start3A_55 = tpu.memref_slice %arg4[%add3A_35] : memref<161792xi32, #tpu.memory_space<hbm>> -> memref<5056xi32, #tpu.memory_space<hbm>>
      tpu.enqueue_dma source(%dma_start3A_55 : memref<5056xi32, #tpu.memory_space<hbm>>) target(%arg11 : memref<5056xi32, #tpu.memory_space<vmem>>) target_semaphore(%run_scoped3A : memref<!tpu.dma_semaphore, #tpu.memory_space<semaphore_mem>>)
      %dma_wait3A = tpu.memref_slice %arg4[%add3A_35] : memref<161792xi32, #tpu.memory_space<hbm>> -> memref<5056xi32, #tpu.memory_space<hbm>>
      %dma_wait3A_56 = tpu.memref_slice %arg4[%add3A_35] : memref<161792xi32, #tpu.memory_space<hbm>> -> memref<5056xi32, #tpu.memory_space<hbm>>
      tpu.wait_dma2 semaphore(%run_scoped3A : memref<!tpu.dma_semaphore, #tpu.memory_space<semaphore_mem>>) src(%dma_wait3A_56 : memref<5056xi32, #tpu.memory_space<hbm>>) dst(%arg11 : memref<5056xi32, #tpu.memory_space<vmem>>)
      tpu.yield
    }) : () -> ()
    "tpu.region"() ({
      %run_scoped3A = tpu.sem_alloc : memref<!tpu.dma_semaphore, #tpu.memory_space<semaphore_mem>>
      %dma_start3A = tpu.memref_slice %arg5[%add3A_35] : memref<161792xf32, #tpu.memory_space<hbm>> -> memref<5056xf32, #tpu.memory_space<hbm>>
      %dma_start3A_55 = tpu.memref_slice %arg5[%add3A_35] : memref<161792xf32, #tpu.memory_space<hbm>> -> memref<5056xf32, #tpu.memory_space<hbm>>
      tpu.enqueue_dma source(%dma_start3A_55 : memref<5056xf32, #tpu.memory_space<hbm>>) target(%arg12 : memref<5056xf32, #tpu.memory_space<vmem>>) target_semaphore(%run_scoped3A : memref<!tpu.dma_semaphore, #tpu.memory_space<semaphore_mem>>)
      %dma_wait3A = tpu.memref_slice %arg5[%add3A_35] : memref<161792xf32, #tpu.memory_space<hbm>> -> memref<5056xf32, #tpu.memory_space<hbm>>
      %dma_wait3A_56 = tpu.memref_slice %arg5[%add3A_35] : memref<161792xf32, #tpu.memory_space<hbm>> -> memref<5056xf32, #tpu.memory_space<hbm>>
      tpu.wait_dma2 semaphore(%run_scoped3A : memref<!tpu.dma_semaphore, #tpu.memory_space<semaphore_mem>>) src(%dma_wait3A_56 : memref<5056xf32, #tpu.memory_space<hbm>>) dst(%arg12 : memref<5056xf32, #tpu.memory_space<vmem>>)
      tpu.yield
    }) : () -> ()
    %parallel_loop3A_36 = arith.constant 0 : i32
    %parallel_loop3A_37 = arith.constant 316 : i32
    %parallel_loop3A_38 = arith.constant 1 : i32
    scf.for %parallel_loop3A_55 = %parallel_loop3A_36 to %parallel_loop3A_37 step %parallel_loop3A_38  : i32 {
      %parallel_loop3A_56 = arith.constant 16 : i32
      %parallel_loop3A_57 = arith.muli %parallel_loop3A_55, %parallel_loop3A_56 : i32
      %parallel_loop3A_58 = arith.index_cast %parallel_loop3A_57 : i32 to index
      %parallel_loop3A_59 = tpu.vector_load %arg10[%parallel_loop3A_58] {strides = array<i32>} : memref<5056xi32, #tpu.memory_space<vmem>>, vector<16xi32>,
      %parallel_loop3A_60 = arith.constant 16 : i32
      %parallel_loop3A_61 = arith.muli %parallel_loop3A_55, %parallel_loop3A_60 : i32
      %parallel_loop3A_62 = arith.index_cast %parallel_loop3A_61 : i32 to index
      %parallel_loop3A_63 = tpu.vector_load %arg11[%parallel_loop3A_62] {strides = array<i32>} : memref<5056xi32, #tpu.memory_space<vmem>>, vector<16xi32>,
      %parallel_loop3A_64 = arith.constant 16 : i32
      %parallel_loop3A_65 = arith.muli %parallel_loop3A_55, %parallel_loop3A_64 : i32
      %parallel_loop3A_66 = arith.index_cast %parallel_loop3A_65 : i32 to index
      %parallel_loop3A_67 = tpu.vector_load %arg12[%parallel_loop3A_66] {strides = array<i32>} : memref<5056xf32, #tpu.memory_space<vmem>>, vector<16xf32>,
      %parallel_loop3A_68 = arith.constant 0 : i32
      %parallel_loop3A_69 = vector.broadcast %parallel_loop3A_68 : i32 to vector<16xi32>
      %parallel_loop3A_70 = arith.addi %parallel_loop3A_59, %parallel_loop3A_69 : vector<16xi32>
      %parallel_loop3A_71 = tpu.vector_load_idx %arg8[%parallel_loop3A_70] : memref<50000xf32, #tpu.memory_space<vmem>>[vector<16xi32>], vector<16xf32>,
      %parallel_loop3A_72 = arith.constant 0 : i32
      %parallel_loop3A_73 = vector.broadcast %parallel_loop3A_72 : i32 to vector<16xi32>
      %parallel_loop3A_74 = arith.addi %parallel_loop3A_63, %parallel_loop3A_73 : vector<16xi32>
      %parallel_loop3A_75 = arith.mulf %parallel_loop3A_71, %parallel_loop3A_67 : vector<16xf32>
      tpu.vector_store_idx %arg9[%parallel_loop3A_74], %parallel_loop3A_75 {add = true} : memref<50000xf32, #tpu.memory_space<vmem>>[vector<16xi32>], vector<16xf32>,
      %parallel_loop3A_76 = arith.constant 10000 : i32
      %parallel_loop3A_77 = vector.broadcast %parallel_loop3A_76 : i32 to vector<16xi32>
      %parallel_loop3A_78 = arith.addi %parallel_loop3A_59, %parallel_loop3A_77 : vector<16xi32>
      %parallel_loop3A_79 = tpu.vector_load_idx %arg8[%parallel_loop3A_78] : memref<50000xf32, #tpu.memory_space<vmem>>[vector<16xi32>], vector<16xf32>,
      %parallel_loop3A_80 = arith.constant 10000 : i32
      %parallel_loop3A_81 = vector.broadcast %parallel_loop3A_80 : i32 to vector<16xi32>
      %parallel_loop3A_82 = arith.addi %parallel_loop3A_63, %parallel_loop3A_81 : vector<16xi32>
      %parallel_loop3A_83 = arith.mulf %parallel_loop3A_79, %parallel_loop3A_67 : vector<16xf32>
      tpu.vector_store_idx %arg9[%parallel_loop3A_82], %parallel_loop3A_83 {add = true} : memref<50000xf32, #tpu.memory_space<vmem>>[vector<16xi32>], vector<16xf32>,
      %parallel_loop3A_84 = arith.constant 20000 : i32
      %parallel_loop3A_85 = vector.broadcast %parallel_loop3A_84 : i32 to vector<16xi32>
      %parallel_loop3A_86 = arith.addi %parallel_loop3A_59, %parallel_loop3A_85 : vector<16xi32>
      %parallel_loop3A_87 = tpu.vector_load_idx %arg8[%parallel_loop3A_86] : memref<50000xf32, #tpu.memory_space<vmem>>[vector<16xi32>], vector<16xf32>,
      %parallel_loop3A_88 = arith.constant 20000 : i32
      %parallel_loop3A_89 = vector.broadcast %parallel_loop3A_88 : i32 to vector<16xi32>
      %parallel_loop3A_90 = arith.addi %parallel_loop3A_63, %parallel_loop3A_89 : vector<16xi32>
      %parallel_loop3A_91 = arith.mulf %parallel_loop3A_87, %parallel_loop3A_67 : vector<16xf32>
      tpu.vector_store_idx %arg9[%parallel_loop3A_90], %parallel_loop3A_91 {add = true} : memref<50000xf32, #tpu.memory_space<vmem>>[vector<16xi32>], vector<16xf32>,
      %parallel_loop3A_92 = arith.constant 30000 : i32
      %parallel_loop3A_93 = vector.broadcast %parallel_loop3A_92 : i32 to vector<16xi32>
      %parallel_loop3A_94 = arith.addi %parallel_loop3A_59, %parallel_loop3A_93 : vector<16xi32>
      %parallel_loop3A_95 = tpu.vector_load_idx %arg8[%parallel_loop3A_94] : memref<50000xf32, #tpu.memory_space<vmem>>[vector<16xi32>], vector<16xf32>,
      %parallel_loop3A_96 = arith.constant 30000 : i32
      %parallel_loop3A_97 = vector.broadcast %parallel_loop3A_96 : i32 to vector<16xi32>
      %parallel_loop3A_98 = arith.addi %parallel_loop3A_63, %parallel_loop3A_97 : vector<16xi32>
      %parallel_loop3A_99 = arith.mulf %parallel_loop3A_95, %parallel_loop3A_67 : vector<16xf32>
      tpu.vector_store_idx %arg9[%parallel_loop3A_98], %parallel_loop3A_99 {add = true} : memref<50000xf32, #tpu.memory_space<vmem>>[vector<16xi32>], vector<16xf32>,
      %parallel_loop3A_100 = arith.constant 40000 : i32
      %parallel_loop3A_101 = vector.broadcast %parallel_loop3A_100 : i32 to vector<16xi32>
      %parallel_loop3A_102 = arith.addi %parallel_loop3A_59, %parallel_loop3A_101 : vector<16xi32>
      %parallel_loop3A_103 = tpu.vector_load_idx %arg8[%parallel_loop3A_102] : memref<50000xf32, #tpu.memory_space<vmem>>[vector<16xi32>], vector<16xf32>,
      %parallel_loop3A_104 = arith.constant 40000 : i32
      %parallel_loop3A_105 = vector.broadcast %parallel_loop3A_104 : i32 to vector<16xi32>
      %parallel_loop3A_106 = arith.addi %parallel_loop3A_63, %parallel_loop3A_105 : vector<16xi32>
      %parallel_loop3A_107 = arith.mulf %parallel_loop3A_103, %parallel_loop3A_67 : vector<16xf32>
      tpu.vector_store_idx %arg9[%parallel_loop3A_106], %parallel_loop3A_107 {add = true} : memref<50000xf32, #tpu.memory_space<vmem>>[vector<16xi32>], vector<16xf32>,
    } {sc.loop_unroll_factor = 4 : i64, sc.parallel_access}
    %mul3A_39 = arith.constant 10112 : i32
    %mul3A_40 = arith.muli %arg1, %mul3A_39 : i32
    %add3A_41 = arith.constant 5056 : i32
    %add3A_42 = arith.addi %mul3A_40, %add3A_41 : i32
    "tpu.region"() ({
      %run_scoped3A = tpu.sem_alloc : memref<!tpu.dma_semaphore, #tpu.memory_space<semaphore_mem>>
      %dma_start3A = tpu.memref_slice %arg3[%add3A_42] : memref<161792xi32, #tpu.memory_space<hbm>> -> memref<5056xi32, #tpu.memory_space<hbm>>
      %dma_start3A_55 = tpu.memref_slice %arg3[%add3A_42] : memref<161792xi32, #tpu.memory_space<hbm>> -> memref<5056xi32, #tpu.memory_space<hbm>>
      tpu.enqueue_dma source(%dma_start3A_55 : memref<5056xi32, #tpu.memory_space<hbm>>) target(%arg10 : memref<5056xi32, #tpu.memory_space<vmem>>) target_semaphore(%run_scoped3A : memref<!tpu.dma_semaphore, #tpu.memory_space<semaphore_mem>>)
      %dma_wait3A = tpu.memref_slice %arg3[%add3A_42] : memref<161792xi32, #tpu.memory_space<hbm>> -> memref<5056xi32, #tpu.memory_space<hbm>>
      %dma_wait3A_56 = tpu.memref_slice %arg3[%add3A_42] : memref<161792xi32, #tpu.memory_space<hbm>> -> memref<5056xi32, #tpu.memory_space<hbm>>
      tpu.wait_dma2 semaphore(%run_scoped3A : memref<!tpu.dma_semaphore, #tpu.memory_space<semaphore_mem>>) src(%dma_wait3A_56 : memref<5056xi32, #tpu.memory_space<hbm>>) dst(%arg10 : memref<5056xi32, #tpu.memory_space<vmem>>)
      tpu.yield
    }) : () -> ()
    "tpu.region"() ({
      %run_scoped3A = tpu.sem_alloc : memref<!tpu.dma_semaphore, #tpu.memory_space<semaphore_mem>>
      %dma_start3A = tpu.memref_slice %arg4[%add3A_42] : memref<161792xi32, #tpu.memory_space<hbm>> -> memref<5056xi32, #tpu.memory_space<hbm>>
      %dma_start3A_55 = tpu.memref_slice %arg4[%add3A_42] : memref<161792xi32, #tpu.memory_space<hbm>> -> memref<5056xi32, #tpu.memory_space<hbm>>
      tpu.enqueue_dma source(%dma_start3A_55 : memref<5056xi32, #tpu.memory_space<hbm>>) target(%arg11 : memref<5056xi32, #tpu.memory_space<vmem>>) target_semaphore(%run_scoped3A : memref<!tpu.dma_semaphore, #tpu.memory_space<semaphore_mem>>)
      %dma_wait3A = tpu.memref_slice %arg4[%add3A_42] : memref<161792xi32, #tpu.memory_space<hbm>> -> memref<5056xi32, #tpu.memory_space<hbm>>
      %dma_wait3A_56 = tpu.memref_slice %arg4[%add3A_42] : memref<161792xi32, #tpu.memory_space<hbm>> -> memref<5056xi32, #tpu.memory_space<hbm>>
      tpu.wait_dma2 semaphore(%run_scoped3A : memref<!tpu.dma_semaphore, #tpu.memory_space<semaphore_mem>>) src(%dma_wait3A_56 : memref<5056xi32, #tpu.memory_space<hbm>>) dst(%arg11 : memref<5056xi32, #tpu.memory_space<vmem>>)
      tpu.yield
    }) : () -> ()
    "tpu.region"() ({
      %run_scoped3A = tpu.sem_alloc : memref<!tpu.dma_semaphore, #tpu.memory_space<semaphore_mem>>
      %dma_start3A = tpu.memref_slice %arg5[%add3A_42] : memref<161792xf32, #tpu.memory_space<hbm>> -> memref<5056xf32, #tpu.memory_space<hbm>>
      %dma_start3A_55 = tpu.memref_slice %arg5[%add3A_42] : memref<161792xf32, #tpu.memory_space<hbm>> -> memref<5056xf32, #tpu.memory_space<hbm>>
      tpu.enqueue_dma source(%dma_start3A_55 : memref<5056xf32, #tpu.memory_space<hbm>>) target(%arg12 : memref<5056xf32, #tpu.memory_space<vmem>>) target_semaphore(%run_scoped3A : memref<!tpu.dma_semaphore, #tpu.memory_space<semaphore_mem>>)
      %dma_wait3A = tpu.memref_slice %arg5[%add3A_42] : memref<161792xf32, #tpu.memory_space<hbm>> -> memref<5056xf32, #tpu.memory_space<hbm>>
      %dma_wait3A_56 = tpu.memref_slice %arg5[%add3A_42] : memref<161792xf32, #tpu.memory_space<hbm>> -> memref<5056xf32, #tpu.memory_space<hbm>>
      tpu.wait_dma2 semaphore(%run_scoped3A : memref<!tpu.dma_semaphore, #tpu.memory_space<semaphore_mem>>) src(%dma_wait3A_56 : memref<5056xf32, #tpu.memory_space<hbm>>) dst(%arg12 : memref<5056xf32, #tpu.memory_space<vmem>>)
      tpu.yield
    }) : () -> ()
    %parallel_loop3A_43 = arith.constant 0 : i32
    %parallel_loop3A_44 = arith.constant 316 : i32
    %parallel_loop3A_45 = arith.constant 1 : i32
    scf.for %parallel_loop3A_55 = %parallel_loop3A_43 to %parallel_loop3A_44 step %parallel_loop3A_45  : i32 {
      %parallel_loop3A_56 = arith.constant 16 : i32
      %parallel_loop3A_57 = arith.muli %parallel_loop3A_55, %parallel_loop3A_56 : i32
      %parallel_loop3A_58 = arith.index_cast %parallel_loop3A_57 : i32 to index
      %parallel_loop3A_59 = tpu.vector_load %arg10[%parallel_loop3A_58] {strides = array<i32>} : memref<5056xi32, #tpu.memory_space<vmem>>, vector<16xi32>,
      %parallel_loop3A_60 = arith.constant 16 : i32
      %parallel_loop3A_61 = arith.muli %parallel_loop3A_55, %parallel_loop3A_60 : i32
      %parallel_loop3A_62 = arith.index_cast %parallel_loop3A_61 : i32 to index
      %parallel_loop3A_63 = tpu.vector_load %arg11[%parallel_loop3A_62] {strides = array<i32>} : memref<5056xi32, #tpu.memory_space<vmem>>, vector<16xi32>,
      %parallel_loop3A_64 = arith.constant 16 : i32
      %parallel_loop3A_65 = arith.muli %parallel_loop3A_55, %parallel_loop3A_64 : i32
      %parallel_loop3A_66 = arith.index_cast %parallel_loop3A_65 : i32 to index
      %parallel_loop3A_67 = tpu.vector_load %arg12[%parallel_loop3A_66] {strides = array<i32>} : memref<5056xf32, #tpu.memory_space<vmem>>, vector<16xf32>,
      %parallel_loop3A_68 = arith.constant 0 : i32
      %parallel_loop3A_69 = vector.broadcast %parallel_loop3A_68 : i32 to vector<16xi32>
      %parallel_loop3A_70 = arith.addi %parallel_loop3A_59, %parallel_loop3A_69 : vector<16xi32>
      %parallel_loop3A_71 = tpu.vector_load_idx %arg8[%parallel_loop3A_70] : memref<50000xf32, #tpu.memory_space<vmem>>[vector<16xi32>], vector<16xf32>,
      %parallel_loop3A_72 = arith.constant 0 : i32
      %parallel_loop3A_73 = vector.broadcast %parallel_loop3A_72 : i32 to vector<16xi32>
      %parallel_loop3A_74 = arith.addi %parallel_loop3A_63, %parallel_loop3A_73 : vector<16xi32>
      %parallel_loop3A_75 = arith.mulf %parallel_loop3A_71, %parallel_loop3A_67 : vector<16xf32>
      tpu.vector_store_idx %arg9[%parallel_loop3A_74], %parallel_loop3A_75 {add = true} : memref<50000xf32, #tpu.memory_space<vmem>>[vector<16xi32>], vector<16xf32>,
      %parallel_loop3A_76 = arith.constant 10000 : i32
      %parallel_loop3A_77 = vector.broadcast %parallel_loop3A_76 : i32 to vector<16xi32>
      %parallel_loop3A_78 = arith.addi %parallel_loop3A_59, %parallel_loop3A_77 : vector<16xi32>
      %parallel_loop3A_79 = tpu.vector_load_idx %arg8[%parallel_loop3A_78] : memref<50000xf32, #tpu.memory_space<vmem>>[vector<16xi32>], vector<16xf32>,
      %parallel_loop3A_80 = arith.constant 10000 : i32
      %parallel_loop3A_81 = vector.broadcast %parallel_loop3A_80 : i32 to vector<16xi32>
      %parallel_loop3A_82 = arith.addi %parallel_loop3A_63, %parallel_loop3A_81 : vector<16xi32>
      %parallel_loop3A_83 = arith.mulf %parallel_loop3A_79, %parallel_loop3A_67 : vector<16xf32>
      tpu.vector_store_idx %arg9[%parallel_loop3A_82], %parallel_loop3A_83 {add = true} : memref<50000xf32, #tpu.memory_space<vmem>>[vector<16xi32>], vector<16xf32>,
      %parallel_loop3A_84 = arith.constant 20000 : i32
      %parallel_loop3A_85 = vector.broadcast %parallel_loop3A_84 : i32 to vector<16xi32>
      %parallel_loop3A_86 = arith.addi %parallel_loop3A_59, %parallel_loop3A_85 : vector<16xi32>
      %parallel_loop3A_87 = tpu.vector_load_idx %arg8[%parallel_loop3A_86] : memref<50000xf32, #tpu.memory_space<vmem>>[vector<16xi32>], vector<16xf32>,
      %parallel_loop3A_88 = arith.constant 20000 : i32
      %parallel_loop3A_89 = vector.broadcast %parallel_loop3A_88 : i32 to vector<16xi32>
      %parallel_loop3A_90 = arith.addi %parallel_loop3A_63, %parallel_loop3A_89 : vector<16xi32>
      %parallel_loop3A_91 = arith.mulf %parallel_loop3A_87, %parallel_loop3A_67 : vector<16xf32>
      tpu.vector_store_idx %arg9[%parallel_loop3A_90], %parallel_loop3A_91 {add = true} : memref<50000xf32, #tpu.memory_space<vmem>>[vector<16xi32>], vector<16xf32>,
      %parallel_loop3A_92 = arith.constant 30000 : i32
      %parallel_loop3A_93 = vector.broadcast %parallel_loop3A_92 : i32 to vector<16xi32>
      %parallel_loop3A_94 = arith.addi %parallel_loop3A_59, %parallel_loop3A_93 : vector<16xi32>
      %parallel_loop3A_95 = tpu.vector_load_idx %arg8[%parallel_loop3A_94] : memref<50000xf32, #tpu.memory_space<vmem>>[vector<16xi32>], vector<16xf32>,
      %parallel_loop3A_96 = arith.constant 30000 : i32
      %parallel_loop3A_97 = vector.broadcast %parallel_loop3A_96 : i32 to vector<16xi32>
      %parallel_loop3A_98 = arith.addi %parallel_loop3A_63, %parallel_loop3A_97 : vector<16xi32>
      %parallel_loop3A_99 = arith.mulf %parallel_loop3A_95, %parallel_loop3A_67 : vector<16xf32>
      tpu.vector_store_idx %arg9[%parallel_loop3A_98], %parallel_loop3A_99 {add = true} : memref<50000xf32, #tpu.memory_space<vmem>>[vector<16xi32>], vector<16xf32>,
      %parallel_loop3A_100 = arith.constant 40000 : i32
      %parallel_loop3A_101 = vector.broadcast %parallel_loop3A_100 : i32 to vector<16xi32>
      %parallel_loop3A_102 = arith.addi %parallel_loop3A_59, %parallel_loop3A_101 : vector<16xi32>
      %parallel_loop3A_103 = tpu.vector_load_idx %arg8[%parallel_loop3A_102] : memref<50000xf32, #tpu.memory_space<vmem>>[vector<16xi32>], vector<16xf32>,
      %parallel_loop3A_104 = arith.constant 40000 : i32
      %parallel_loop3A_105 = vector.broadcast %parallel_loop3A_104 : i32 to vector<16xi32>
      %parallel_loop3A_106 = arith.addi %parallel_loop3A_63, %parallel_loop3A_105 : vector<16xi32>
      %parallel_loop3A_107 = arith.mulf %parallel_loop3A_103, %parallel_loop3A_67 : vector<16xf32>
      tpu.vector_store_idx %arg9[%parallel_loop3A_106], %parallel_loop3A_107 {add = true} : memref<50000xf32, #tpu.memory_space<vmem>>[vector<16xi32>], vector<16xf32>,
    } {sc.loop_unroll_factor = 4 : i64, sc.parallel_access}
    %mul3A_46 = arith.constant 16 : i32
    %mul3A_47 = arith.muli %arg0, %mul3A_46 : i32
    %add3A_48 = arith.addi %mul3A_47, %arg1 : i32
    %mul3A_49 = arith.constant 2 : i32
    %mul3A_50 = arith.muli %add3A_48, %mul3A_49 : i32
    %add3A_51 = arith.constant 1 : i32
    %add3A_52 = arith.addi %mul3A_50, %add3A_51 : i32
    %mul3A_53 = arith.constant 50000 : i32
    %mul3A_54 = arith.muli %add3A_52, %mul3A_53 : i32
    "tpu.region"() ({
      %run_scoped3A = tpu.sem_alloc : memref<!tpu.dma_semaphore, #tpu.memory_space<semaphore_mem>>
      %dma_start3A = tpu.memref_slice %arg7[%mul3A_54] : memref<3200000xf32, #tpu.memory_space<hbm>> -> memref<50000xf32, #tpu.memory_space<hbm>>
      %dma_start3A_55 = tpu.memref_slice %arg7[%mul3A_54] : memref<3200000xf32, #tpu.memory_space<hbm>> -> memref<50000xf32, #tpu.memory_space<hbm>>
      tpu.enqueue_dma source(%arg9 : memref<50000xf32, #tpu.memory_space<vmem>>) target(%dma_start3A_55 : memref<50000xf32, #tpu.memory_space<hbm>>) target_semaphore(%run_scoped3A : memref<!tpu.dma_semaphore, #tpu.memory_space<semaphore_mem>>)
      %dma_wait3A = tpu.memref_slice %arg7[%mul3A_54] : memref<3200000xf32, #tpu.memory_space<hbm>> -> memref<50000xf32, #tpu.memory_space<hbm>>
      %dma_wait3A_56 = tpu.memref_slice %arg7[%mul3A_54] : memref<3200000xf32, #tpu.memory_space<hbm>> -> memref<50000xf32, #tpu.memory_space<hbm>>
      tpu.wait_dma2 semaphore(%run_scoped3A : memref<!tpu.dma_semaphore, #tpu.memory_space<semaphore_mem>>) src(%arg9 : memref<50000xf32, #tpu.memory_space<vmem>>) dst(%dma_wait3A_56 : memref<50000xf32, #tpu.memory_space<hbm>>)
      tpu.yield
    }) : () -> ()
    return
  }
}

#map = affine_map<(d0, d1) -> (0)>
module attributes {stable_mosaic.version = 14 : i64} {
  func.func @_spmm_kernel(%arg0: i32, %arg1: i32, %arg2: memref<200000xf32, #tpu.memory_space<hbm>>, %arg3: memref<161792xi32, #tpu.memory_space<hbm>>, %arg4: memref<161792xi32, #tpu.memory_space<hbm>>, %arg5: memref<161792xf32, #tpu.memory_space<hbm>>, %arg6: memref<50000xf32, #tpu.memory_space<hbm>>, %arg7: memref<3200000xf32, #tpu.memory_space<hbm>>, %arg8: memref<50000xf32, #tpu.memory_space<vmem>>, %arg9: memref<50000xf32, #tpu.memory_space<vmem>>, %arg10: memref<5056xi32, #tpu.memory_space<vmem>>, %arg11: memref<5056xi32, #tpu.memory_space<vmem>>, %arg12: memref<5056xf32, #tpu.memory_space<vmem>>) attributes {dimension_semantics = [#tpu.dimension_semantics<core_parallel>, #tpu.dimension_semantics<subcore_parallel>], iteration_bounds = array<i64: 2, 16>, scalar_prefetch = 0 : i64, scratch_operands = 5 : i64, tpu.core_type = #tpu.core_type<sc_vector_subcore>, window_params = [{transform_indices = #map}, {transform_indices = #map}, {transform_indices = #map}, {transform_indices = #map}, {transform_indices = #map}, {transform_indices = #map}]} {
    %mul3A = arith.constant 10 : i32
    %mul3A_0 = arith.muli %arg0, %mul3A : i32
    %mul3A_1 = arith.constant 10000 : i32
    %mul3A_2 = arith.muli %mul3A_0, %mul3A_1 : i32
    %add3A = arith.constant 0 : i32
    %add3A_3 = arith.addi %mul3A_2, %add3A : i32
    "tpu.region"() ({
      %run_scoped3A = tpu.sem_alloc : memref<!tpu.dma_semaphore, #tpu.memory_space<semaphore_mem>>
      %dma_start3A = tpu.memref_slice %arg2[%add3A_3] : memref<200000xf32, #tpu.memory_space<hbm>> -> memref<50000xf32, #tpu.memory_space<hbm>>
      %dma_start3A_55 = tpu.memref_slice %arg2[%add3A_3] : memref<200000xf32, #tpu.memory_space<hbm>> -> memref<50000xf32, #tpu.memory_space<hbm>>
      tpu.enqueue_dma source(%dma_start3A_55 : memref<50000xf32, #tpu.memory_space<hbm>>) target(%arg8 : memref<50000xf32, #tpu.memory_space<vmem>>) target_semaphore(%run_scoped3A : memref<!tpu.dma_semaphore, #tpu.memory_space<semaphore_mem>>)
      %dma_wait3A = tpu.memref_slice %arg2[%add3A_3] : memref<200000xf32, #tpu.memory_space<hbm>> -> memref<50000xf32, #tpu.memory_space<hbm>>
      %dma_wait3A_56 = tpu.memref_slice %arg2[%add3A_3] : memref<200000xf32, #tpu.memory_space<hbm>> -> memref<50000xf32, #tpu.memory_space<hbm>>
      tpu.wait_dma2 semaphore(%run_scoped3A : memref<!tpu.dma_semaphore, #tpu.memory_space<semaphore_mem>>) src(%dma_wait3A_56 : memref<50000xf32, #tpu.memory_space<hbm>>) dst(%arg8 : memref<50000xf32, #tpu.memory_space<vmem>>)
      tpu.yield
    }) : () -> ()
    "tpu.region"() ({
      %run_scoped3A = tpu.sem_alloc : memref<!tpu.dma_semaphore, #tpu.memory_space<semaphore_mem>>
      tpu.enqueue_dma source(%arg6 : memref<50000xf32, #tpu.memory_space<hbm>>) target(%arg9 : memref<50000xf32, #tpu.memory_space<vmem>>) target_semaphore(%run_scoped3A : memref<!tpu.dma_semaphore, #tpu.memory_space<semaphore_mem>>)
      tpu.wait_dma2 semaphore(%run_scoped3A : memref<!tpu.dma_semaphore, #tpu.memory_space<semaphore_mem>>) src(%arg6 : memref<50000xf32, #tpu.memory_space<hbm>>) dst(%arg9 : memref<50000xf32, #tpu.memory_space<vmem>>)
      tpu.yield
    }) : () -> ()
    %mul3A_4 = arith.constant 10112 : i32
    %mul3A_5 = arith.muli %arg1, %mul3A_4 : i32
    %add3A_6 = arith.constant 0 : i32
    %add3A_7 = arith.addi %mul3A_5, %add3A_6 : i32
    "tpu.region"() ({
      %run_scoped3A = tpu.sem_alloc : memref<!tpu.dma_semaphore, #tpu.memory_space<semaphore_mem>>
      %dma_start3A = tpu.memref_slice %arg3[%add3A_7] : memref<161792xi32, #tpu.memory_space<hbm>> -> memref<5056xi32, #tpu.memory_space<hbm>>
      %dma_start3A_55 = tpu.memref_slice %arg3[%add3A_7] : memref<161792xi32, #tpu.memory_space<hbm>> -> memref<5056xi32, #tpu.memory_space<hbm>>
      tpu.enqueue_dma source(%dma_start3A_55 : memref<5056xi32, #tpu.memory_space<hbm>>) target(%arg10 : memref<5056xi32, #tpu.memory_space<vmem>>) target_semaphore(%run_scoped3A : memref<!tpu.dma_semaphore, #tpu.memory_space<semaphore_mem>>)
      %dma_wait3A = tpu.memref_slice %arg3[%add3A_7] : memref<161792xi32, #tpu.memory_space<hbm>> -> memref<5056xi32, #tpu.memory_space<hbm>>
      %dma_wait3A_56 = tpu.memref_slice %arg3[%add3A_7] : memref<161792xi32, #tpu.memory_space<hbm>> -> memref<5056xi32, #tpu.memory_space<hbm>>
      tpu.wait_dma2 semaphore(%run_scoped3A : memref<!tpu.dma_semaphore, #tpu.memory_space<semaphore_mem>>) src(%dma_wait3A_56 : memref<5056xi32, #tpu.memory_space<hbm>>) dst(%arg10 : memref<5056xi32, #tpu.memory_space<vmem>>)
      tpu.yield
    }) : () -> ()
    "tpu.region"() ({
      %run_scoped3A = tpu.sem_alloc : memref<!tpu.dma_semaphore, #tpu.memory_space<semaphore_mem>>
      %dma_start3A = tpu.memref_slice %arg4[%add3A_7] : memref<161792xi32, #tpu.memory_space<hbm>> -> memref<5056xi32, #tpu.memory_space<hbm>>
      %dma_start3A_55 = tpu.memref_slice %arg4[%add3A_7] : memref<161792xi32, #tpu.memory_space<hbm>> -> memref<5056xi32, #tpu.memory_space<hbm>>
      tpu.enqueue_dma source(%dma_start3A_55 : memref<5056xi32, #tpu.memory_space<hbm>>) target(%arg11 : memref<5056xi32, #tpu.memory_space<vmem>>) target_semaphore(%run_scoped3A : memref<!tpu.dma_semaphore, #tpu.memory_space<semaphore_mem>>)
      %dma_wait3A = tpu.memref_slice %arg4[%add3A_7] : memref<161792xi32, #tpu.memory_space<hbm>> -> memref<5056xi32, #tpu.memory_space<hbm>>
      %dma_wait3A_56 = tpu.memref_slice %arg4[%add3A_7] : memref<161792xi32, #tpu.memory_space<hbm>> -> memref<5056xi32, #tpu.memory_space<hbm>>
      tpu.wait_dma2 semaphore(%run_scoped3A : memref<!tpu.dma_semaphore, #tpu.memory_space<semaphore_mem>>) src(%dma_wait3A_56 : memref<5056xi32, #tpu.memory_space<hbm>>) dst(%arg11 : memref<5056xi32, #tpu.memory_space<vmem>>)
      tpu.yield
    }) : () -> ()
    "tpu.region"() ({
      %run_scoped3A = tpu.sem_alloc : memref<!tpu.dma_semaphore, #tpu.memory_space<semaphore_mem>>
      %dma_start3A = tpu.memref_slice %arg5[%add3A_7] : memref<161792xf32, #tpu.memory_space<hbm>> -> memref<5056xf32, #tpu.memory_space<hbm>>
      %dma_start3A_55 = tpu.memref_slice %arg5[%add3A_7] : memref<161792xf32, #tpu.memory_space<hbm>> -> memref<5056xf32, #tpu.memory_space<hbm>>
      tpu.enqueue_dma source(%dma_start3A_55 : memref<5056xf32, #tpu.memory_space<hbm>>) target(%arg12 : memref<5056xf32, #tpu.memory_space<vmem>>) target_semaphore(%run_scoped3A : memref<!tpu.dma_semaphore, #tpu.memory_space<semaphore_mem>>)
      %dma_wait3A = tpu.memref_slice %arg5[%add3A_7] : memref<161792xf32, #tpu.memory_space<hbm>> -> memref<5056xf32, #tpu.memory_space<hbm>>
      %dma_wait3A_56 = tpu.memref_slice %arg5[%add3A_7] : memref<161792xf32, #tpu.memory_space<hbm>> -> memref<5056xf32, #tpu.memory_space<hbm>>
      tpu.wait_dma2 semaphore(%run_scoped3A : memref<!tpu.dma_semaphore, #tpu.memory_space<semaphore_mem>>) src(%dma_wait3A_56 : memref<5056xf32, #tpu.memory_space<hbm>>) dst(%arg12 : memref<5056xf32, #tpu.memory_space<vmem>>)
      tpu.yield
    }) : () -> ()
    %parallel_loop3A = arith.constant 0 : i32
    %parallel_loop3A_8 = arith.constant 316 : i32
    %parallel_loop3A_9 = arith.constant 1 : i32
    scf.for %parallel_loop3A_55 = %parallel_loop3A to %parallel_loop3A_8 step %parallel_loop3A_9  : i32 {
      %parallel_loop3A_56 = arith.constant 16 : i32
      %parallel_loop3A_57 = arith.muli %parallel_loop3A_55, %parallel_loop3A_56 : i32
      %parallel_loop3A_58 = arith.index_cast %parallel_loop3A_57 : i32 to index
      %parallel_loop3A_59 = tpu.vector_load %arg10[%parallel_loop3A_58] {strides = array<i32>} : memref<5056xi32, #tpu.memory_space<vmem>>, vector<16xi32>,
      %parallel_loop3A_60 = arith.constant 16 : i32
      %parallel_loop3A_61 = arith.muli %parallel_loop3A_55, %parallel_loop3A_60 : i32
      %parallel_loop3A_62 = arith.index_cast %parallel_loop3A_61 : i32 to index
      %parallel_loop3A_63 = tpu.vector_load %arg11[%parallel_loop3A_62] {strides = array<i32>} : memref<5056xi32, #tpu.memory_space<vmem>>, vector<16xi32>,
      %parallel_loop3A_64 = arith.constant 16 : i32
      %parallel_loop3A_65 = arith.muli %parallel_loop3A_55, %parallel_loop3A_64 : i32
      %parallel_loop3A_66 = arith.index_cast %parallel_loop3A_65 : i32 to index
      %parallel_loop3A_67 = tpu.vector_load %arg12[%parallel_loop3A_66] {strides = array<i32>} : memref<5056xf32, #tpu.memory_space<vmem>>, vector<16xf32>,
      %parallel_loop3A_68 = arith.constant 0 : i32
      %parallel_loop3A_69 = vector.broadcast %parallel_loop3A_68 : i32 to vector<16xi32>
      %parallel_loop3A_70 = arith.addi %parallel_loop3A_59, %parallel_loop3A_69 : vector<16xi32>
      %parallel_loop3A_71 = tpu.vector_load_idx %arg8[%parallel_loop3A_70] : memref<50000xf32, #tpu.memory_space<vmem>>[vector<16xi32>], vector<16xf32>,
      %parallel_loop3A_72 = arith.constant 0 : i32
      %parallel_loop3A_73 = vector.broadcast %parallel_loop3A_72 : i32 to vector<16xi32>
      %parallel_loop3A_74 = arith.addi %parallel_loop3A_63, %parallel_loop3A_73 : vector<16xi32>
      %parallel_loop3A_75 = arith.mulf %parallel_loop3A_71, %parallel_loop3A_67 : vector<16xf32>
      tpu.vector_store_idx %arg9[%parallel_loop3A_74], %parallel_loop3A_75 {add = true} : memref<50000xf32, #tpu.memory_space<vmem>>[vector<16xi32>], vector<16xf32>,
      %parallel_loop3A_76 = arith.constant 10000 : i32
      %parallel_loop3A_77 = vector.broadcast %parallel_loop3A_76 : i32 to vector<16xi32>
      %parallel_loop3A_78 = arith.addi %parallel_loop3A_59, %parallel_loop3A_77 : vector<16xi32>
      %parallel_loop3A_79 = tpu.vector_load_idx %arg8[%parallel_loop3A_78] : memref<50000xf32, #tpu.memory_space<vmem>>[vector<16xi32>], vector<16xf32>,
      %parallel_loop3A_80 = arith.constant 10000 : i32
      %parallel_loop3A_81 = vector.broadcast %parallel_loop3A_80 : i32 to vector<16xi32>
      %parallel_loop3A_82 = arith.addi %parallel_loop3A_63, %parallel_loop3A_81 : vector<16xi32>
      %parallel_loop3A_83 = arith.mulf %parallel_loop3A_79, %parallel_loop3A_67 : vector<16xf32>
      tpu.vector_store_idx %arg9[%parallel_loop3A_82], %parallel_loop3A_83 {add = true} : memref<50000xf32, #tpu.memory_space<vmem>>[vector<16xi32>], vector<16xf32>,
      %parallel_loop3A_84 = arith.constant 20000 : i32
      %parallel_loop3A_85 = vector.broadcast %parallel_loop3A_84 : i32 to vector<16xi32>
      %parallel_loop3A_86 = arith.addi %parallel_loop3A_59, %parallel_loop3A_85 : vector<16xi32>
      %parallel_loop3A_87 = tpu.vector_load_idx %arg8[%parallel_loop3A_86] : memref<50000xf32, #tpu.memory_space<vmem>>[vector<16xi32>], vector<16xf32>,
      %parallel_loop3A_88 = arith.constant 20000 : i32
      %parallel_loop3A_89 = vector.broadcast %parallel_loop3A_88 : i32 to vector<16xi32>
      %parallel_loop3A_90 = arith.addi %parallel_loop3A_63, %parallel_loop3A_89 : vector<16xi32>
      %parallel_loop3A_91 = arith.mulf %parallel_loop3A_87, %parallel_loop3A_67 : vector<16xf32>
      tpu.vector_store_idx %arg9[%parallel_loop3A_90], %parallel_loop3A_91 {add = true} : memref<50000xf32, #tpu.memory_space<vmem>>[vector<16xi32>], vector<16xf32>,
      %parallel_loop3A_92 = arith.constant 30000 : i32
      %parallel_loop3A_93 = vector.broadcast %parallel_loop3A_92 : i32 to vector<16xi32>
      %parallel_loop3A_94 = arith.addi %parallel_loop3A_59, %parallel_loop3A_93 : vector<16xi32>
      %parallel_loop3A_95 = tpu.vector_load_idx %arg8[%parallel_loop3A_94] : memref<50000xf32, #tpu.memory_space<vmem>>[vector<16xi32>], vector<16xf32>,
      %parallel_loop3A_96 = arith.constant 30000 : i32
      %parallel_loop3A_97 = vector.broadcast %parallel_loop3A_96 : i32 to vector<16xi32>
      %parallel_loop3A_98 = arith.addi %parallel_loop3A_63, %parallel_loop3A_97 : vector<16xi32>
      %parallel_loop3A_99 = arith.mulf %parallel_loop3A_95, %parallel_loop3A_67 : vector<16xf32>
      tpu.vector_store_idx %arg9[%parallel_loop3A_98], %parallel_loop3A_99 {add = true} : memref<50000xf32, #tpu.memory_space<vmem>>[vector<16xi32>], vector<16xf32>,
      %parallel_loop3A_100 = arith.constant 40000 : i32
      %parallel_loop3A_101 = vector.broadcast %parallel_loop3A_100 : i32 to vector<16xi32>
      %parallel_loop3A_102 = arith.addi %parallel_loop3A_59, %parallel_loop3A_101 : vector<16xi32>
      %parallel_loop3A_103 = tpu.vector_load_idx %arg8[%parallel_loop3A_102] : memref<50000xf32, #tpu.memory_space<vmem>>[vector<16xi32>], vector<16xf32>,
      %parallel_loop3A_104 = arith.constant 40000 : i32
      %parallel_loop3A_105 = vector.broadcast %parallel_loop3A_104 : i32 to vector<16xi32>
      %parallel_loop3A_106 = arith.addi %parallel_loop3A_63, %parallel_loop3A_105 : vector<16xi32>
      %parallel_loop3A_107 = arith.mulf %parallel_loop3A_103, %parallel_loop3A_67 : vector<16xf32>
      tpu.vector_store_idx %arg9[%parallel_loop3A_106], %parallel_loop3A_107 {add = true} : memref<50000xf32, #tpu.memory_space<vmem>>[vector<16xi32>], vector<16xf32>,
    } {sc.loop_unroll_factor = 4 : i64, sc.parallel_access}
    %mul3A_10 = arith.constant 10112 : i32
    %mul3A_11 = arith.muli %arg1, %mul3A_10 : i32
    %add3A_12 = arith.constant 5056 : i32
    %add3A_13 = arith.addi %mul3A_11, %add3A_12 : i32
    "tpu.region"() ({
      %run_scoped3A = tpu.sem_alloc : memref<!tpu.dma_semaphore, #tpu.memory_space<semaphore_mem>>
      %dma_start3A = tpu.memref_slice %arg3[%add3A_13] : memref<161792xi32, #tpu.memory_space<hbm>> -> memref<5056xi32, #tpu.memory_space<hbm>>
      %dma_start3A_55 = tpu.memref_slice %arg3[%add3A_13] : memref<161792xi32, #tpu.memory_space<hbm>> -> memref<5056xi32, #tpu.memory_space<hbm>>
      tpu.enqueue_dma source(%dma_start3A_55 : memref<5056xi32, #tpu.memory_space<hbm>>) target(%arg10 : memref<5056xi32, #tpu.memory_space<vmem>>) target_semaphore(%run_scoped3A : memref<!tpu.dma_semaphore, #tpu.memory_space<semaphore_mem>>)
      %dma_wait3A = tpu.memref_slice %arg3[%add3A_13] : memref<161792xi32, #tpu.memory_space<hbm>> -> memref<5056xi32, #tpu.memory_space<hbm>>
      %dma_wait3A_56 = tpu.memref_slice %arg3[%add3A_13] : memref<161792xi32, #tpu.memory_space<hbm>> -> memref<5056xi32, #tpu.memory_space<hbm>>
      tpu.wait_dma2 semaphore(%run_scoped3A : memref<!tpu.dma_semaphore, #tpu.memory_space<semaphore_mem>>) src(%dma_wait3A_56 : memref<5056xi32, #tpu.memory_space<hbm>>) dst(%arg10 : memref<5056xi32, #tpu.memory_space<vmem>>)
      tpu.yield
    }) : () -> ()
    "tpu.region"() ({
      %run_scoped3A = tpu.sem_alloc : memref<!tpu.dma_semaphore, #tpu.memory_space<semaphore_mem>>
      %dma_start3A = tpu.memref_slice %arg4[%add3A_13] : memref<161792xi32, #tpu.memory_space<hbm>> -> memref<5056xi32, #tpu.memory_space<hbm>>
      %dma_start3A_55 = tpu.memref_slice %arg4[%add3A_13] : memref<161792xi32, #tpu.memory_space<hbm>> -> memref<5056xi32, #tpu.memory_space<hbm>>
      tpu.enqueue_dma source(%dma_start3A_55 : memref<5056xi32, #tpu.memory_space<hbm>>) target(%arg11 : memref<5056xi32, #tpu.memory_space<vmem>>) target_semaphore(%run_scoped3A : memref<!tpu.dma_semaphore, #tpu.memory_space<semaphore_mem>>)
      %dma_wait3A = tpu.memref_slice %arg4[%add3A_13] : memref<161792xi32, #tpu.memory_space<hbm>> -> memref<5056xi32, #tpu.memory_space<hbm>>
      %dma_wait3A_56 = tpu.memref_slice %arg4[%add3A_13] : memref<161792xi32, #tpu.memory_space<hbm>> -> memref<5056xi32, #tpu.memory_space<hbm>>
      tpu.wait_dma2 semaphore(%run_scoped3A : memref<!tpu.dma_semaphore, #tpu.memory_space<semaphore_mem>>) src(%dma_wait3A_56 : memref<5056xi32, #tpu.memory_space<hbm>>) dst(%arg11 : memref<5056xi32, #tpu.memory_space<vmem>>)
      tpu.yield
    }) : () -> ()
    "tpu.region"() ({
      %run_scoped3A = tpu.sem_alloc : memref<!tpu.dma_semaphore, #tpu.memory_space<semaphore_mem>>
      %dma_start3A = tpu.memref_slice %arg5[%add3A_13] : memref<161792xf32, #tpu.memory_space<hbm>> -> memref<5056xf32, #tpu.memory_space<hbm>>
      %dma_start3A_55 = tpu.memref_slice %arg5[%add3A_13] : memref<161792xf32, #tpu.memory_space<hbm>> -> memref<5056xf32, #tpu.memory_space<hbm>>
      tpu.enqueue_dma source(%dma_start3A_55 : memref<5056xf32, #tpu.memory_space<hbm>>) target(%arg12 : memref<5056xf32, #tpu.memory_space<vmem>>) target_semaphore(%run_scoped3A : memref<!tpu.dma_semaphore, #tpu.memory_space<semaphore_mem>>)
      %dma_wait3A = tpu.memref_slice %arg5[%add3A_13] : memref<161792xf32, #tpu.memory_space<hbm>> -> memref<5056xf32, #tpu.memory_space<hbm>>
      %dma_wait3A_56 = tpu.memref_slice %arg5[%add3A_13] : memref<161792xf32, #tpu.memory_space<hbm>> -> memref<5056xf32, #tpu.memory_space<hbm>>
      tpu.wait_dma2 semaphore(%run_scoped3A : memref<!tpu.dma_semaphore, #tpu.memory_space<semaphore_mem>>) src(%dma_wait3A_56 : memref<5056xf32, #tpu.memory_space<hbm>>) dst(%arg12 : memref<5056xf32, #tpu.memory_space<vmem>>)
      tpu.yield
    }) : () -> ()
    %parallel_loop3A_14 = arith.constant 0 : i32
    %parallel_loop3A_15 = arith.constant 316 : i32
    %parallel_loop3A_16 = arith.constant 1 : i32
    scf.for %parallel_loop3A_55 = %parallel_loop3A_14 to %parallel_loop3A_15 step %parallel_loop3A_16  : i32 {
      %parallel_loop3A_56 = arith.constant 16 : i32
      %parallel_loop3A_57 = arith.muli %parallel_loop3A_55, %parallel_loop3A_56 : i32
      %parallel_loop3A_58 = arith.index_cast %parallel_loop3A_57 : i32 to index
      %parallel_loop3A_59 = tpu.vector_load %arg10[%parallel_loop3A_58] {strides = array<i32>} : memref<5056xi32, #tpu.memory_space<vmem>>, vector<16xi32>,
      %parallel_loop3A_60 = arith.constant 16 : i32
      %parallel_loop3A_61 = arith.muli %parallel_loop3A_55, %parallel_loop3A_60 : i32
      %parallel_loop3A_62 = arith.index_cast %parallel_loop3A_61 : i32 to index
      %parallel_loop3A_63 = tpu.vector_load %arg11[%parallel_loop3A_62] {strides = array<i32>} : memref<5056xi32, #tpu.memory_space<vmem>>, vector<16xi32>,
      %parallel_loop3A_64 = arith.constant 16 : i32
      %parallel_loop3A_65 = arith.muli %parallel_loop3A_55, %parallel_loop3A_64 : i32
      %parallel_loop3A_66 = arith.index_cast %parallel_loop3A_65 : i32 to index
      %parallel_loop3A_67 = tpu.vector_load %arg12[%parallel_loop3A_66] {strides = array<i32>} : memref<5056xf32, #tpu.memory_space<vmem>>, vector<16xf32>,
      %parallel_loop3A_68 = arith.constant 0 : i32
      %parallel_loop3A_69 = vector.broadcast %parallel_loop3A_68 : i32 to vector<16xi32>
      %parallel_loop3A_70 = arith.addi %parallel_loop3A_59, %parallel_loop3A_69 : vector<16xi32>
      %parallel_loop3A_71 = tpu.vector_load_idx %arg8[%parallel_loop3A_70] : memref<50000xf32, #tpu.memory_space<vmem>>[vector<16xi32>], vector<16xf32>,
      %parallel_loop3A_72 = arith.constant 0 : i32
      %parallel_loop3A_73 = vector.broadcast %parallel_loop3A_72 : i32 to vector<16xi32>
      %parallel_loop3A_74 = arith.addi %parallel_loop3A_63, %parallel_loop3A_73 : vector<16xi32>
      %parallel_loop3A_75 = arith.mulf %parallel_loop3A_71, %parallel_loop3A_67 : vector<16xf32>
      tpu.vector_store_idx %arg9[%parallel_loop3A_74], %parallel_loop3A_75 {add = true} : memref<50000xf32, #tpu.memory_space<vmem>>[vector<16xi32>], vector<16xf32>,
      %parallel_loop3A_76 = arith.constant 10000 : i32
      %parallel_loop3A_77 = vector.broadcast %parallel_loop3A_76 : i32 to vector<16xi32>
      %parallel_loop3A_78 = arith.addi %parallel_loop3A_59, %parallel_loop3A_77 : vector<16xi32>
      %parallel_loop3A_79 = tpu.vector_load_idx %arg8[%parallel_loop3A_78] : memref<50000xf32, #tpu.memory_space<vmem>>[vector<16xi32>], vector<16xf32>,
      %parallel_loop3A_80 = arith.constant 10000 : i32
      %parallel_loop3A_81 = vector.broadcast %parallel_loop3A_80 : i32 to vector<16xi32>
      %parallel_loop3A_82 = arith.addi %parallel_loop3A_63, %parallel_loop3A_81 : vector<16xi32>
      %parallel_loop3A_83 = arith.mulf %parallel_loop3A_79, %parallel_loop3A_67 : vector<16xf32>
      tpu.vector_store_idx %arg9[%parallel_loop3A_82], %parallel_loop3A_83 {add = true} : memref<50000xf32, #tpu.memory_space<vmem>>[vector<16xi32>], vector<16xf32>,
      %parallel_loop3A_84 = arith.constant 20000 : i32
      %parallel_loop3A_85 = vector.broadcast %parallel_loop3A_84 : i32 to vector<16xi32>
      %parallel_loop3A_86 = arith.addi %parallel_loop3A_59, %parallel_loop3A_85 : vector<16xi32>
      %parallel_loop3A_87 = tpu.vector_load_idx %arg8[%parallel_loop3A_86] : memref<50000xf32, #tpu.memory_space<vmem>>[vector<16xi32>], vector<16xf32>,
      %parallel_loop3A_88 = arith.constant 20000 : i32
      %parallel_loop3A_89 = vector.broadcast %parallel_loop3A_88 : i32 to vector<16xi32>
      %parallel_loop3A_90 = arith.addi %parallel_loop3A_63, %parallel_loop3A_89 : vector<16xi32>
      %parallel_loop3A_91 = arith.mulf %parallel_loop3A_87, %parallel_loop3A_67 : vector<16xf32>
      tpu.vector_store_idx %arg9[%parallel_loop3A_90], %parallel_loop3A_91 {add = true} : memref<50000xf32, #tpu.memory_space<vmem>>[vector<16xi32>], vector<16xf32>,
      %parallel_loop3A_92 = arith.constant 30000 : i32
      %parallel_loop3A_93 = vector.broadcast %parallel_loop3A_92 : i32 to vector<16xi32>
      %parallel_loop3A_94 = arith.addi %parallel_loop3A_59, %parallel_loop3A_93 : vector<16xi32>
      %parallel_loop3A_95 = tpu.vector_load_idx %arg8[%parallel_loop3A_94] : memref<50000xf32, #tpu.memory_space<vmem>>[vector<16xi32>], vector<16xf32>,
      %parallel_loop3A_96 = arith.constant 30000 : i32
      %parallel_loop3A_97 = vector.broadcast %parallel_loop3A_96 : i32 to vector<16xi32>
      %parallel_loop3A_98 = arith.addi %parallel_loop3A_63, %parallel_loop3A_97 : vector<16xi32>
      %parallel_loop3A_99 = arith.mulf %parallel_loop3A_95, %parallel_loop3A_67 : vector<16xf32>
      tpu.vector_store_idx %arg9[%parallel_loop3A_98], %parallel_loop3A_99 {add = true} : memref<50000xf32, #tpu.memory_space<vmem>>[vector<16xi32>], vector<16xf32>,
      %parallel_loop3A_100 = arith.constant 40000 : i32
      %parallel_loop3A_101 = vector.broadcast %parallel_loop3A_100 : i32 to vector<16xi32>
      %parallel_loop3A_102 = arith.addi %parallel_loop3A_59, %parallel_loop3A_101 : vector<16xi32>
      %parallel_loop3A_103 = tpu.vector_load_idx %arg8[%parallel_loop3A_102] : memref<50000xf32, #tpu.memory_space<vmem>>[vector<16xi32>], vector<16xf32>,
      %parallel_loop3A_104 = arith.constant 40000 : i32
      %parallel_loop3A_105 = vector.broadcast %parallel_loop3A_104 : i32 to vector<16xi32>
      %parallel_loop3A_106 = arith.addi %parallel_loop3A_63, %parallel_loop3A_105 : vector<16xi32>
      %parallel_loop3A_107 = arith.mulf %parallel_loop3A_103, %parallel_loop3A_67 : vector<16xf32>
      tpu.vector_store_idx %arg9[%parallel_loop3A_106], %parallel_loop3A_107 {add = true} : memref<50000xf32, #tpu.memory_space<vmem>>[vector<16xi32>], vector<16xf32>,
    } {sc.loop_unroll_factor = 4 : i64, sc.parallel_access}
    %mul3A_17 = arith.constant 16 : i32
    %mul3A_18 = arith.muli %arg0, %mul3A_17 : i32
    %add3A_19 = arith.addi %mul3A_18, %arg1 : i32
    %mul3A_20 = arith.constant 2 : i32
    %mul3A_21 = arith.muli %add3A_19, %mul3A_20 : i32
    %add3A_22 = arith.constant 0 : i32
    %add3A_23 = arith.addi %mul3A_21, %add3A_22 : i32
    %mul3A_24 = arith.constant 50000 : i32
    %mul3A_25 = arith.muli %add3A_23, %mul3A_24 : i32
    "tpu.region"() ({
      %run_scoped3A = tpu.sem_alloc : memref<!tpu.dma_semaphore, #tpu.memory_space<semaphore_mem>>
      %dma_start3A = tpu.memref_slice %arg7[%mul3A_25] : memref<3200000xf32, #tpu.memory_space<hbm>> -> memref<50000xf32, #tpu.memory_space<hbm>>
      %dma_start3A_55 = tpu.memref_slice %arg7[%mul3A_25] : memref<3200000xf32, #tpu.memory_space<hbm>> -> memref<50000xf32, #tpu.memory_space<hbm>>
      tpu.enqueue_dma source(%arg9 : memref<50000xf32, #tpu.memory_space<vmem>>) target(%dma_start3A_55 : memref<50000xf32, #tpu.memory_space<hbm>>) target_semaphore(%run_scoped3A : memref<!tpu.dma_semaphore, #tpu.memory_space<semaphore_mem>>)
      %dma_wait3A = tpu.memref_slice %arg7[%mul3A_25] : memref<3200000xf32, #tpu.memory_space<hbm>> -> memref<50000xf32, #tpu.memory_space<hbm>>
      %dma_wait3A_56 = tpu.memref_slice %arg7[%mul3A_25] : memref<3200000xf32, #tpu.memory_space<hbm>> -> memref<50000xf32, #tpu.memory_space<hbm>>
      tpu.wait_dma2 semaphore(%run_scoped3A : memref<!tpu.dma_semaphore, #tpu.memory_space<semaphore_mem>>) src(%arg9 : memref<50000xf32, #tpu.memory_space<vmem>>) dst(%dma_wait3A_56 : memref<50000xf32, #tpu.memory_space<hbm>>)
      tpu.yield
    }) : () -> ()
    %mul3A_26 = arith.constant 10 : i32
    %mul3A_27 = arith.muli %arg0, %mul3A_26 : i32
    %mul3A_28 = arith.constant 10000 : i32
    %mul3A_29 = arith.muli %mul3A_27, %mul3A_28 : i32
    %add3A_30 = arith.constant 50000 : i32
    %add3A_31 = arith.addi %mul3A_29, %add3A_30 : i32
    "tpu.region"() ({
      %run_scoped3A = tpu.sem_alloc : memref<!tpu.dma_semaphore, #tpu.memory_space<semaphore_mem>>
      %dma_start3A = tpu.memref_slice %arg2[%add3A_31] : memref<200000xf32, #tpu.memory_space<hbm>> -> memref<50000xf32, #tpu.memory_space<hbm>>
      %dma_start3A_55 = tpu.memref_slice %arg2[%add3A_31] : memref<200000xf32, #tpu.memory_space<hbm>> -> memref<50000xf32, #tpu.memory_space<hbm>>
      tpu.enqueue_dma source(%dma_start3A_55 : memref<50000xf32, #tpu.memory_space<hbm>>) target(%arg8 : memref<50000xf32, #tpu.memory_space<vmem>>) target_semaphore(%run_scoped3A : memref<!tpu.dma_semaphore, #tpu.memory_space<semaphore_mem>>)
      %dma_wait3A = tpu.memref_slice %arg2[%add3A_31] : memref<200000xf32, #tpu.memory_space<hbm>> -> memref<50000xf32, #tpu.memory_space<hbm>>
      %dma_wait3A_56 = tpu.memref_slice %arg2[%add3A_31] : memref<200000xf32, #tpu.memory_space<hbm>> -> memref<50000xf32, #tpu.memory_space<hbm>>
      tpu.wait_dma2 semaphore(%run_scoped3A : memref<!tpu.dma_semaphore, #tpu.memory_space<semaphore_mem>>) src(%dma_wait3A_56 : memref<50000xf32, #tpu.memory_space<hbm>>) dst(%arg8 : memref<50000xf32, #tpu.memory_space<vmem>>)
      tpu.yield
    }) : () -> ()
    "tpu.region"() ({
      %run_scoped3A = tpu.sem_alloc : memref<!tpu.dma_semaphore, #tpu.memory_space<semaphore_mem>>
      tpu.enqueue_dma source(%arg6 : memref<50000xf32, #tpu.memory_space<hbm>>) target(%arg9 : memref<50000xf32, #tpu.memory_space<vmem>>) target_semaphore(%run_scoped3A : memref<!tpu.dma_semaphore, #tpu.memory_space<semaphore_mem>>)
      tpu.wait_dma2 semaphore(%run_scoped3A : memref<!tpu.dma_semaphore, #tpu.memory_space<semaphore_mem>>) src(%arg6 : memref<50000xf32, #tpu.memory_space<hbm>>) dst(%arg9 : memref<50000xf32, #tpu.memory_space<vmem>>)
      tpu.yield
    }) : () -> ()
    %mul3A_32 = arith.constant 10112 : i32
    %mul3A_33 = arith.muli %arg1, %mul3A_32 : i32
    %add3A_34 = arith.constant 0 : i32
    %add3A_35 = arith.addi %mul3A_33, %add3A_34 : i32
    "tpu.region"() ({
      %run_scoped3A = tpu.sem_alloc : memref<!tpu.dma_semaphore, #tpu.memory_space<semaphore_mem>>
      %dma_start3A = tpu.memref_slice %arg3[%add3A_35] : memref<161792xi32, #tpu.memory_space<hbm>> -> memref<5056xi32, #tpu.memory_space<hbm>>
      %dma_start3A_55 = tpu.memref_slice %arg3[%add3A_35] : memref<161792xi32, #tpu.memory_space<hbm>> -> memref<5056xi32, #tpu.memory_space<hbm>>
      tpu.enqueue_dma source(%dma_start3A_55 : memref<5056xi32, #tpu.memory_space<hbm>>) target(%arg10 : memref<5056xi32, #tpu.memory_space<vmem>>) target_semaphore(%run_scoped3A : memref<!tpu.dma_semaphore, #tpu.memory_space<semaphore_mem>>)
      %dma_wait3A = tpu.memref_slice %arg3[%add3A_35] : memref<161792xi32, #tpu.memory_space<hbm>> -> memref<5056xi32, #tpu.memory_space<hbm>>
      %dma_wait3A_56 = tpu.memref_slice %arg3[%add3A_35] : memref<161792xi32, #tpu.memory_space<hbm>> -> memref<5056xi32, #tpu.memory_space<hbm>>
      tpu.wait_dma2 semaphore(%run_scoped3A : memref<!tpu.dma_semaphore, #tpu.memory_space<semaphore_mem>>) src(%dma_wait3A_56 : memref<5056xi32, #tpu.memory_space<hbm>>) dst(%arg10 : memref<5056xi32, #tpu.memory_space<vmem>>)
      tpu.yield
    }) : () -> ()
    "tpu.region"() ({
      %run_scoped3A = tpu.sem_alloc : memref<!tpu.dma_semaphore, #tpu.memory_space<semaphore_mem>>
      %dma_start3A = tpu.memref_slice %arg4[%add3A_35] : memref<161792xi32, #tpu.memory_space<hbm>> -> memref<5056xi32, #tpu.memory_space<hbm>>
      %dma_start3A_55 = tpu.memref_slice %arg4[%add3A_35] : memref<161792xi32, #tpu.memory_space<hbm>> -> memref<5056xi32, #tpu.memory_space<hbm>>
      tpu.enqueue_dma source(%dma_start3A_55 : memref<5056xi32, #tpu.memory_space<hbm>>) target(%arg11 : memref<5056xi32, #tpu.memory_space<vmem>>) target_semaphore(%run_scoped3A : memref<!tpu.dma_semaphore, #tpu.memory_space<semaphore_mem>>)
      %dma_wait3A = tpu.memref_slice %arg4[%add3A_35] : memref<161792xi32, #tpu.memory_space<hbm>> -> memref<5056xi32, #tpu.memory_space<hbm>>
      %dma_wait3A_56 = tpu.memref_slice %arg4[%add3A_35] : memref<161792xi32, #tpu.memory_space<hbm>> -> memref<5056xi32, #tpu.memory_space<hbm>>
      tpu.wait_dma2 semaphore(%run_scoped3A : memref<!tpu.dma_semaphore, #tpu.memory_space<semaphore_mem>>) src(%dma_wait3A_56 : memref<5056xi32, #tpu.memory_space<hbm>>) dst(%arg11 : memref<5056xi32, #tpu.memory_space<vmem>>)
      tpu.yield
    }) : () -> ()
    "tpu.region"() ({
      %run_scoped3A = tpu.sem_alloc : memref<!tpu.dma_semaphore, #tpu.memory_space<semaphore_mem>>
      %dma_start3A = tpu.memref_slice %arg5[%add3A_35] : memref<161792xf32, #tpu.memory_space<hbm>> -> memref<5056xf32, #tpu.memory_space<hbm>>
      %dma_start3A_55 = tpu.memref_slice %arg5[%add3A_35] : memref<161792xf32, #tpu.memory_space<hbm>> -> memref<5056xf32, #tpu.memory_space<hbm>>
      tpu.enqueue_dma source(%dma_start3A_55 : memref<5056xf32, #tpu.memory_space<hbm>>) target(%arg12 : memref<5056xf32, #tpu.memory_space<vmem>>) target_semaphore(%run_scoped3A : memref<!tpu.dma_semaphore, #tpu.memory_space<semaphore_mem>>)
      %dma_wait3A = tpu.memref_slice %arg5[%add3A_35] : memref<161792xf32, #tpu.memory_space<hbm>> -> memref<5056xf32, #tpu.memory_space<hbm>>
      %dma_wait3A_56 = tpu.memref_slice %arg5[%add3A_35] : memref<161792xf32, #tpu.memory_space<hbm>> -> memref<5056xf32, #tpu.memory_space<hbm>>
      tpu.wait_dma2 semaphore(%run_scoped3A : memref<!tpu.dma_semaphore, #tpu.memory_space<semaphore_mem>>) src(%dma_wait3A_56 : memref<5056xf32, #tpu.memory_space<hbm>>) dst(%arg12 : memref<5056xf32, #tpu.memory_space<vmem>>)
      tpu.yield
    }) : () -> ()
    %parallel_loop3A_36 = arith.constant 0 : i32
    %parallel_loop3A_37 = arith.constant 316 : i32
    %parallel_loop3A_38 = arith.constant 1 : i32
    scf.for %parallel_loop3A_55 = %parallel_loop3A_36 to %parallel_loop3A_37 step %parallel_loop3A_38  : i32 {
      %parallel_loop3A_56 = arith.constant 16 : i32
      %parallel_loop3A_57 = arith.muli %parallel_loop3A_55, %parallel_loop3A_56 : i32
      %parallel_loop3A_58 = arith.index_cast %parallel_loop3A_57 : i32 to index
      %parallel_loop3A_59 = tpu.vector_load %arg10[%parallel_loop3A_58] {strides = array<i32>} : memref<5056xi32, #tpu.memory_space<vmem>>, vector<16xi32>,
      %parallel_loop3A_60 = arith.constant 16 : i32
      %parallel_loop3A_61 = arith.muli %parallel_loop3A_55, %parallel_loop3A_60 : i32
      %parallel_loop3A_62 = arith.index_cast %parallel_loop3A_61 : i32 to index
      %parallel_loop3A_63 = tpu.vector_load %arg11[%parallel_loop3A_62] {strides = array<i32>} : memref<5056xi32, #tpu.memory_space<vmem>>, vector<16xi32>,
      %parallel_loop3A_64 = arith.constant 16 : i32
      %parallel_loop3A_65 = arith.muli %parallel_loop3A_55, %parallel_loop3A_64 : i32
      %parallel_loop3A_66 = arith.index_cast %parallel_loop3A_65 : i32 to index
      %parallel_loop3A_67 = tpu.vector_load %arg12[%parallel_loop3A_66] {strides = array<i32>} : memref<5056xf32, #tpu.memory_space<vmem>>, vector<16xf32>,
      %parallel_loop3A_68 = arith.constant 0 : i32
      %parallel_loop3A_69 = vector.broadcast %parallel_loop3A_68 : i32 to vector<16xi32>
      %parallel_loop3A_70 = arith.addi %parallel_loop3A_59, %parallel_loop3A_69 : vector<16xi32>
      %parallel_loop3A_71 = tpu.vector_load_idx %arg8[%parallel_loop3A_70] : memref<50000xf32, #tpu.memory_space<vmem>>[vector<16xi32>], vector<16xf32>,
      %parallel_loop3A_72 = arith.constant 0 : i32
      %parallel_loop3A_73 = vector.broadcast %parallel_loop3A_72 : i32 to vector<16xi32>
      %parallel_loop3A_74 = arith.addi %parallel_loop3A_63, %parallel_loop3A_73 : vector<16xi32>
      %parallel_loop3A_75 = arith.mulf %parallel_loop3A_71, %parallel_loop3A_67 : vector<16xf32>
      tpu.vector_store_idx %arg9[%parallel_loop3A_74], %parallel_loop3A_75 {add = true} : memref<50000xf32, #tpu.memory_space<vmem>>[vector<16xi32>], vector<16xf32>,
      %parallel_loop3A_76 = arith.constant 10000 : i32
      %parallel_loop3A_77 = vector.broadcast %parallel_loop3A_76 : i32 to vector<16xi32>
      %parallel_loop3A_78 = arith.addi %parallel_loop3A_59, %parallel_loop3A_77 : vector<16xi32>
      %parallel_loop3A_79 = tpu.vector_load_idx %arg8[%parallel_loop3A_78] : memref<50000xf32, #tpu.memory_space<vmem>>[vector<16xi32>], vector<16xf32>,
      %parallel_loop3A_80 = arith.constant 10000 : i32
      %parallel_loop3A_81 = vector.broadcast %parallel_loop3A_80 : i32 to vector<16xi32>
      %parallel_loop3A_82 = arith.addi %parallel_loop3A_63, %parallel_loop3A_81 : vector<16xi32>
      %parallel_loop3A_83 = arith.mulf %parallel_loop3A_79, %parallel_loop3A_67 : vector<16xf32>
      tpu.vector_store_idx %arg9[%parallel_loop3A_82], %parallel_loop3A_83 {add = true} : memref<50000xf32, #tpu.memory_space<vmem>>[vector<16xi32>], vector<16xf32>,
      %parallel_loop3A_84 = arith.constant 20000 : i32
      %parallel_loop3A_85 = vector.broadcast %parallel_loop3A_84 : i32 to vector<16xi32>
      %parallel_loop3A_86 = arith.addi %parallel_loop3A_59, %parallel_loop3A_85 : vector<16xi32>
      %parallel_loop3A_87 = tpu.vector_load_idx %arg8[%parallel_loop3A_86] : memref<50000xf32, #tpu.memory_space<vmem>>[vector<16xi32>], vector<16xf32>,
      %parallel_loop3A_88 = arith.constant 20000 : i32
      %parallel_loop3A_89 = vector.broadcast %parallel_loop3A_88 : i32 to vector<16xi32>
      %parallel_loop3A_90 = arith.addi %parallel_loop3A_63, %parallel_loop3A_89 : vector<16xi32>
      %parallel_loop3A_91 = arith.mulf %parallel_loop3A_87, %parallel_loop3A_67 : vector<16xf32>
      tpu.vector_store_idx %arg9[%parallel_loop3A_90], %parallel_loop3A_91 {add = true} : memref<50000xf32, #tpu.memory_space<vmem>>[vector<16xi32>], vector<16xf32>,
      %parallel_loop3A_92 = arith.constant 30000 : i32
      %parallel_loop3A_93 = vector.broadcast %parallel_loop3A_92 : i32 to vector<16xi32>
      %parallel_loop3A_94 = arith.addi %parallel_loop3A_59, %parallel_loop3A_93 : vector<16xi32>
      %parallel_loop3A_95 = tpu.vector_load_idx %arg8[%parallel_loop3A_94] : memref<50000xf32, #tpu.memory_space<vmem>>[vector<16xi32>], vector<16xf32>,
      %parallel_loop3A_96 = arith.constant 30000 : i32
      %parallel_loop3A_97 = vector.broadcast %parallel_loop3A_96 : i32 to vector<16xi32>
      %parallel_loop3A_98 = arith.addi %parallel_loop3A_63, %parallel_loop3A_97 : vector<16xi32>
      %parallel_loop3A_99 = arith.mulf %parallel_loop3A_95, %parallel_loop3A_67 : vector<16xf32>
      tpu.vector_store_idx %arg9[%parallel_loop3A_98], %parallel_loop3A_99 {add = true} : memref<50000xf32, #tpu.memory_space<vmem>>[vector<16xi32>], vector<16xf32>,
      %parallel_loop3A_100 = arith.constant 40000 : i32
      %parallel_loop3A_101 = vector.broadcast %parallel_loop3A_100 : i32 to vector<16xi32>
      %parallel_loop3A_102 = arith.addi %parallel_loop3A_59, %parallel_loop3A_101 : vector<16xi32>
      %parallel_loop3A_103 = tpu.vector_load_idx %arg8[%parallel_loop3A_102] : memref<50000xf32, #tpu.memory_space<vmem>>[vector<16xi32>], vector<16xf32>,
      %parallel_loop3A_104 = arith.constant 40000 : i32
      %parallel_loop3A_105 = vector.broadcast %parallel_loop3A_104 : i32 to vector<16xi32>
      %parallel_loop3A_106 = arith.addi %parallel_loop3A_63, %parallel_loop3A_105 : vector<16xi32>
      %parallel_loop3A_107 = arith.mulf %parallel_loop3A_103, %parallel_loop3A_67 : vector<16xf32>
      tpu.vector_store_idx %arg9[%parallel_loop3A_106], %parallel_loop3A_107 {add = true} : memref<50000xf32, #tpu.memory_space<vmem>>[vector<16xi32>], vector<16xf32>,
    } {sc.loop_unroll_factor = 4 : i64, sc.parallel_access}
    %mul3A_39 = arith.constant 10112 : i32
    %mul3A_40 = arith.muli %arg1, %mul3A_39 : i32
    %add3A_41 = arith.constant 5056 : i32
    %add3A_42 = arith.addi %mul3A_40, %add3A_41 : i32
    "tpu.region"() ({
      %run_scoped3A = tpu.sem_alloc : memref<!tpu.dma_semaphore, #tpu.memory_space<semaphore_mem>>
      %dma_start3A = tpu.memref_slice %arg3[%add3A_42] : memref<161792xi32, #tpu.memory_space<hbm>> -> memref<5056xi32, #tpu.memory_space<hbm>>
      %dma_start3A_55 = tpu.memref_slice %arg3[%add3A_42] : memref<161792xi32, #tpu.memory_space<hbm>> -> memref<5056xi32, #tpu.memory_space<hbm>>
      tpu.enqueue_dma source(%dma_start3A_55 : memref<5056xi32, #tpu.memory_space<hbm>>) target(%arg10 : memref<5056xi32, #tpu.memory_space<vmem>>) target_semaphore(%run_scoped3A : memref<!tpu.dma_semaphore, #tpu.memory_space<semaphore_mem>>)
      %dma_wait3A = tpu.memref_slice %arg3[%add3A_42] : memref<161792xi32, #tpu.memory_space<hbm>> -> memref<5056xi32, #tpu.memory_space<hbm>>
      %dma_wait3A_56 = tpu.memref_slice %arg3[%add3A_42] : memref<161792xi32, #tpu.memory_space<hbm>> -> memref<5056xi32, #tpu.memory_space<hbm>>
      tpu.wait_dma2 semaphore(%run_scoped3A : memref<!tpu.dma_semaphore, #tpu.memory_space<semaphore_mem>>) src(%dma_wait3A_56 : memref<5056xi32, #tpu.memory_space<hbm>>) dst(%arg10 : memref<5056xi32, #tpu.memory_space<vmem>>)
      tpu.yield
    }) : () -> ()
    "tpu.region"() ({
      %run_scoped3A = tpu.sem_alloc : memref<!tpu.dma_semaphore, #tpu.memory_space<semaphore_mem>>
      %dma_start3A = tpu.memref_slice %arg4[%add3A_42] : memref<161792xi32, #tpu.memory_space<hbm>> -> memref<5056xi32, #tpu.memory_space<hbm>>
      %dma_start3A_55 = tpu.memref_slice %arg4[%add3A_42] : memref<161792xi32, #tpu.memory_space<hbm>> -> memref<5056xi32, #tpu.memory_space<hbm>>
      tpu.enqueue_dma source(%dma_start3A_55 : memref<5056xi32, #tpu.memory_space<hbm>>) target(%arg11 : memref<5056xi32, #tpu.memory_space<vmem>>) target_semaphore(%run_scoped3A : memref<!tpu.dma_semaphore, #tpu.memory_space<semaphore_mem>>)
      %dma_wait3A = tpu.memref_slice %arg4[%add3A_42] : memref<161792xi32, #tpu.memory_space<hbm>> -> memref<5056xi32, #tpu.memory_space<hbm>>
      %dma_wait3A_56 = tpu.memref_slice %arg4[%add3A_42] : memref<161792xi32, #tpu.memory_space<hbm>> -> memref<5056xi32, #tpu.memory_space<hbm>>
      tpu.wait_dma2 semaphore(%run_scoped3A : memref<!tpu.dma_semaphore, #tpu.memory_space<semaphore_mem>>) src(%dma_wait3A_56 : memref<5056xi32, #tpu.memory_space<hbm>>) dst(%arg11 : memref<5056xi32, #tpu.memory_space<vmem>>)
      tpu.yield
    }) : () -> ()
    "tpu.region"() ({
      %run_scoped3A = tpu.sem_alloc : memref<!tpu.dma_semaphore, #tpu.memory_space<semaphore_mem>>
      %dma_start3A = tpu.memref_slice %arg5[%add3A_42] : memref<161792xf32, #tpu.memory_space<hbm>> -> memref<5056xf32, #tpu.memory_space<hbm>>
      %dma_start3A_55 = tpu.memref_slice %arg5[%add3A_42] : memref<161792xf32, #tpu.memory_space<hbm>> -> memref<5056xf32, #tpu.memory_space<hbm>>
      tpu.enqueue_dma source(%dma_start3A_55 : memref<5056xf32, #tpu.memory_space<hbm>>) target(%arg12 : memref<5056xf32, #tpu.memory_space<vmem>>) target_semaphore(%run_scoped3A : memref<!tpu.dma_semaphore, #tpu.memory_space<semaphore_mem>>)
      %dma_wait3A = tpu.memref_slice %arg5[%add3A_42] : memref<161792xf32, #tpu.memory_space<hbm>> -> memref<5056xf32, #tpu.memory_space<hbm>>
      %dma_wait3A_56 = tpu.memref_slice %arg5[%add3A_42] : memref<161792xf32, #tpu.memory_space<hbm>> -> memref<5056xf32, #tpu.memory_space<hbm>>
      tpu.wait_dma2 semaphore(%run_scoped3A : memref<!tpu.dma_semaphore, #tpu.memory_space<semaphore_mem>>) src(%dma_wait3A_56 : memref<5056xf32, #tpu.memory_space<hbm>>) dst(%arg12 : memref<5056xf32, #tpu.memory_space<vmem>>)
      tpu.yield
    }) : () -> ()
    %parallel_loop3A_43 = arith.constant 0 : i32
    %parallel_loop3A_44 = arith.constant 316 : i32
    %parallel_loop3A_45 = arith.constant 1 : i32
    scf.for %parallel_loop3A_55 = %parallel_loop3A_43 to %parallel_loop3A_44 step %parallel_loop3A_45  : i32 {
      %parallel_loop3A_56 = arith.constant 16 : i32
      %parallel_loop3A_57 = arith.muli %parallel_loop3A_55, %parallel_loop3A_56 : i32
      %parallel_loop3A_58 = arith.index_cast %parallel_loop3A_57 : i32 to index
      %parallel_loop3A_59 = tpu.vector_load %arg10[%parallel_loop3A_58] {strides = array<i32>} : memref<5056xi32, #tpu.memory_space<vmem>>, vector<16xi32>,
      %parallel_loop3A_60 = arith.constant 16 : i32
      %parallel_loop3A_61 = arith.muli %parallel_loop3A_55, %parallel_loop3A_60 : i32
      %parallel_loop3A_62 = arith.index_cast %parallel_loop3A_61 : i32 to index
      %parallel_loop3A_63 = tpu.vector_load %arg11[%parallel_loop3A_62] {strides = array<i32>} : memref<5056xi32, #tpu.memory_space<vmem>>, vector<16xi32>,
      %parallel_loop3A_64 = arith.constant 16 : i32
      %parallel_loop3A_65 = arith.muli %parallel_loop3A_55, %parallel_loop3A_64 : i32
      %parallel_loop3A_66 = arith.index_cast %parallel_loop3A_65 : i32 to index
      %parallel_loop3A_67 = tpu.vector_load %arg12[%parallel_loop3A_66] {strides = array<i32>} : memref<5056xf32, #tpu.memory_space<vmem>>, vector<16xf32>,
      %parallel_loop3A_68 = arith.constant 0 : i32
      %parallel_loop3A_69 = vector.broadcast %parallel_loop3A_68 : i32 to vector<16xi32>
      %parallel_loop3A_70 = arith.addi %parallel_loop3A_59, %parallel_loop3A_69 : vector<16xi32>
      %parallel_loop3A_71 = tpu.vector_load_idx %arg8[%parallel_loop3A_70] : memref<50000xf32, #tpu.memory_space<vmem>>[vector<16xi32>], vector<16xf32>,
      %parallel_loop3A_72 = arith.constant 0 : i32
      %parallel_loop3A_73 = vector.broadcast %parallel_loop3A_72 : i32 to vector<16xi32>
      %parallel_loop3A_74 = arith.addi %parallel_loop3A_63, %parallel_loop3A_73 : vector<16xi32>
      %parallel_loop3A_75 = arith.mulf %parallel_loop3A_71, %parallel_loop3A_67 : vector<16xf32>
      tpu.vector_store_idx %arg9[%parallel_loop3A_74], %parallel_loop3A_75 {add = true} : memref<50000xf32, #tpu.memory_space<vmem>>[vector<16xi32>], vector<16xf32>,
      %parallel_loop3A_76 = arith.constant 10000 : i32
      %parallel_loop3A_77 = vector.broadcast %parallel_loop3A_76 : i32 to vector<16xi32>
      %parallel_loop3A_78 = arith.addi %parallel_loop3A_59, %parallel_loop3A_77 : vector<16xi32>
      %parallel_loop3A_79 = tpu.vector_load_idx %arg8[%parallel_loop3A_78] : memref<50000xf32, #tpu.memory_space<vmem>>[vector<16xi32>], vector<16xf32>,
      %parallel_loop3A_80 = arith.constant 10000 : i32
      %parallel_loop3A_81 = vector.broadcast %parallel_loop3A_80 : i32 to vector<16xi32>
      %parallel_loop3A_82 = arith.addi %parallel_loop3A_63, %parallel_loop3A_81 : vector<16xi32>
      %parallel_loop3A_83 = arith.mulf %parallel_loop3A_79, %parallel_loop3A_67 : vector<16xf32>
      tpu.vector_store_idx %arg9[%parallel_loop3A_82], %parallel_loop3A_83 {add = true} : memref<50000xf32, #tpu.memory_space<vmem>>[vector<16xi32>], vector<16xf32>,
      %parallel_loop3A_84 = arith.constant 20000 : i32
      %parallel_loop3A_85 = vector.broadcast %parallel_loop3A_84 : i32 to vector<16xi32>
      %parallel_loop3A_86 = arith.addi %parallel_loop3A_59, %parallel_loop3A_85 : vector<16xi32>
      %parallel_loop3A_87 = tpu.vector_load_idx %arg8[%parallel_loop3A_86] : memref<50000xf32, #tpu.memory_space<vmem>>[vector<16xi32>], vector<16xf32>,
      %parallel_loop3A_88 = arith.constant 20000 : i32
      %parallel_loop3A_89 = vector.broadcast %parallel_loop3A_88 : i32 to vector<16xi32>
      %parallel_loop3A_90 = arith.addi %parallel_loop3A_63, %parallel_loop3A_89 : vector<16xi32>
      %parallel_loop3A_91 = arith.mulf %parallel_loop3A_87, %parallel_loop3A_67 : vector<16xf32>
      tpu.vector_store_idx %arg9[%parallel_loop3A_90], %parallel_loop3A_91 {add = true} : memref<50000xf32, #tpu.memory_space<vmem>>[vector<16xi32>], vector<16xf32>,
      %parallel_loop3A_92 = arith.constant 30000 : i32
      %parallel_loop3A_93 = vector.broadcast %parallel_loop3A_92 : i32 to vector<16xi32>
      %parallel_loop3A_94 = arith.addi %parallel_loop3A_59, %parallel_loop3A_93 : vector<16xi32>
      %parallel_loop3A_95 = tpu.vector_load_idx %arg8[%parallel_loop3A_94] : memref<50000xf32, #tpu.memory_space<vmem>>[vector<16xi32>], vector<16xf32>,
      %parallel_loop3A_96 = arith.constant 30000 : i32
      %parallel_loop3A_97 = vector.broadcast %parallel_loop3A_96 : i32 to vector<16xi32>
      %parallel_loop3A_98 = arith.addi %parallel_loop3A_63, %parallel_loop3A_97 : vector<16xi32>
      %parallel_loop3A_99 = arith.mulf %parallel_loop3A_95, %parallel_loop3A_67 : vector<16xf32>
      tpu.vector_store_idx %arg9[%parallel_loop3A_98], %parallel_loop3A_99 {add = true} : memref<50000xf32, #tpu.memory_space<vmem>>[vector<16xi32>], vector<16xf32>,
      %parallel_loop3A_100 = arith.constant 40000 : i32
      %parallel_loop3A_101 = vector.broadcast %parallel_loop3A_100 : i32 to vector<16xi32>
      %parallel_loop3A_102 = arith.addi %parallel_loop3A_59, %parallel_loop3A_101 : vector<16xi32>
      %parallel_loop3A_103 = tpu.vector_load_idx %arg8[%parallel_loop3A_102] : memref<50000xf32, #tpu.memory_space<vmem>>[vector<16xi32>], vector<16xf32>,
      %parallel_loop3A_104 = arith.constant 40000 : i32
      %parallel_loop3A_105 = vector.broadcast %parallel_loop3A_104 : i32 to vector<16xi32>
      %parallel_loop3A_106 = arith.addi %parallel_loop3A_63, %parallel_loop3A_105 : vector<16xi32>
      %parallel_loop3A_107 = arith.mulf %parallel_loop3A_103, %parallel_loop3A_67 : vector<16xf32>
      tpu.vector_store_idx %arg9[%parallel_loop3A_106], %parallel_loop3A_107 {add = true} : memref<50000xf32, #tpu.memory_space<vmem>>[vector<16xi32>], vector<16xf32>,
    } {sc.loop_unroll_factor = 4 : i64, sc.parallel_access}
    %mul3A_46 = arith.constant 16 : i32
    %mul3A_47 = arith.muli %arg0, %mul3A_46 : i32
    %add3A_48 = arith.addi %mul3A_47, %arg1 : i32
    %mul3A_49 = arith.constant 2 : i32
    %mul3A_50 = arith.muli %add3A_48, %mul3A_49 : i32
    %add3A_51 = arith.constant 1 : i32
    %add3A_52 = arith.addi %mul3A_50, %add3A_51 : i32
    %mul3A_53 = arith.constant 50000 : i32
    %mul3A_54 = arith.muli %add3A_52, %mul3A_53 : i32
    "tpu.region"() ({
      %run_scoped3A = tpu.sem_alloc : memref<!tpu.dma_semaphore, #tpu.memory_space<semaphore_mem>>
      %dma_start3A = tpu.memref_slice %arg7[%mul3A_54] : memref<3200000xf32, #tpu.memory_space<hbm>> -> memref<50000xf32, #tpu.memory_space<hbm>>
      %dma_start3A_55 = tpu.memref_slice %arg7[%mul3A_54] : memref<3200000xf32, #tpu.memory_space<hbm>> -> memref<50000xf32, #tpu.memory_space<hbm>>
      tpu.enqueue_dma source(%arg9 : memref<50000xf32, #tpu.memory_space<vmem>>) target(%dma_start3A_55 : memref<50000xf32, #tpu.memory_space<hbm>>) target_semaphore(%run_scoped3A : memref<!tpu.dma_semaphore, #tpu.memory_space<semaphore_mem>>)
      %dma_wait3A = tpu.memref_slice %arg7[%mul3A_54] : memref<3200000xf32, #tpu.memory_space<hbm>> -> memref<50000xf32, #tpu.memory_space<hbm>>
      %dma_wait3A_56 = tpu.memref_slice %arg7[%mul3A_54] : memref<3200000xf32, #tpu.memory_space<hbm>> -> memref<50000xf32, #tpu.memory_space<hbm>>
      tpu.wait_dma2 semaphore(%run_scoped3A : memref<!tpu.dma_semaphore, #tpu.memory_space<semaphore_mem>>) src(%arg9 : memref<50000xf32, #tpu.memory_space<vmem>>) dst(%dma_wait3A_56 : memref<50000xf32, #tpu.memory_space<hbm>>)
      tpu.yield
    }) : () -> ()
    return
  }
}

#map = affine_map<(d0, d1) -> (0)>
module attributes {stable_mosaic.version = 14 : i64} {
  func.func @_deg_kernel(%arg0: i32, %arg1: i32, %arg2: memref<161792xi32, #tpu.memory_space<hbm>>, %arg3: memref<161792xf32, #tpu.memory_space<hbm>>, %arg4: memref<10000xf32, #tpu.memory_space<hbm>>, %arg5: memref<320000xf32, #tpu.memory_space<hbm>>, %arg6: memref<5056xi32, #tpu.memory_space<vmem>>, %arg7: memref<5056xf32, #tpu.memory_space<vmem>>, %arg8: memref<10000xf32, #tpu.memory_space<vmem>>) attributes {dimension_semantics = [#tpu.dimension_semantics<core_parallel>, #tpu.dimension_semantics<subcore_parallel>], iteration_bounds = array<i64: 2, 16>, scalar_prefetch = 0 : i64, scratch_operands = 3 : i64, tpu.core_type = #tpu.core_type<sc_vector_subcore>, window_params = [{transform_indices = #map}, {transform_indices = #map}, {transform_indices = #map}, {transform_indices = #map}]} {
    %mul3A = arith.constant 2 : i32
    %mul3A_0 = arith.muli %arg1, %mul3A : i32
    %add3A = arith.addi %mul3A_0, %arg0 : i32
    %mul3A_1 = arith.constant 5056 : i32
    %mul3A_2 = arith.muli %add3A, %mul3A_1 : i32
    "tpu.region"() ({
      %run_scoped3A = tpu.sem_alloc : memref<!tpu.dma_semaphore, #tpu.memory_space<semaphore_mem>>
      %dma_start3A = tpu.memref_slice %arg2[%mul3A_2] : memref<161792xi32, #tpu.memory_space<hbm>> -> memref<5056xi32, #tpu.memory_space<hbm>>
      %dma_start3A_9 = tpu.memref_slice %arg2[%mul3A_2] : memref<161792xi32, #tpu.memory_space<hbm>> -> memref<5056xi32, #tpu.memory_space<hbm>>
      tpu.enqueue_dma source(%dma_start3A_9 : memref<5056xi32, #tpu.memory_space<hbm>>) target(%arg6 : memref<5056xi32, #tpu.memory_space<vmem>>) target_semaphore(%run_scoped3A : memref<!tpu.dma_semaphore, #tpu.memory_space<semaphore_mem>>)
      %dma_wait3A = tpu.memref_slice %arg2[%mul3A_2] : memref<161792xi32, #tpu.memory_space<hbm>> -> memref<5056xi32, #tpu.memory_space<hbm>>
      %dma_wait3A_10 = tpu.memref_slice %arg2[%mul3A_2] : memref<161792xi32, #tpu.memory_space<hbm>> -> memref<5056xi32, #tpu.memory_space<hbm>>
      tpu.wait_dma2 semaphore(%run_scoped3A : memref<!tpu.dma_semaphore, #tpu.memory_space<semaphore_mem>>) src(%dma_wait3A_10 : memref<5056xi32, #tpu.memory_space<hbm>>) dst(%arg6 : memref<5056xi32, #tpu.memory_space<vmem>>)
      tpu.yield
    }) : () -> ()
    %mul3A_3 = arith.constant 5056 : i32
    %mul3A_4 = arith.muli %add3A, %mul3A_3 : i32
    "tpu.region"() ({
      %run_scoped3A = tpu.sem_alloc : memref<!tpu.dma_semaphore, #tpu.memory_space<semaphore_mem>>
      %dma_start3A = tpu.memref_slice %arg3[%mul3A_4] : memref<161792xf32, #tpu.memory_space<hbm>> -> memref<5056xf32, #tpu.memory_space<hbm>>
      %dma_start3A_9 = tpu.memref_slice %arg3[%mul3A_4] : memref<161792xf32, #tpu.memory_space<hbm>> -> memref<5056xf32, #tpu.memory_space<hbm>>
      tpu.enqueue_dma source(%dma_start3A_9 : memref<5056xf32, #tpu.memory_space<hbm>>) target(%arg7 : memref<5056xf32, #tpu.memory_space<vmem>>) target_semaphore(%run_scoped3A : memref<!tpu.dma_semaphore, #tpu.memory_space<semaphore_mem>>)
      %dma_wait3A = tpu.memref_slice %arg3[%mul3A_4] : memref<161792xf32, #tpu.memory_space<hbm>> -> memref<5056xf32, #tpu.memory_space<hbm>>
      %dma_wait3A_10 = tpu.memref_slice %arg3[%mul3A_4] : memref<161792xf32, #tpu.memory_space<hbm>> -> memref<5056xf32, #tpu.memory_space<hbm>>
      tpu.wait_dma2 semaphore(%run_scoped3A : memref<!tpu.dma_semaphore, #tpu.memory_space<semaphore_mem>>) src(%dma_wait3A_10 : memref<5056xf32, #tpu.memory_space<hbm>>) dst(%arg7 : memref<5056xf32, #tpu.memory_space<vmem>>)
      tpu.yield
    }) : () -> ()
    "tpu.region"() ({
      %run_scoped3A = tpu.sem_alloc : memref<!tpu.dma_semaphore, #tpu.memory_space<semaphore_mem>>
      tpu.enqueue_dma source(%arg4 : memref<10000xf32, #tpu.memory_space<hbm>>) target(%arg8 : memref<10000xf32, #tpu.memory_space<vmem>>) target_semaphore(%run_scoped3A : memref<!tpu.dma_semaphore, #tpu.memory_space<semaphore_mem>>)
      tpu.wait_dma2 semaphore(%run_scoped3A : memref<!tpu.dma_semaphore, #tpu.memory_space<semaphore_mem>>) src(%arg4 : memref<10000xf32, #tpu.memory_space<hbm>>) dst(%arg8 : memref<10000xf32, #tpu.memory_space<vmem>>)
      tpu.yield
    }) : () -> ()
    %parallel_loop3A = arith.constant 0 : i32
    %parallel_loop3A_5 = arith.constant 316 : i32
    %parallel_loop3A_6 = arith.constant 1 : i32
    scf.for %parallel_loop3A_9 = %parallel_loop3A to %parallel_loop3A_5 step %parallel_loop3A_6  : i32 {
      %parallel_loop3A_10 = arith.constant 16 : i32
      %parallel_loop3A_11 = arith.muli %parallel_loop3A_9, %parallel_loop3A_10 : i32
      %parallel_loop3A_12 = arith.index_cast %parallel_loop3A_11 : i32 to index
      %parallel_loop3A_13 = tpu.vector_load %arg6[%parallel_loop3A_12] {strides = array<i32>} : memref<5056xi32, #tpu.memory_space<vmem>>, vector<16xi32>,
      %parallel_loop3A_14 = arith.constant 16 : i32
      %parallel_loop3A_15 = arith.muli %parallel_loop3A_9, %parallel_loop3A_14 : i32
      %parallel_loop3A_16 = arith.index_cast %parallel_loop3A_15 : i32 to index
      %parallel_loop3A_17 = tpu.vector_load %arg7[%parallel_loop3A_16] {strides = array<i32>} : memref<5056xf32, #tpu.memory_space<vmem>>, vector<16xf32>,
      tpu.vector_store_idx %arg8[%parallel_loop3A_13], %parallel_loop3A_17 {add = true} : memref<10000xf32, #tpu.memory_space<vmem>>[vector<16xi32>], vector<16xf32>,
    } {sc.loop_unroll_factor = 4 : i64, sc.parallel_access}
    %mul3A_7 = arith.constant 10000 : i32
    %mul3A_8 = arith.muli %add3A, %mul3A_7 : i32
    "tpu.region"() ({
      %run_scoped3A = tpu.sem_alloc : memref<!tpu.dma_semaphore, #tpu.memory_space<semaphore_mem>>
      %dma_start3A = tpu.memref_slice %arg5[%mul3A_8] : memref<320000xf32, #tpu.memory_space<hbm>> -> memref<10000xf32, #tpu.memory_space<hbm>>
      %dma_start3A_9 = tpu.memref_slice %arg5[%mul3A_8] : memref<320000xf32, #tpu.memory_space<hbm>> -> memref<10000xf32, #tpu.memory_space<hbm>>
      tpu.enqueue_dma source(%arg8 : memref<10000xf32, #tpu.memory_space<vmem>>) target(%dma_start3A_9 : memref<10000xf32, #tpu.memory_space<hbm>>) target_semaphore(%run_scoped3A : memref<!tpu.dma_semaphore, #tpu.memory_space<semaphore_mem>>)
      %dma_wait3A = tpu.memref_slice %arg5[%mul3A_8] : memref<320000xf32, #tpu.memory_space<hbm>> -> memref<10000xf32, #tpu.memory_space<hbm>>
      %dma_wait3A_10 = tpu.memref_slice %arg5[%mul3A_8] : memref<320000xf32, #tpu.memory_space<hbm>> -> memref<10000xf32, #tpu.memory_space<hbm>>
      tpu.wait_dma2 semaphore(%run_scoped3A : memref<!tpu.dma_semaphore, #tpu.memory_space<semaphore_mem>>) src(%arg8 : memref<10000xf32, #tpu.memory_space<vmem>>) dst(%dma_wait3A_10 : memref<10000xf32, #tpu.memory_space<hbm>>)
      tpu.yield
    }) : () -> ()
    return
  }
}

module attributes {stable_mosaic.version = 14 : i64} {
  func.func @_front_body(%arg0: memref<10x10000xf32, #tpu.memory_space<vmem>>, %arg1: memref<10x10xf32, #tpu.memory_space<vmem>>, %arg2: memref<10x10xf32, #tpu.memory_space<vmem>>, %arg3: memref<10x1xf32, #tpu.memory_space<vmem>>, %arg4: memref<10x1xf32, #tpu.memory_space<vmem>>, %arg5: memref<32x10000xf32, #tpu.memory_space<vmem>>, %arg6: memref<2x10x10000xf32, #tpu.memory_space<vmem>>, %arg7: memref<2x10x10000xf32, #tpu.memory_space<vmem>>, %arg8: memref<1x10000xf32, #tpu.memory_space<vmem>>) attributes {dimension_semantics = [], scalar_prefetch = 0 : i64, scratch_operands = 0 : i64, tpu.core_type = #tpu.core_type<tc>} {
    %get3A = arith.constant 0 : index
    %get3A_0 = arith.constant 0 : index
    %get3A_1 = vector.load %arg0[%get3A, %get3A_0] : memref<10x10000xf32, #tpu.memory_space<vmem>>, vector<10x10000xf32>
    %get3A_2 = arith.constant 0 : index
    %get3A_3 = arith.constant 0 : index
    %get3A_4 = vector.load %arg1[%get3A_2, %get3A_3] : memref<10x10xf32, #tpu.memory_space<vmem>>, vector<10x10xf32>
    %dot_general3A = arith.constant dense<0.000000e+00> : vector<10x10000xf32>
    %dot_general3A_5 = tpu.matmul %get3A_4, %get3A_1, %dot_general3A {dimension_numbers = #tpu.dot_dimension_numbers<[1], [0], [0], [1], [0, 0, 1, 1], [], []>, transpose_lhs_hint = false} : vector<10x10xf32>, vector<10x10000xf32>, vector<10x10000xf32> -> vector<10x10000xf32>
    %get3A_6 = arith.constant 0 : index
    %get3A_7 = arith.constant 0 : index
    %get3A_8 = vector.load %arg3[%get3A_6, %get3A_7] : memref<10x1xf32, #tpu.memory_space<vmem>>, vector<10x1xf32>
    %add3A = vector.broadcast %get3A_8 : vector<10x1xf32> to vector<10x10000xf32>
    %add3A_9 = arith.addf %dot_general3A_5, %add3A : vector<10x10000xf32>
    %get3A_10 = arith.constant 0 : index
    %get3A_11 = arith.constant 0 : index
    %get3A_12 = vector.load %arg2[%get3A_10, %get3A_11] : memref<10x10xf32, #tpu.memory_space<vmem>>, vector<10x10xf32>
    %dot_general3A_13 = arith.constant dense<0.000000e+00> : vector<10x10000xf32>
    %dot_general3A_14 = tpu.matmul %get3A_12, %get3A_1, %dot_general3A_13 {dimension_numbers = #tpu.dot_dimension_numbers<[1], [0], [0], [1], [0, 0, 1, 1], [], []>, transpose_lhs_hint = false} : vector<10x10xf32>, vector<10x10000xf32>, vector<10x10000xf32> -> vector<10x10000xf32>
    %get3A_15 = arith.constant 0 : index
    %get3A_16 = arith.constant 0 : index
    %get3A_17 = vector.load %arg4[%get3A_15, %get3A_16] : memref<10x1xf32, #tpu.memory_space<vmem>>, vector<10x1xf32>
    %add3A_18 = vector.broadcast %get3A_17 : vector<10x1xf32> to vector<10x10000xf32>
    %add3A_19 = arith.addf %dot_general3A_14, %add3A_18 : vector<10x10000xf32>
    %max3A = arith.constant 0.000000e+00 : f32
    %max3A_20 = vector.broadcast %max3A : f32 to vector<10x10000xf32>
    %max3A_21 = arith.maximumf %add3A_9, %max3A_20 : vector<10x10000xf32>
    %max3A_22 = arith.constant 0.000000e+00 : f32
    %max3A_23 = vector.broadcast %max3A_22 : f32 to vector<10x10000xf32>
    %max3A_24 = arith.maximumf %add3A_19, %max3A_23 : vector<10x10000xf32>
    %get3A_25 = arith.constant 0 : index
    %get3A_26 = arith.constant 0 : index
    %get3A_27 = vector.load %arg5[%get3A_25, %get3A_26] : memref<32x10000xf32, #tpu.memory_space<vmem>>, vector<32x10000xf32>
    %reduce_sum3A = arith.constant dense<0.000000e+00> : vector<10000xf32>
    %reduce_sum3A_28 = vector.multi_reduction <add>, %get3A_27, %reduce_sum3A [0] : vector<32x10000xf32> to vector<10000xf32>
    %broadcast_in_dim3A = vector.shape_cast %reduce_sum3A_28 : vector<10000xf32> to vector<1x10000xf32>
    %gt3A = arith.constant 0.000000e+00 : f32
    %gt3A_29 = vector.broadcast %gt3A : f32 to vector<1x10000xf32>
    %gt3A_30 = arith.cmpf ogt, %broadcast_in_dim3A, %gt3A_29 : vector<1x10000xf32>
    %max3A_31 = arith.constant 9.99999996E-13 : f32
    %max3A_32 = vector.broadcast %max3A_31 : f32 to vector<1x10000xf32>
    %max3A_33 = arith.maximumf %broadcast_in_dim3A, %max3A_32 : vector<1x10000xf32>
    %rsqrt3A = math.rsqrt %max3A_33 : vector<1x10000xf32>
    %jit3A = arith.constant 0.000000e+00 : f32
    %broadcast_in_dim3A_34 = vector.broadcast %jit3A : f32 to vector<1x10000xf32>
    %select_n3A = arith.select %gt3A_30, %rsqrt3A, %broadcast_in_dim3A_34 : vector<1x10000xi1>, vector<1x10000xf32>
    %swap3A = arith.constant 0 : index
    %swap3A_35 = arith.constant 0 : index
    %swap3A_36 = vector.load %arg8[%swap3A, %swap3A_35] : memref<1x10000xf32, #tpu.memory_space<vmem>>, vector<1x10000xf32>
    tpu.vector_store %arg8[%swap3A, %swap3A_35], %select_n3A {strides = array<i32>} : memref<1x10000xf32, #tpu.memory_space<vmem>>, vector<1x10000xf32>,
    %swap3A_37 = arith.constant 0 : index
    %swap3A_38 = arith.constant 0 : index
    %swap3A_39 = arith.constant 0 : index
    %swap3A_40 = vector.load %arg6[%swap3A_37, %swap3A_38, %swap3A_39] : memref<2x10x10000xf32, #tpu.memory_space<vmem>>, vector<1x10x10000xf32>
    %swap3A_41 = vector.shape_cast %swap3A_40 : vector<1x10x10000xf32> to vector<10x10000xf32>
    %swap3A_42 = vector.shape_cast %max3A_21 : vector<10x10000xf32> to vector<1x10x10000xf32>
    tpu.vector_store %arg6[%swap3A_37, %swap3A_38, %swap3A_39], %swap3A_42 {strides = array<i32>} : memref<2x10x10000xf32, #tpu.memory_space<vmem>>, vector<1x10x10000xf32>,
    %swap3A_43 = arith.constant 1 : index
    %swap3A_44 = arith.constant 0 : index
    %swap3A_45 = arith.constant 0 : index
    %swap3A_46 = vector.load %arg6[%swap3A_43, %swap3A_44, %swap3A_45] : memref<2x10x10000xf32, #tpu.memory_space<vmem>>, vector<1x10x10000xf32>
    %swap3A_47 = vector.shape_cast %swap3A_46 : vector<1x10x10000xf32> to vector<10x10000xf32>
    %swap3A_48 = vector.shape_cast %max3A_24 : vector<10x10000xf32> to vector<1x10x10000xf32>
    tpu.vector_store %arg6[%swap3A_43, %swap3A_44, %swap3A_45], %swap3A_48 {strides = array<i32>} : memref<2x10x10000xf32, #tpu.memory_space<vmem>>, vector<1x10x10000xf32>,
    %mul3A = vector.broadcast %select_n3A : vector<1x10000xf32> to vector<10x10000xf32>
    %mul3A_49 = arith.mulf %max3A_21, %mul3A : vector<10x10000xf32>
    %swap3A_50 = arith.constant 0 : index
    %swap3A_51 = arith.constant 0 : index
    %swap3A_52 = arith.constant 0 : index
    %swap3A_53 = vector.load %arg7[%swap3A_50, %swap3A_51, %swap3A_52] : memref<2x10x10000xf32, #tpu.memory_space<vmem>>, vector<1x10x10000xf32>
    %swap3A_54 = vector.shape_cast %swap3A_53 : vector<1x10x10000xf32> to vector<10x10000xf32>
    %swap3A_55 = vector.shape_cast %mul3A_49 : vector<10x10000xf32> to vector<1x10x10000xf32>
    tpu.vector_store %arg7[%swap3A_50, %swap3A_51, %swap3A_52], %swap3A_55 {strides = array<i32>} : memref<2x10x10000xf32, #tpu.memory_space<vmem>>, vector<1x10x10000xf32>,
    %mul3A_56 = vector.broadcast %select_n3A : vector<1x10000xf32> to vector<10x10000xf32>
    %mul3A_57 = arith.mulf %max3A_24, %mul3A_56 : vector<10x10000xf32>
    %swap3A_58 = arith.constant 1 : index
    %swap3A_59 = arith.constant 0 : index
    %swap3A_60 = arith.constant 0 : index
    %swap3A_61 = vector.load %arg7[%swap3A_58, %swap3A_59, %swap3A_60] : memref<2x10x10000xf32, #tpu.memory_space<vmem>>, vector<1x10x10000xf32>
    %swap3A_62 = vector.shape_cast %swap3A_61 : vector<1x10x10000xf32> to vector<10x10000xf32>
    %swap3A_63 = vector.shape_cast %mul3A_57 : vector<10x10000xf32> to vector<1x10x10000xf32>
    tpu.vector_store %arg7[%swap3A_58, %swap3A_59, %swap3A_60], %swap3A_63 {strides = array<i32>} : memref<2x10x10000xf32, #tpu.memory_space<vmem>>, vector<1x10x10000xf32>,
    return
  }
}

module attributes {stable_mosaic.version = 14 : i64} {
  func.func @_comb1_body(%arg0: memref<2x16x2x5x10000xf32, #tpu.memory_space<vmem>>, %arg1: memref<2x10x10000xf32, #tpu.memory_space<vmem>>, %arg2: memref<1x10000xf32, #tpu.memory_space<vmem>>, %arg3: memref<2x10x10000xf32, #tpu.memory_space<vmem>>, %arg4: memref<2x10x10000xf32, #tpu.memory_space<vmem>>) attributes {dimension_semantics = [], scalar_prefetch = 0 : i64, scratch_operands = 0 : i64, tpu.core_type = #tpu.core_type<tc>} {
    %get3A = arith.constant 0 : index
    %get3A_0 = arith.constant 0 : index
    %get3A_1 = arith.constant 0 : index
    %get3A_2 = arith.constant 0 : index
    %get3A_3 = arith.constant 0 : index
    %get3A_4 = vector.load %arg0[%get3A, %get3A_0, %get3A_1, %get3A_2, %get3A_3] : memref<2x16x2x5x10000xf32, #tpu.memory_space<vmem>>, vector<2x16x2x5x10000xf32>
    %reduce_sum3A = arith.constant dense<0.000000e+00> : vector<2x2x5x10000xf32>
    %reduce_sum3A_5 = vector.multi_reduction <add>, %get3A_4, %reduce_sum3A [1] : vector<2x16x2x5x10000xf32> to vector<2x2x5x10000xf32>
    %reshape3A = vector.shape_cast %reduce_sum3A_5 : vector<2x2x5x10000xf32> to vector<2x10x10000xf32>
    %get3A_6 = arith.constant 0 : index
    %get3A_7 = arith.constant 0 : index
    %get3A_8 = vector.load %arg2[%get3A_6, %get3A_7] : memref<1x10000xf32, #tpu.memory_space<vmem>>, vector<1x10000xf32>
    %get3A_9 = arith.constant 0 : index
    %get3A_10 = arith.constant 0 : index
    %get3A_11 = arith.constant 0 : index
    %get3A_12 = vector.load %arg1[%get3A_9, %get3A_10, %get3A_11] : memref<2x10x10000xf32, #tpu.memory_space<vmem>>, vector<2x10x10000xf32>
    %broadcast_in_dim3A = vector.shape_cast %get3A_8 : vector<1x10000xf32> to vector<1x1x10000xf32>
    %mul3A = vector.broadcast %broadcast_in_dim3A : vector<1x1x10000xf32> to vector<2x10x10000xf32>
    %mul3A_13 = arith.mulf %reshape3A, %mul3A : vector<2x10x10000xf32>
    %sub3A = arith.subf %get3A_12, %mul3A_13 : vector<2x10x10000xf32>
    %swap3A = arith.constant 0 : index
    %swap3A_14 = arith.constant 0 : index
    %swap3A_15 = arith.constant 0 : index
    %swap3A_16 = vector.load %arg3[%swap3A, %swap3A_14, %swap3A_15] : memref<2x10x10000xf32, #tpu.memory_space<vmem>>, vector<2x10x10000xf32>
    tpu.vector_store %arg3[%swap3A, %swap3A_14, %swap3A_15], %sub3A {strides = array<i32>} : memref<2x10x10000xf32, #tpu.memory_space<vmem>>, vector<2x10x10000xf32>,
    %broadcast_in_dim3A_17 = vector.shape_cast %get3A_8 : vector<1x10000xf32> to vector<1x1x10000xf32>
    %mul3A_18 = vector.broadcast %broadcast_in_dim3A_17 : vector<1x1x10000xf32> to vector<2x10x10000xf32>
    %mul3A_19 = arith.mulf %sub3A, %mul3A_18 : vector<2x10x10000xf32>
    %swap3A_20 = arith.constant 0 : index
    %swap3A_21 = arith.constant 0 : index
    %swap3A_22 = arith.constant 0 : index
    %swap3A_23 = vector.load %arg4[%swap3A_20, %swap3A_21, %swap3A_22] : memref<2x10x10000xf32, #tpu.memory_space<vmem>>, vector<2x10x10000xf32>
    tpu.vector_store %arg4[%swap3A_20, %swap3A_21, %swap3A_22], %mul3A_19 {strides = array<i32>} : memref<2x10x10000xf32, #tpu.memory_space<vmem>>, vector<2x10x10000xf32>,
    return
  }
}

module attributes {stable_mosaic.version = 14 : i64} {
  func.func @_comb2_body(%arg0: memref<2x16x2x5x10000xf32, #tpu.memory_space<vmem>>, %arg1: memref<2x10x10000xf32, #tpu.memory_space<vmem>>, %arg2: memref<2x10x10000xf32, #tpu.memory_space<vmem>>, %arg3: memref<1x10000xf32, #tpu.memory_space<vmem>>, %arg4: memref<3x10x10xf32, #tpu.memory_space<vmem>>, %arg5: memref<10x1xf32, #tpu.memory_space<vmem>>, %arg6: memref<10x10000xf32, #tpu.memory_space<vmem>>, %arg7: memref<10x10000xf32, #tpu.memory_space<vmem>>) attributes {dimension_semantics = [], scalar_prefetch = 0 : i64, scratch_operands = 0 : i64, tpu.core_type = #tpu.core_type<tc>} {
    %get3A = arith.constant 0 : index
    %get3A_0 = arith.constant 0 : index
    %get3A_1 = arith.constant 0 : index
    %get3A_2 = arith.constant 0 : index
    %get3A_3 = arith.constant 0 : index
    %get3A_4 = vector.load %arg0[%get3A, %get3A_0, %get3A_1, %get3A_2, %get3A_3] : memref<2x16x2x5x10000xf32, #tpu.memory_space<vmem>>, vector<2x16x2x5x10000xf32>
    %reduce_sum3A = arith.constant dense<0.000000e+00> : vector<2x2x5x10000xf32>
    %reduce_sum3A_5 = vector.multi_reduction <add>, %get3A_4, %reduce_sum3A [1] : vector<2x16x2x5x10000xf32> to vector<2x2x5x10000xf32>
    %reshape3A = vector.shape_cast %reduce_sum3A_5 : vector<2x2x5x10000xf32> to vector<2x10x10000xf32>
    %get3A_6 = arith.constant 0 : index
    %get3A_7 = arith.constant 0 : index
    %get3A_8 = vector.load %arg3[%get3A_6, %get3A_7] : memref<1x10000xf32, #tpu.memory_space<vmem>>, vector<1x10000xf32>
    %get3A_9 = arith.constant 0 : index
    %get3A_10 = arith.constant 0 : index
    %get3A_11 = arith.constant 0 : index
    %get3A_12 = vector.load %arg1[%get3A_9, %get3A_10, %get3A_11] : memref<2x10x10000xf32, #tpu.memory_space<vmem>>, vector<2x10x10000xf32>
    %get3A_13 = arith.constant 0 : index
    %get3A_14 = arith.constant 0 : index
    %get3A_15 = arith.constant 0 : index
    %get3A_16 = vector.load %arg2[%get3A_13, %get3A_14, %get3A_15] : memref<2x10x10000xf32, #tpu.memory_space<vmem>>, vector<2x10x10000xf32>
    %broadcast_in_dim3A = vector.shape_cast %get3A_8 : vector<1x10000xf32> to vector<1x1x10000xf32>
    %mul3A = vector.broadcast %broadcast_in_dim3A : vector<1x1x10000xf32> to vector<2x10x10000xf32>
    %mul3A_17 = arith.mulf %reshape3A, %mul3A : vector<2x10x10000xf32>
    %sub3A = arith.subf %get3A_12, %mul3A_17 : vector<2x10x10000xf32>
    %mul3A_18 = arith.constant 2.000000e+00 : f32
    %mul3A_19 = vector.broadcast %mul3A_18 : f32 to vector<2x10x10000xf32>
    %mul3A_20 = arith.mulf %mul3A_19, %sub3A : vector<2x10x10000xf32>
    %sub3A_21 = arith.subf %mul3A_20, %get3A_16 : vector<2x10x10000xf32>
    %get3A_22 = arith.constant 0 : index
    %get3A_23 = arith.constant 0 : index
    %get3A_24 = arith.constant 0 : index
    %get3A_25 = vector.load %arg4[%get3A_22, %get3A_23, %get3A_24] : memref<3x10x10xf32, #tpu.memory_space<vmem>>, vector<3x10x10xf32>
    %slice3A = vector.extract_strided_slice %get3A_25 {offsets = [0, 0, 0], sizes = [1, 10, 10], strides = [1, 1, 1]} : vector<3x10x10xf32> to vector<1x10x10xf32>
    %squeeze3A = vector.shape_cast %slice3A : vector<1x10x10xf32> to vector<10x10xf32>
    %slice3A_26 = vector.extract_strided_slice %get3A_16 {offsets = [0, 0, 0], sizes = [1, 10, 10000], strides = [1, 1, 1]} : vector<2x10x10000xf32> to vector<1x10x10000xf32>
    %squeeze3A_27 = vector.shape_cast %slice3A_26 : vector<1x10x10000xf32> to vector<10x10000xf32>
    %dot_general3A = arith.constant dense<0.000000e+00> : vector<10x10000xf32>
    %dot_general3A_28 = tpu.matmul %squeeze3A, %squeeze3A_27, %dot_general3A {dimension_numbers = #tpu.dot_dimension_numbers<[1], [0], [0], [1], [0, 0, 1, 1], [], []>, transpose_lhs_hint = false} : vector<10x10xf32>, vector<10x10000xf32>, vector<10x10000xf32> -> vector<10x10000xf32>
    %slice3A_29 = vector.extract_strided_slice %get3A_25 {offsets = [1, 0, 0], sizes = [1, 10, 10], strides = [1, 1, 1]} : vector<3x10x10xf32> to vector<1x10x10xf32>
    %squeeze3A_30 = vector.shape_cast %slice3A_29 : vector<1x10x10xf32> to vector<10x10xf32>
    %slice3A_31 = vector.extract_strided_slice %get3A_12 {offsets = [0, 0, 0], sizes = [1, 10, 10000], strides = [1, 1, 1]} : vector<2x10x10000xf32> to vector<1x10x10000xf32>
    %squeeze3A_32 = vector.shape_cast %slice3A_31 : vector<1x10x10000xf32> to vector<10x10000xf32>
    %dot_general3A_33 = arith.constant dense<0.000000e+00> : vector<10x10000xf32>
    %dot_general3A_34 = tpu.matmul %squeeze3A_30, %squeeze3A_32, %dot_general3A_33 {dimension_numbers = #tpu.dot_dimension_numbers<[1], [0], [0], [1], [0, 0, 1, 1], [], []>, transpose_lhs_hint = false} : vector<10x10xf32>, vector<10x10000xf32>, vector<10x10000xf32> -> vector<10x10000xf32>
    %add3A = arith.addf %dot_general3A_28, %dot_general3A_34 : vector<10x10000xf32>
    %slice3A_35 = vector.extract_strided_slice %get3A_25 {offsets = [2, 0, 0], sizes = [1, 10, 10], strides = [1, 1, 1]} : vector<3x10x10xf32> to vector<1x10x10xf32>
    %squeeze3A_36 = vector.shape_cast %slice3A_35 : vector<1x10x10xf32> to vector<10x10xf32>
    %slice3A_37 = vector.extract_strided_slice %sub3A_21 {offsets = [0, 0, 0], sizes = [1, 10, 10000], strides = [1, 1, 1]} : vector<2x10x10000xf32> to vector<1x10x10000xf32>
    %squeeze3A_38 = vector.shape_cast %slice3A_37 : vector<1x10x10000xf32> to vector<10x10000xf32>
    %dot_general3A_39 = arith.constant dense<0.000000e+00> : vector<10x10000xf32>
    %dot_general3A_40 = tpu.matmul %squeeze3A_36, %squeeze3A_38, %dot_general3A_39 {dimension_numbers = #tpu.dot_dimension_numbers<[1], [0], [0], [1], [0, 0, 1, 1], [], []>, transpose_lhs_hint = false} : vector<10x10xf32>, vector<10x10000xf32>, vector<10x10000xf32> -> vector<10x10000xf32>
    %add3A_41 = arith.addf %add3A, %dot_general3A_40 : vector<10x10000xf32>
    %get3A_42 = arith.constant 0 : index
    %get3A_43 = arith.constant 0 : index
    %get3A_44 = vector.load %arg5[%get3A_42, %get3A_43] : memref<10x1xf32, #tpu.memory_space<vmem>>, vector<10x1xf32>
    %add3A_45 = vector.broadcast %get3A_44 : vector<10x1xf32> to vector<10x10000xf32>
    %add3A_46 = arith.addf %add3A_41, %add3A_45 : vector<10x10000xf32>
    %slice3A_47 = vector.extract_strided_slice %get3A_25 {offsets = [0, 0, 0], sizes = [1, 10, 10], strides = [1, 1, 1]} : vector<3x10x10xf32> to vector<1x10x10xf32>
    %squeeze3A_48 = vector.shape_cast %slice3A_47 : vector<1x10x10xf32> to vector<10x10xf32>
    %slice3A_49 = vector.extract_strided_slice %get3A_16 {offsets = [1, 0, 0], sizes = [1, 10, 10000], strides = [1, 1, 1]} : vector<2x10x10000xf32> to vector<1x10x10000xf32>
    %squeeze3A_50 = vector.shape_cast %slice3A_49 : vector<1x10x10000xf32> to vector<10x10000xf32>
    %dot_general3A_51 = arith.constant dense<0.000000e+00> : vector<10x10000xf32>
    %dot_general3A_52 = tpu.matmul %squeeze3A_48, %squeeze3A_50, %dot_general3A_51 {dimension_numbers = #tpu.dot_dimension_numbers<[1], [0], [0], [1], [0, 0, 1, 1], [], []>, transpose_lhs_hint = false} : vector<10x10xf32>, vector<10x10000xf32>, vector<10x10000xf32> -> vector<10x10000xf32>
    %slice3A_53 = vector.extract_strided_slice %get3A_25 {offsets = [1, 0, 0], sizes = [1, 10, 10], strides = [1, 1, 1]} : vector<3x10x10xf32> to vector<1x10x10xf32>
    %squeeze3A_54 = vector.shape_cast %slice3A_53 : vector<1x10x10xf32> to vector<10x10xf32>
    %slice3A_55 = vector.extract_strided_slice %get3A_12 {offsets = [1, 0, 0], sizes = [1, 10, 10000], strides = [1, 1, 1]} : vector<2x10x10000xf32> to vector<1x10x10000xf32>
    %squeeze3A_56 = vector.shape_cast %slice3A_55 : vector<1x10x10000xf32> to vector<10x10000xf32>
    %dot_general3A_57 = arith.constant dense<0.000000e+00> : vector<10x10000xf32>
    %dot_general3A_58 = tpu.matmul %squeeze3A_54, %squeeze3A_56, %dot_general3A_57 {dimension_numbers = #tpu.dot_dimension_numbers<[1], [0], [0], [1], [0, 0, 1, 1], [], []>, transpose_lhs_hint = false} : vector<10x10xf32>, vector<10x10000xf32>, vector<10x10000xf32> -> vector<10x10000xf32>
    %add3A_59 = arith.addf %dot_general3A_52, %dot_general3A_58 : vector<10x10000xf32>
    %slice3A_60 = vector.extract_strided_slice %get3A_25 {offsets = [2, 0, 0], sizes = [1, 10, 10], strides = [1, 1, 1]} : vector<3x10x10xf32> to vector<1x10x10xf32>
    %squeeze3A_61 = vector.shape_cast %slice3A_60 : vector<1x10x10xf32> to vector<10x10xf32>
    %slice3A_62 = vector.extract_strided_slice %sub3A_21 {offsets = [1, 0, 0], sizes = [1, 10, 10000], strides = [1, 1, 1]} : vector<2x10x10000xf32> to vector<1x10x10000xf32>
    %squeeze3A_63 = vector.shape_cast %slice3A_62 : vector<1x10x10000xf32> to vector<10x10000xf32>
    %dot_general3A_64 = arith.constant dense<0.000000e+00> : vector<10x10000xf32>
    %dot_general3A_65 = tpu.matmul %squeeze3A_61, %squeeze3A_63, %dot_general3A_64 {dimension_numbers = #tpu.dot_dimension_numbers<[1], [0], [0], [1], [0, 0, 1, 1], [], []>, transpose_lhs_hint = false} : vector<10x10xf32>, vector<10x10000xf32>, vector<10x10000xf32> -> vector<10x10000xf32>
    %add3A_66 = arith.addf %add3A_59, %dot_general3A_65 : vector<10x10000xf32>
    %max3A = arith.constant 0.000000e+00 : f32
    %max3A_67 = vector.broadcast %max3A : f32 to vector<10x10000xf32>
    %max3A_68 = arith.maximumf %add3A_46, %max3A_67 : vector<10x10000xf32>
    %swap3A = arith.constant 0 : index
    %swap3A_69 = arith.constant 0 : index
    %swap3A_70 = vector.load %arg6[%swap3A, %swap3A_69] : memref<10x10000xf32, #tpu.memory_space<vmem>>, vector<10x10000xf32>
    tpu.vector_store %arg6[%swap3A, %swap3A_69], %max3A_68 {strides = array<i32>} : memref<10x10000xf32, #tpu.memory_space<vmem>>, vector<10x10000xf32>,
    %max3A_71 = arith.constant 0.000000e+00 : f32
    %max3A_72 = vector.broadcast %max3A_71 : f32 to vector<10x10000xf32>
    %max3A_73 = arith.maximumf %add3A_66, %max3A_72 : vector<10x10000xf32>
    %swap3A_74 = arith.constant 0 : index
    %swap3A_75 = arith.constant 0 : index
    %swap3A_76 = vector.load %arg7[%swap3A_74, %swap3A_75] : memref<10x10000xf32, #tpu.memory_space<vmem>>, vector<10x10000xf32>
    tpu.vector_store %arg7[%swap3A_74, %swap3A_75], %max3A_73 {strides = array<i32>} : memref<10x10000xf32, #tpu.memory_space<vmem>>, vector<10x10000xf32>,
    return
  }
}

module attributes {stable_mosaic.version = 14 : i64} {
  func.func @_fc1_body(%arg0: i32, %arg1: memref<1x2x2000xf32, #tpu.memory_space<vmem>>, %arg2: memref<2000x512xf32, #tpu.memory_space<vmem>>, %arg3: memref<2000x512xf32, #tpu.memory_space<vmem>>, %arg4: memref<2x512xf32, #tpu.memory_space<vmem>>, %arg5: memref<1024x1xf32, #tpu.memory_space<vmem>>, %arg6: memref<1x1xf32, #tpu.memory_space<vmem>>, %arg7: memref<1024x18xf32, #tpu.memory_space<vmem>>, %arg8: memref<1x18xf32, #tpu.memory_space<vmem>>, %arg9: memref<1x18xf32, #tpu.memory_space<vmem>>, %arg10: memref<1x1xf32, #tpu.memory_space<vmem>>, %arg11: memref<2x512xf32, #tpu.memory_space<vmem>>, %arg12: memref<2x512xf32, #tpu.memory_space<vmem>>) attributes {dimension_semantics = [#tpu.dimension_semantics<arbitrary>], iteration_bounds = array<i64: 50>, scalar_prefetch = 0 : i64, scratch_operands = 2 : i64, tpu.core_type = #tpu.core_type<tc>, window_params = [{transform_indices = @transform_0, window_bounds = array<i64: 1, 2, 2000>}, {transform_indices = @transform_1, window_bounds = array<i64: 2000, 512>}, {transform_indices = @transform_2, window_bounds = array<i64: 2000, 512>}, {pipeline_mode = #tpu.pipeline_mode<synchronous>, transform_indices = @transform_3, window_bounds = array<i64: 2, 512>}, {pipeline_mode = #tpu.pipeline_mode<synchronous>, transform_indices = @transform_4, window_bounds = array<i64: 1024, 1>}, {pipeline_mode = #tpu.pipeline_mode<synchronous>, transform_indices = @transform_5, window_bounds = array<i64: 1, 1>}, {pipeline_mode = #tpu.pipeline_mode<synchronous>, transform_indices = @transform_6, window_bounds = array<i64: 1024, 18>}, {pipeline_mode = #tpu.pipeline_mode<synchronous>, transform_indices = @transform_7, window_bounds = array<i64: 1, 18>}, {pipeline_mode = #tpu.pipeline_mode<synchronous>, transform_indices = @transform_8, window_bounds = array<i64: 1, 18>}, {pipeline_mode = #tpu.pipeline_mode<synchronous>, transform_indices = @transform_9, window_bounds = array<i64: 1, 1>}]} {
    %eq3A = arith.constant 0 : i32
    %eq3A_0 = arith.cmpi eq, %arg0, %eq3A : i32
    %convert_element_type3A = arith.extui %eq3A_0 : i1 to i32
    %cond3A = arith.constant 0 : i32
    %cond3A_1 = arith.cmpi ne, %convert_element_type3A, %cond3A : i32
    scf.if %cond3A_1 {
      %broadcast_in_dim3A = arith.constant 0.000000e+00 : f32
      %broadcast_in_dim3A_32 = vector.broadcast %broadcast_in_dim3A : f32 to vector<2x512xf32>
      %swap3A_33 = arith.constant 0 : index
      %swap3A_34 = arith.constant 0 : index
      %swap3A_35 = vector.load %arg11[%swap3A_33, %swap3A_34] : memref<2x512xf32, #tpu.memory_space<vmem>>, vector<2x512xf32>
      tpu.vector_store %arg11[%swap3A_33, %swap3A_34], %broadcast_in_dim3A_32 {strides = array<i32>} : memref<2x512xf32, #tpu.memory_space<vmem>>, vector<2x512xf32>,
      %broadcast_in_dim3A_36 = arith.constant 0.000000e+00 : f32
      %broadcast_in_dim3A_37 = vector.broadcast %broadcast_in_dim3A_36 : f32 to vector<2x512xf32>
      %swap3A_38 = arith.constant 0 : index
      %swap3A_39 = arith.constant 0 : index
      %swap3A_40 = vector.load %arg12[%swap3A_38, %swap3A_39] : memref<2x512xf32, #tpu.memory_space<vmem>>, vector<2x512xf32>
      tpu.vector_store %arg12[%swap3A_38, %swap3A_39], %broadcast_in_dim3A_37 {strides = array<i32>} : memref<2x512xf32, #tpu.memory_space<vmem>>, vector<2x512xf32>,
    } else {
    }
    %get3A = arith.constant 0 : index
    %get3A_2 = arith.constant 0 : index
    %get3A_3 = arith.constant 0 : index
    %get3A_4 = vector.load %arg1[%get3A, %get3A_2, %get3A_3] : memref<1x2x2000xf32, #tpu.memory_space<vmem>>, vector<1x2x2000xf32>
    %get3A_5 = vector.shape_cast %get3A_4 : vector<1x2x2000xf32> to vector<2x2000xf32>
    %get3A_6 = arith.constant 0 : index
    %get3A_7 = arith.constant 0 : index
    %get3A_8 = vector.load %arg11[%get3A_6, %get3A_7] : memref<2x512xf32, #tpu.memory_space<vmem>>, vector<2x512xf32>
    %get3A_9 = arith.constant 0 : index
    %get3A_10 = arith.constant 0 : index
    %get3A_11 = vector.load %arg2[%get3A_9, %get3A_10] : memref<2000x512xf32, #tpu.memory_space<vmem>>, vector<2000x512xf32>
    %dot_general3A = arith.constant dense<0.000000e+00> : vector<2x512xf32>
    %dot_general3A_12 = tpu.matmul %get3A_5, %get3A_11, %dot_general3A {dimension_numbers = #tpu.dot_dimension_numbers<[1], [0], [0], [1], [0, 0, 1, 1], [], []>, transpose_lhs_hint = false} : vector<2x2000xf32>, vector<2000x512xf32>, vector<2x512xf32> -> vector<2x512xf32>
    %add3A = arith.addf %get3A_8, %dot_general3A_12 : vector<2x512xf32>
    %swap3A = arith.constant 0 : index
    %swap3A_13 = arith.constant 0 : index
    %swap3A_14 = vector.load %arg11[%swap3A, %swap3A_13] : memref<2x512xf32, #tpu.memory_space<vmem>>, vector<2x512xf32>
    tpu.vector_store %arg11[%swap3A, %swap3A_13], %add3A {strides = array<i32>} : memref<2x512xf32, #tpu.memory_space<vmem>>, vector<2x512xf32>,
    %get3A_15 = arith.constant 0 : index
    %get3A_16 = arith.constant 0 : index
    %get3A_17 = vector.load %arg12[%get3A_15, %get3A_16] : memref<2x512xf32, #tpu.memory_space<vmem>>, vector<2x512xf32>
    %get3A_18 = arith.constant 0 : index
    %get3A_19 = arith.constant 0 : index
    %get3A_20 = vector.load %arg3[%get3A_18, %get3A_19] : memref<2000x512xf32, #tpu.memory_space<vmem>>, vector<2000x512xf32>
    %dot_general3A_21 = arith.constant dense<0.000000e+00> : vector<2x512xf32>
    %dot_general3A_22 = tpu.matmul %get3A_5, %get3A_20, %dot_general3A_21 {dimension_numbers = #tpu.dot_dimension_numbers<[1], [0], [0], [1], [0, 0, 1, 1], [], []>, transpose_lhs_hint = false} : vector<2x2000xf32>, vector<2000x512xf32>, vector<2x512xf32> -> vector<2x512xf32>
    %add3A_23 = arith.addf %get3A_17, %dot_general3A_22 : vector<2x512xf32>
    %swap3A_24 = arith.constant 0 : index
    %swap3A_25 = arith.constant 0 : index
    %swap3A_26 = vector.load %arg12[%swap3A_24, %swap3A_25] : memref<2x512xf32, #tpu.memory_space<vmem>>, vector<2x512xf32>
    tpu.vector_store %arg12[%swap3A_24, %swap3A_25], %add3A_23 {strides = array<i32>} : memref<2x512xf32, #tpu.memory_space<vmem>>, vector<2x512xf32>,
    %eq3A_27 = arith.constant 49 : i32
    %eq3A_28 = arith.cmpi eq, %arg0, %eq3A_27 : i32
    %convert_element_type3A_29 = arith.extui %eq3A_28 : i1 to i32
    %cond3A_30 = arith.constant 0 : i32
    %cond3A_31 = arith.cmpi ne, %convert_element_type3A_29, %cond3A_30 : i32
    scf.if %cond3A_31 {
      %get3A_32 = arith.constant 0 : index
      %get3A_33 = arith.constant 0 : index
      %get3A_34 = vector.load %arg11[%get3A_32, %get3A_33] : memref<2x512xf32, #tpu.memory_space<vmem>>, vector<2x512xf32>
      %get3A_35 = arith.constant 0 : index
      %get3A_36 = arith.constant 0 : index
      %get3A_37 = vector.load %arg12[%get3A_35, %get3A_36] : memref<2x512xf32, #tpu.memory_space<vmem>>, vector<2x512xf32>
      %get3A_38 = arith.constant 0 : index
      %get3A_39 = arith.constant 0 : index
      %get3A_40 = vector.load %arg4[%get3A_38, %get3A_39] : memref<2x512xf32, #tpu.memory_space<vmem>>, vector<2x512xf32>
      %slice3A = vector.extract_strided_slice %get3A_34 {offsets = [0, 0], sizes = [1, 512], strides = [1, 1]} : vector<2x512xf32> to vector<1x512xf32>
      %slice3A_41 = vector.extract_strided_slice %get3A_37 {offsets = [1, 0], sizes = [1, 512], strides = [1, 1]} : vector<2x512xf32> to vector<1x512xf32>
      %sub3A = arith.subf %slice3A, %slice3A_41 : vector<1x512xf32>
      %slice3A_42 = vector.extract_strided_slice %get3A_40 {offsets = [0, 0], sizes = [1, 512], strides = [1, 1]} : vector<2x512xf32> to vector<1x512xf32>
      %add3A_43 = arith.addf %sub3A, %slice3A_42 : vector<1x512xf32>
      %max3A = arith.constant 0.000000e+00 : f32
      %max3A_44 = vector.broadcast %max3A : f32 to vector<1x512xf32>
      %max3A_45 = arith.maximumf %add3A_43, %max3A_44 : vector<1x512xf32>
      %slice3A_46 = vector.extract_strided_slice %get3A_37 {offsets = [0, 0], sizes = [1, 512], strides = [1, 1]} : vector<2x512xf32> to vector<1x512xf32>
      %slice3A_47 = vector.extract_strided_slice %get3A_34 {offsets = [1, 0], sizes = [1, 512], strides = [1, 1]} : vector<2x512xf32> to vector<1x512xf32>
      %add3A_48 = arith.addf %slice3A_46, %slice3A_47 : vector<1x512xf32>
      %slice3A_49 = vector.extract_strided_slice %get3A_40 {offsets = [1, 0], sizes = [1, 512], strides = [1, 1]} : vector<2x512xf32> to vector<1x512xf32>
      %add3A_50 = arith.addf %add3A_48, %slice3A_49 : vector<1x512xf32>
      %max3A_51 = arith.constant 0.000000e+00 : f32
      %max3A_52 = vector.broadcast %max3A_51 : f32 to vector<1x512xf32>
      %max3A_53 = arith.maximumf %add3A_50, %max3A_52 : vector<1x512xf32>
      %concatenate3A = tpu.concatenate %max3A_45, %max3A_53 in 1 : vector<1x512xf32>, vector<1x512xf32> -> vector<1x1024xf32>
      %get3A_54 = arith.constant 0 : index
      %get3A_55 = arith.constant 0 : index
      %get3A_56 = vector.load %arg5[%get3A_54, %get3A_55] : memref<1024x1xf32, #tpu.memory_space<vmem>>, vector<1024x1xf32>
      %convert_element_type3A_57 = arith.truncf %concatenate3A : vector<1x1024xf32> to vector<1x1024xbf16>
      %convert_element_type3A_58 = arith.extf %convert_element_type3A_57 : vector<1x1024xbf16> to vector<1x1024xf32>
      %sub3A_59 = arith.subf %concatenate3A, %convert_element_type3A_58 : vector<1x1024xf32>
      %convert_element_type3A_60 = arith.truncf %sub3A_59 : vector<1x1024xf32> to vector<1x1024xbf16>
      %convert_element_type3A_61 = arith.truncf %get3A_56 : vector<1024x1xf32> to vector<1024x1xbf16>
      %convert_element_type3A_62 = arith.extf %convert_element_type3A_61 : vector<1024x1xbf16> to vector<1024x1xf32>
      %sub3A_63 = arith.subf %get3A_56, %convert_element_type3A_62 : vector<1024x1xf32>
      %convert_element_type3A_64 = arith.truncf %sub3A_63 : vector<1024x1xf32> to vector<1024x1xbf16>
      %dot_general3A_65 = arith.constant dense<0.000000e+00> : vector<1x1xf32>
      %dot_general3A_66 = tpu.matmul %convert_element_type3A_57, %convert_element_type3A_61, %dot_general3A_65 {dimension_numbers = #tpu.dot_dimension_numbers<[1], [0], [0], [1], [0, 0, 1, 1], [], []>, transpose_lhs_hint = false} : vector<1x1024xbf16>, vector<1024x1xbf16>, vector<1x1xf32> -> vector<1x1xf32>
      %dot_general3A_67 = arith.constant dense<0.000000e+00> : vector<1x1xf32>
      %dot_general3A_68 = tpu.matmul %convert_element_type3A_57, %convert_element_type3A_64, %dot_general3A_67 {dimension_numbers = #tpu.dot_dimension_numbers<[1], [0], [0], [1], [0, 0, 1, 1], [], []>, transpose_lhs_hint = false} : vector<1x1024xbf16>, vector<1024x1xbf16>, vector<1x1xf32> -> vector<1x1xf32>
      %add3A_69 = arith.addf %dot_general3A_66, %dot_general3A_68 : vector<1x1xf32>
      %dot_general3A_70 = arith.constant dense<0.000000e+00> : vector<1x1xf32>
      %dot_general3A_71 = tpu.matmul %convert_element_type3A_60, %convert_element_type3A_61, %dot_general3A_70 {dimension_numbers = #tpu.dot_dimension_numbers<[1], [0], [0], [1], [0, 0, 1, 1], [], []>, transpose_lhs_hint = false} : vector<1x1024xbf16>, vector<1024x1xbf16>, vector<1x1xf32> -> vector<1x1xf32>
      %add3A_72 = arith.addf %add3A_69, %dot_general3A_71 : vector<1x1xf32>
      %get3A_73 = arith.constant 0 : index
      %get3A_74 = arith.constant 0 : index
      %get3A_75 = vector.load %arg6[%get3A_73, %get3A_74] : memref<1x1xf32, #tpu.memory_space<vmem>>, vector<1x1xf32>
      %add3A_76 = arith.addf %add3A_72, %get3A_75 : vector<1x1xf32>
      %swap3A_77 = arith.constant 0 : index
      %swap3A_78 = arith.constant 0 : index
      %swap3A_79 = vector.load %arg10[%swap3A_77, %swap3A_78] : memref<1x1xf32, #tpu.memory_space<vmem>>, vector<1x1xf32>
      tpu.vector_store %arg10[%swap3A_77, %swap3A_78], %add3A_76 {strides = array<i32>} : memref<1x1xf32, #tpu.memory_space<vmem>>, vector<1x1xf32>,
      %get3A_80 = arith.constant 0 : index
      %get3A_81 = arith.constant 0 : index
      %get3A_82 = vector.load %arg7[%get3A_80, %get3A_81] : memref<1024x18xf32, #tpu.memory_space<vmem>>, vector<1024x18xf32>
      %convert_element_type3A_83 = arith.truncf %concatenate3A : vector<1x1024xf32> to vector<1x1024xbf16>
      %convert_element_type3A_84 = arith.extf %convert_element_type3A_83 : vector<1x1024xbf16> to vector<1x1024xf32>
      %sub3A_85 = arith.subf %concatenate3A, %convert_element_type3A_84 : vector<1x1024xf32>
      %convert_element_type3A_86 = arith.truncf %sub3A_85 : vector<1x1024xf32> to vector<1x1024xbf16>
      %convert_element_type3A_87 = arith.truncf %get3A_82 : vector<1024x18xf32> to vector<1024x18xbf16>
      %convert_element_type3A_88 = arith.extf %convert_element_type3A_87 : vector<1024x18xbf16> to vector<1024x18xf32>
      %sub3A_89 = arith.subf %get3A_82, %convert_element_type3A_88 : vector<1024x18xf32>
      %convert_element_type3A_90 = arith.truncf %sub3A_89 : vector<1024x18xf32> to vector<1024x18xbf16>
      %dot_general3A_91 = arith.constant dense<0.000000e+00> : vector<1x18xf32>
      %dot_general3A_92 = tpu.matmul %convert_element_type3A_83, %convert_element_type3A_87, %dot_general3A_91 {dimension_numbers = #tpu.dot_dimension_numbers<[1], [0], [0], [1], [0, 0, 1, 1], [], []>, transpose_lhs_hint = false} : vector<1x1024xbf16>, vector<1024x18xbf16>, vector<1x18xf32> -> vector<1x18xf32>
      %dot_general3A_93 = arith.constant dense<0.000000e+00> : vector<1x18xf32>
      %dot_general3A_94 = tpu.matmul %convert_element_type3A_83, %convert_element_type3A_90, %dot_general3A_93 {dimension_numbers = #tpu.dot_dimension_numbers<[1], [0], [0], [1], [0, 0, 1, 1], [], []>, transpose_lhs_hint = false} : vector<1x1024xbf16>, vector<1024x18xbf16>, vector<1x18xf32> -> vector<1x18xf32>
      %add3A_95 = arith.addf %dot_general3A_92, %dot_general3A_94 : vector<1x18xf32>
      %dot_general3A_96 = arith.constant dense<0.000000e+00> : vector<1x18xf32>
      %dot_general3A_97 = tpu.matmul %convert_element_type3A_86, %convert_element_type3A_87, %dot_general3A_96 {dimension_numbers = #tpu.dot_dimension_numbers<[1], [0], [0], [1], [0, 0, 1, 1], [], []>, transpose_lhs_hint = false} : vector<1x1024xbf16>, vector<1024x18xbf16>, vector<1x18xf32> -> vector<1x18xf32>
      %add3A_98 = arith.addf %add3A_95, %dot_general3A_97 : vector<1x18xf32>
      %get3A_99 = arith.constant 0 : index
      %get3A_100 = arith.constant 0 : index
      %get3A_101 = vector.load %arg8[%get3A_99, %get3A_100] : memref<1x18xf32, #tpu.memory_space<vmem>>, vector<1x18xf32>
      %add3A_102 = arith.addf %add3A_98, %get3A_101 : vector<1x18xf32>
      %swap3A_103 = arith.constant 0 : index
      %swap3A_104 = arith.constant 0 : index
      %swap3A_105 = vector.load %arg9[%swap3A_103, %swap3A_104] : memref<1x18xf32, #tpu.memory_space<vmem>>, vector<1x18xf32>
      tpu.vector_store %arg9[%swap3A_103, %swap3A_104], %add3A_102 {strides = array<i32>} : memref<1x18xf32, #tpu.memory_space<vmem>>, vector<1x18xf32>,
    } else {
    }
    return
  }
  func.func @transform_0(%arg0: i32) -> (i32, i32, i32) {
    %c0_i32 = arith.constant 0 : i32
    %c0_i32_0 = arith.constant 0 : i32
    %c0_i32_1 = arith.constant 0 : i32
    return %arg0, %c0_i32, %c0_i32_0 : i32, i32, i32
  }
  func.func @transform_1(%arg0: i32) -> (i32, i32) {
    %c0_i32 = arith.constant 0 : i32
    %c0_i32_0 = arith.constant 0 : i32
    return %arg0, %c0_i32 : i32, i32
  }
  func.func @transform_2(%arg0: i32) -> (i32, i32) {
    %c0_i32 = arith.constant 0 : i32
    %c0_i32_0 = arith.constant 0 : i32
    return %arg0, %c0_i32 : i32, i32
  }
  func.func @transform_3(%arg0: i32) -> (i32, i32) {
    %c0_i32 = arith.constant 0 : i32
    %c0_i32_0 = arith.constant 0 : i32
    %c0_i32_1 = arith.constant 0 : i32
    return %c0_i32, %c0_i32_0 : i32, i32
  }
  func.func @transform_4(%arg0: i32) -> (i32, i32) {
    %c0_i32 = arith.constant 0 : i32
    %c0_i32_0 = arith.constant 0 : i32
    %c0_i32_1 = arith.constant 0 : i32
    return %c0_i32, %c0_i32_0 : i32, i32
  }
  func.func @transform_5(%arg0: i32) -> (i32, i32) {
    %c0_i32 = arith.constant 0 : i32
    %c0_i32_0 = arith.constant 0 : i32
    %c0_i32_1 = arith.constant 0 : i32
    return %c0_i32, %c0_i32_0 : i32, i32
  }
  func.func @transform_6(%arg0: i32) -> (i32, i32) {
    %c0_i32 = arith.constant 0 : i32
    %c0_i32_0 = arith.constant 0 : i32
    %c0_i32_1 = arith.constant 0 : i32
    return %c0_i32, %c0_i32_0 : i32, i32
  }
  func.func @transform_7(%arg0: i32) -> (i32, i32) {
    %c0_i32 = arith.constant 0 : i32
    %c0_i32_0 = arith.constant 0 : i32
    %c0_i32_1 = arith.constant 0 : i32
    return %c0_i32, %c0_i32_0 : i32, i32
  }
  func.func @transform_8(%arg0: i32) -> (i32, i32) {
    %c0_i32 = arith.constant 0 : i32
    %c0_i32_0 = arith.constant 0 : i32
    %c0_i32_1 = arith.constant 0 : i32
    return %c0_i32, %c0_i32_0 : i32, i32
  }
  func.func @transform_9(%arg0: i32) -> (i32, i32) {
    %c0_i32 = arith.constant 0 : i32
    %c0_i32_0 = arith.constant 0 : i32
    %c0_i32_1 = arith.constant 0 : i32
    return %c0_i32, %c0_i32_0 : i32, i32
  }
}

</mosaic_0001>

<sc_bundles>
// kernel: kernel.12.cloned.1.call-start
scs
__scs_entry_jumppad:
0x0: {  	(pc) =	sbr.rel $0x88, $3  }
0x1: {  	(tag) =	ssettag $0x0;
	lr =	simm.s32 $0x1  }
0x2: {  	[smem:$0x3F90] =	sst lr;
	_ =	strace $0xD0000000  }
0x3: {  	_ = 	snop  }
0x4: {  	_ = 	snop  }
0x5: {  	_ = 	snop  }
0x6: {  	_ = 	snop  }
0x7: {  	_ = 	snop  }
__scs_overlays_trampoline_lowered:
0x8: {  	[smem:$0x3F9F] =	sst s0  }
0x9: {  	[smem:$0x3FA0] =	sst s1  }
0xa: {  	[smem:$0x3FA1] =	sst s2  }
0xb: {  	[smem:$0x3FA2] =	sst s3  }
0xc: {  	[smem:$0x3FA3] =	sst s4  }
0xd: {  	[smem:$0x3FA4] =	sst s5  }
0xe: {  	[smem:$0x3FA5] =	sst s6  }
0xf: {  	[smem:$0x3FA6] =	sst s7  }
0x10: {  	[smem:$0x3FA7] =	sst s8  }
0x11: {  	[smem:$0x3FA8] =	sst s9;
	s0 =	simm.s32 @!p0 $0x0  }
0x12: {  	s1 =	sld [smem:$0x3F8E];
	s0 =	simm.s32 @p0 $0x1  }
0x13: {  	[smem:$0x3FA9] =	sst s0;
	s0 =	simm.s32 @!p1 $0x0  }
0x14: {  	s2 =	sld [smem:$0x3F8D];
	s0 =	simm.s32 @p1 $0x1  }
0x15: {  	[smem:$0x3FAA] =	sst s0;
	s0 =	simm.s32 @!p2 $0x0  }
0x16: {  	s3 =	sld [smem:$0x3FDB];
	s0 =	simm.s32 @p2 $0x1  }
0x17: {  	s4 =	simm.s32 $0x1BF5;
	[smem:$0x3FAC] =	sst s0  }
0x18: {  	s0 =	sld [smem:$0x3F8F];
	_ =	swait.ge [sflag:s4], $0x0  }
0x19: {  	s7 =	sld [smem:$0x3F90]  }
0x1a: {  	s8 =	sadd.s32 $0xFFFFE003, lr  }
0x1b: {  	s9 =	sadd.s32 $0xFFFFFEF7, lr;
	s5 =	simm.s32 $0xFFFFFFFF;
	p2 =	slt.u32 s8, $0xFFFFF086  }
0x1c: {  	p1 =	slt.u32 s9, $0xF7A;
	s5 =	simm.s32 @!p2 $0x0  }
0x1d: {  	s5 =	simm.s32 @p1 $0x1;
	p0 =	seq.s32 s7, s2  }
0x1e: {  	s7 =	smul.u32 @!p0 $0xF7A, s2;
	p2 =	seq.s32 @!p0 s5, $0x0  }
0x1f: {  	s9 =	smul.u32 $0xF7A, s1;
	s8 =	simm.s32 @!p0 $0x1BF5;
	p2 =	por !p2, p0  }
0x20: {  	[sflag:s8] =	ssyncset.s32 @!p0 $0xFFFFF086;
	s6 =	sadd.s32 @!p0 s3, s7;
	s7 =	simm.s32 @!p0 $0x108  }
0x21: {  	s3 =	sadd.s32 s3, s9;
	s6 =	sadd.s32 @!p0 $0x88, s6;
	s7 =	simm.s32 @p2 $0x1082  }
0x22: {  	[simem:s7], [sflag:s8] =	dma.local @!p0 [hbm:s6], $0xF7A  }
0x23: {  	s9 =	sor.u32 $0xD0000000, s2;
	s6 =	simm.s32 $0x108;
	_ =	swait.ge @!p0 [sflag:s8], $0x0  }
0x24: {  	s3 =	sadd.s32 $0x88, s3;
	s6 =	simm.s32 @!p1 $0x1082;
	[sflag:s4] =	ssyncset.s32 $0xFFFFF086  }
0x25: {  	[simem:s6], [sflag:s4] =	dma.local [hbm:s3], $0xF7A  }
0x26: {  	[smem:$0x3F90] =	sst s1;
	(tag) =	ssettag s2;
	_ =	strace s9  }
0x27: {  	s1 =	sld [smem:$0x3FA0]  }
0x28: {  	s2 =	sld [smem:$0x3FA1]  }
0x29: {  	s4 =	sld [smem:$0x3FA3]  }
0x2a: {  	p0 =	seq.s32 s5, $0x0;
	s5 =	sld [smem:$0x3FA4]  }
0x2b: {  	s6 =	sld [smem:$0x3FA5]  }
0x2c: {  	s7 =	sld [smem:$0x3FA6]  }
0x2d: {  	s3 =	simm.s32 $0x108;
	s8 =	sld [smem:$0x3FA7]  }
0x2e: {  	s3 =	simm.s32 @!p0 $0x1082;
	s9 =	sld [smem:$0x3FA8]  }
0x2f: {  	lr =	sadd.s32 s0, s3;
	s0 =	sld [smem:$0x3F9F]  }
0x30: {  	s3 =	sld [smem:$0x3FA2]  }
0x31: {  	[smem:$0x3FAB] =	sst s10  }
0x32: {  	s10 =	sld [smem:$0x3FA9];
	_ =	sdelay $0x3  }
0x33: {  	p0 =	seq.s32 s10, $0x1;
	s10 =	sld [smem:$0x3FAB];
	_ =	sdelay $0x3  }
0x34: {  	[smem:$0x3FAB] =	sst s10  }
0x35: {  	s10 =	sld [smem:$0x3FAA];
	_ =	sdelay $0x3  }
0x36: {  	p1 =	seq.s32 s10, $0x1;
	s10 =	sld [smem:$0x3FAB];
	_ =	sdelay $0x3  }
0x37: {  	[smem:$0x3FAB] =	sst s10  }
0x38: {  	s10 =	sld [smem:$0x3FAC]  }
0x39: {  	_ = 	snop;
	(pc) =	sbr.ind lr, $3  }
0x3a: {  	_ = 	snop  }
0x3b: {  	_ = 	snop  }
0x3c: {  	p2 =	seq.s32 s10, $0x1;
	s10 =	sld [smem:$0x3FAB]  }
0x3d: {  	_ =	shalt  }
0x3e: {  	_ =	shalt  }
0x3f: {  	_ =	shalt  }
0x40: {  	_ =	shalt  }
0x41: {  	_ =	shalt  }
0x42: {  	_ =	shalt  }
0x43: {  	_ =	shalt  }
0x44: {  	_ =	shalt  }
0x45: {  	_ =	shalt  }
0x46: {  	_ =	shalt  }
0x47: {  	_ =	shalt  }
0x48: {  	_ =	shalt  }
0x49: {  	_ =	shalt  }
0x4a: {  	_ =	shalt  }
0x4b: {  	_ =	shalt  }
0x4c: {  	_ =	shalt  }
0x4d: {  	_ =	shalt  }
0x4e: {  	_ =	shalt  }
0x4f: {  	_ =	shalt  }
0x50: {  	_ =	shalt  }
0x51: {  	_ =	shalt  }
0x52: {  	_ =	shalt  }
0x53: {  	_ =	shalt  }
0x54: {  	_ =	shalt  }
0x55: {  	_ =	shalt  }
0x56: {  	_ =	shalt  }
0x57: {  	_ =	shalt  }
0x58: {  	_ =	shalt  }
0x59: {  	_ =	shalt  }
0x5a: {  	_ =	shalt  }
0x5b: {  	_ =	shalt  }
0x5c: {  	_ =	shalt  }
0x5d: {  	_ =	shalt  }
0x5e: {  	_ =	shalt  }
0x5f: {  	_ =	shalt  }
0x60: {  	_ =	shalt  }
0x61: {  	_ =	shalt  }
0x62: {  	_ =	shalt  }
0x63: {  	_ =	shalt  }
0x64: {  	_ =	shalt  }
0x65: {  	_ =	shalt  }
0x66: {  	_ =	shalt  }
0x67: {  	_ =	shalt  }
0x68: {  	_ =	shalt  }
0x69: {  	_ =	shalt  }
0x6a: {  	_ =	shalt  }
0x6b: {  	_ =	shalt  }
0x6c: {  	_ =	shalt  }
0x6d: {  	_ =	shalt  }
0x6e: {  	_ =	shalt  }
0x6f: {  	_ =	shalt  }
0x70: {  	_ =	shalt  }
0x71: {  	_ =	shalt  }
0x72: {  	_ =	shalt  }
0x73: {  	_ =	shalt  }
0x74: {  	_ =	shalt  }
0x75: {  	_ =	shalt  }
0x76: {  	_ =	shalt  }
0x77: {  	_ =	shalt  }
0x78: {  	_ =	shalt  }
0x79: {  	_ =	shalt  }
0x7a: {  	_ =	shalt  }
0x7b: {  	_ =	shalt  }
0x7c: {  	_ =	shalt  }
0x7d: {  	_ =	shalt  }
0x7e: {  	_ =	shalt  }
0x7f: {  	_ =	shalt  }
0x80: {  	_ =	shalt  }
0x81: {  	_ =	shalt  }
0x82: {  	_ =	shalt  }
0x83: {  	_ =	shalt  }
0x84: {  	_ =	shalt  }
0x85: {  	_ =	shalt  }
0x86: {  	_ =	shalt  }
0x87: {  	_ =	shalt  }
.Lfunc_end0:
.L_simem_size_0:
called_computation.1_lowered:
.L_overlay_start_0:
0x88: {  	s2 =	sld [smem:$0x3FD9]  }
0x89: {  	s3 =	sld [smem:$0x3FFE];
	_ =	sdelay $0x1  }
0x8a: {  	s1 =	srdreg.scid  }
0x8b: {  	s0 =	sand.u32 $0x1, s1  }
0x8c: {  	s16 =	sshll.u32 s0, $0xA;
	s2 =	sadd.s32 s3, s2  }
0x8d: {  	s2 =	sadd.s32 s2, s16  }
0x8e: {  	[smem:$0x3FB7] =	sst s2  }
0x8f: {  	_ = 	snop  }
0x90: {  	(tm) =	ssettm $0x1  }
0x91: {  	s17 =	sld [smem:$0x3FFB];
	_ =	sdelay $0x3  }
0x92: {  	_ =	strace s17  }
0x93: {  	s2 =	sld [smem:$0x3FFC];
	_ =	sdelay $0x3  }
0x94: {  	_ =	strace s2  }
0x95: {  	s2 =	sld [smem:$0x3FFD];
	_ =	sdelay $0x3  }
0x96: {  	_ =	strace s2  }
0x97: {  	_ =	strace $0x8FFFFFFF  }
0x98: {  	s18 =	sld [smem:$0x3FDB];
	_ =	sdelay $0x1  }
0x99: {  	s19 =	simm.s32 $_scs_section_size  }
0x9a: {  	s4 =	simm.s32 $_size__tile_overlayer_lowered;
	s5 =	simm.s32 $_tile_overlayer_lowered  }
0x9b: {  	s22 =	simm.s32 $0x1BFF;
	s21 =	sshll.u32 s5, $0x1;
	s2 =	sadd.s32 s19, s18  }
0x9c: {  	s6 =	simm.s32 $0x0;
	s20 =	sshll.u32 s4, $0x1;
	s4 =	sadd.s32 s21, s2  }
0x9d: {  	[timem:s6], [sflag:s22] =	dma.local [hbm:s4], s20  }
0x9e: {  	_ =	swait.ge [sflag:s22], s20  }
0x9f: {  	s3 =	ssub.s32 $0x0, s20;
	[sflag:s22] =	ssyncset.done $0x0  }
0xa0: {  	[sflag:s22] =	ssyncadd.s32 s3;
	_ =	sdelay $0x1  }
0xa1: {  	s23 =	simm.s32 $0x1B8B  }
0xa2: {  	_ =	swait.ge [sflag:s23], $0x1  }
0xa3: {  	[sflag:s23] =	ssyncset.done $0x0  }
0xa4: {  	s25 =	simm.s32 $0x1B8E;
	s24 =	sld [smem:$0x3FFE];
	[sflag:s23] =	ssyncadd.s32 $0xFFFFFFFF  }
0xa5: {  	s26 =	simm.s32 $execute0_lowered;
	[smem:$0x3FD2] =	sst s25  }
0xa6: {  	s4 =	sshll.u32 s26, $0x1;
	_ =	strace $0x80000049;
	[dreg:$0x1] =	wrdreg $0xFFFFFFFF  }
0xa7: {  	s28 =	simm.s32 $_size_execute0_lowered;
	s2 =	sadd.s32 s2, s4;
	[dreg:$0x0] =	wrdreg $0x0  }
0xa8: {  	s4 =	sshll.u32 s28, $0x1;
	[dreg:$0x2] =	wrdreg s2  }
0xa9: {  	[dreg:$0x3] =	wrdreg s4  }
0xaa: {  	[dreg:$0x4] =	wrdreg $0xC0  }
0xab: {  	_ =	task [dreg:s6], $0x5FFFF  }
0xac: {  	[dreg:$0x1] =	wrdreg $0xFFFFFFFF  }
0xad: {  	[dreg:$0x0] =	wrdreg $0x60  }
0xae: {  	[dreg:$0x2] =	wrdreg s24  }
0xaf: {  	[dreg:$0x3] =	wrdreg $0x9  }
0xb0: {  	_ =	task.clear_ibuf [dreg:s6], $0x4FFFF;
	_ =	strace $0x90000049  }
0xb1: {  	s29 =	simm.s32 $0x9;
	_ =	strace $0x8000004B  }
0xb2: {  	_ =	swait.ge [sflag:s29], $0x1  }
0xb3: {  	[sflag:s29] =	ssyncadd.s32 $0xFFFFFFFF  }
0xb4: {  	_ =	strace $0x9000004B  }
0xb5: {  	_ =	sfence  }
0xb6: {  	s30 =	sld [smem:$0x0];
	_ =	sdelay $0x2  }
0xb7: {  	s31 =	sshll.u32 s1, $0xD;
	s1 =	sshrl.u32 s1, $0x2  }
0xb8: {  	s3 =	sand.u32 $0x4000, s31;
	s1 =	sadd.s32 s1, s30  }
0xb9: {  	s0 =	sor.u32 s3, s0;
	s1 =	sshll.u32 s1, $0x11  }
0xba: {  	s0 =	sor.u32 s1, s0  }
0xbb: {  	s0 =	sadd.s32 $0x8F2B, s0  }
0xbc: {  	[sflag:s0] =	ssyncadd.remote.s32 $0x1  }
0xbd: {  	_ =	sfence.sel $0xFFFF  }
0xbe: {  	[dreg:$0x0] =	wrdreg $0xFFFFFFFF;
	(pc) =	sbr.abs _section_cstart, $3  }
0xbf: {  	[dreg:$0x1] =	wrdreg $0xFFFFFFFF  }
0xc0: {  	_ =	task.clear_ibuf [dreg:s6], $0x2FFFF;
	_ =	strace $0x9FFFFFFF  }
0xc1: {  	(tm) =	ssettm $0x7FFFFFFF  }
tec
execute0_lowered:
.L_overlay_start_1:
0x0: {  	(tag) =	ssettag $0x1  }
0x1: {  	s0 =	srdreg.scid;
	s4 =	rddreg [dreg:$0x0];
	s1 =	simm.s32 $0x0  }
0x2: {  	s17 =	simm.s32 $0x18700;
	s18 =	simm.s32 $0x19B00;
	s19 =	simm.s32 $0x1AF00  }
0x3: {  	s20 =	simm.s32 $0x0;
	s5 =	sand.u32 $0x1, s0;
	s0 =	rddreg [dreg:$0x1]  }
0x4: {  	[smem:$0x7FF] =	sst s1;
	s8 =	sadd.s32 $0x16600, s4;
	s2 =	smul.u32 $0x186A0, s5  }
0x5: {  	s9 =	sadd.s32 $0x2200, s4;
	s10 =	sadd.s32 $0x7200, s4;
	s3 =	sadd.s32 $0x12400, s4  }
0x6: {  	s13 =	sadd.s32 $0x1B600, s4;
	s6 =	ssub.s32 $0x2, s5;
	s2 =	sshrl.u32 s2, $0x3  }
0x7: {  	s7 =	sshrl.u32 s6, $0x1;
	s12 =	sadd.s32 s2, s4;
	s2 =	stileid.u32  }
0x8: {  	s5 =	sshll.u32 s5, $0x4;
	s14 =	ssub.s32 s6, s7;
	s11 =	smul.u32 $0x2780, s2  }
0x9: {  	_ =	strace $0x8000004A;
	s14 =	smax.u32 s14, $0x1;
	s15 =	sor.u32 s2, s5  }
0xa: {  	s4 =	sadd.s32 $0xC200, s12;
	s16 =	smul.u32 $0x186A0, s15;
	s11 =	sshrl.u32 s11, $0x3  }
0xb: {  	s12 =	sadd.s32 $0xDA6A, s12;
	s15 =	smul.u32 $0x30D4, s15;
	s5 =	sadd.s32 s8, s11  }
0xc: {  	s6 =	sadd.s32 s9, s11;
	s7 =	sadd.s32 s10, s11;
	s11 =	sadd.s32 $0x278, s11  }
0xd: {  	s16 =	sshrl.u32 s16, $0x3;
	s8 =	sadd.s32 s8, s11;
	s9 =	sadd.s32 s9, s11  }
0xe: {  	s10 =	sadd.s32 s10, s11;
	s11 =	sadd.s32 s13, s15;
	s13 =	sadd.s32 s13, s16  }
0xf: {  	s15 =	simm.s32 $0x1;
	s16 =	simm.s32 $0xC380;
	s13 =	sadd.s32 $0x186A, s13  }
.LBB2_1:
0x10: {  	[tilespmem:s1], [sflag:$0x1] =	stream.linear.gather [hbm4b:s4+s1], $0xC350, $0x38;
	[tilespmem:$0x1C300] =	vst v63  }
0x11: {  	_ =	swait.ge [sflag:s15], $0xC350  }
0x12: {  	[sflag:s15] =	ssyncset.done $0x0  }
0x13: {  	[sflag:s15] =	ssyncadd.s32 $0xFFFF3CB0  }
0x14: {  	[tilespmem:s16], [sflag:$0x1] =	stream.linear.gather [hbm4b:s3+s1], $0xC380, $0x38;
	[tilespmem:$0x1C300] =	vst v63  }
0x15: {  	_ =	swait.ge [sflag:s15], $0xC380  }
0x16: {  	[sflag:s15] =	ssyncset.done $0x0  }
0x17: {  	[sflag:s15] =	ssyncadd.s32 $0xFFFF3C80  }
0x18: {  	[tilespmem:s17], [sflag:$0x1] =	stream.linear.gather [hbm4b:s5+s1], $0x13C0, $0x38;
	[tilespmem:$0x1C300] =	vst v63  }
0x19: {  	_ =	swait.ge [sflag:s15], $0x13C0  }
0x1a: {  	[sflag:s15] =	ssyncset.done $0x0  }
0x1b: {  	[sflag:s15] =	ssyncadd.s32 $0xFFFFEC40  }
0x1c: {  	[tilespmem:s18], [sflag:$0x1] =	stream.linear.gather [hbm4b:s6+s1], $0x13C0, $0x38;
	[tilespmem:$0x1C300] =	vst v63  }
0x1d: {  	_ =	swait.ge [sflag:s15], $0x13C0  }
0x1e: {  	[sflag:s15] =	ssyncset.done $0x0  }
0x1f: {  	[sflag:s15] =	ssyncadd.s32 $0xFFFFEC40  }
0x20: {  	[tilespmem:s19], [sflag:$0x1] =	stream.linear.gather [hbm4b:s7+s1], $0x13C0, $0x38;
	[tilespmem:$0x1C300] =	vst v63  }
0x21: {  	_ =	swait.ge [sflag:s15], $0x13C0  }
0x22: {  	[sflag:s15] =	ssyncset.done $0x0  }
0x23: {  	s23 =	simm.s32 $0x18720;
	[sflag:s15] =	ssyncadd.s32 $0xFFFFEC40  }
0x24: {  	v3 =	vld [tilespmem:s23+$0x10];
	_ =	sdelay $0x4  }
0x25: {  	s21 =	simm.s32 $0x19B20  }
0x26: {  	s22 =	simm.s32 $0x1AF20;
	v15 =	vld [tilespmem:s21+$0x10]  }
0x27: {  	v17 =	vld [tilespmem:s22+$0x10]  }
0x28: {  	v0 =	vld.idx.msk [tilespmem:v3+s1+$0x0], $0xffff  }
0x29: {  	v4 =	vld [tilespmem:s23+$0xFFFFFFF0]  }
0x2a: {  	v5 =	vld [tilespmem:s23+$0xFFFFFFE0]  }
0x2b: {  	v1 =	vadd.s32 $0x2710, v3  }
0x2c: {  	v8 =	vld [tilespmem:s23+$0x0]  }
0x2d: {  	v9 =	vld [tilespmem:s21+$0xFFFFFFE0];
	v0 =	vmul.f32 v0, v17  }
0x2e: {  	v11 =	vld [tilespmem:s21+$0xFFFFFFF0]  }
0x2f: {  	[tilespmem:v15+s16+$0x0] =	vst.idx.add.f32.msk $0xffff, v0  }
0x30: {  	v2 =	vld.idx.msk [tilespmem:v1+s1+$0x0], $0xffff  }
0x31: {  	v6 =	vld.idx.msk [tilespmem:v4+s1+$0x0], $0xffff  }
0x32: {  	v10 =	vadd.s32 $0x2710, v15;
	v7 =	vld.idx.msk [tilespmem:v5+s1+$0x0], $0xffff  }
0x33: {  	v12 =	vadd.s32 $0x4E20, v3;
	v0 =	vld [tilespmem:s22+$0xFFFFFFE0]  }
0x34: {  	v1 =	vld [tilespmem:s22+$0xFFFFFFF0]  }
0x35: {  	v20 =	vld [tilespmem:s21+$0x0];
	v14 =	vmul.f32 v2, v17  }
0x36: {  	v13 =	vld.idx.msk [tilespmem:v8+s1+$0x0], $0xffff  }
0x37: {  	v16 =	vadd.s32 $0x2710, v5;
	[tilespmem:v10+s16+$0x0] =	vst.idx.add.f32.msk $0xffff, v14  }
0x38: {  	v7 =	vmul.f32 v7, v0;
	v10 =	vadd.s32 $0x2710, v4;
	v12 =	vld.idx.msk [tilespmem:v12+s1+$0x0], $0xffff  }
0x39: {  	v2 =	vld [tilespmem:s22+$0x0];
	v6 =	vmul.f32 v6, v1  }
0x3a: {  	[tilespmem:v9+s16+$0x0] =	vst.idx.add.f32.msk $0xffff, v7;
	v7 =	vadd.s32 $0x4E20, v15  }
0x3b: {  	[tilespmem:v11+s16+$0x0] =	vst.idx.add.f32.msk $0xffff, v6;
	v6 =	vadd.s32 $0x7530, v3  }
0x3c: {  	v14 =	vld.idx.msk [tilespmem:v16+s1+$0x0], $0xffff  }
0x3d: {  	v16 =	vadd.s32 $0x2710, v8;
	v10 =	vld.idx.msk [tilespmem:v10+s1+$0x0], $0xffff;
	v12 =	vmul.f32 v12, v17  }
0x3e: {  	v18 =	vadd.s32 $0x2710, v9  }
0x3f: {  	v19 =	vadd.s32 $0x2710, v11;
	v13 =	vmul.f32 v13, v2;
	[tilespmem:v7+s16+$0x0] =	vst.idx.add.f32.msk $0xffff, v12  }
0x40: {  	v7 =	vadd.s32 $0x4E20, v5;
	v6 =	vld.idx.msk [tilespmem:v6+s1+$0x0], $0xffff  }
0x41: {  	[tilespmem:v20+s16+$0x0] =	vst.idx.add.f32.msk $0xffff, v13;
	v13 =	vmul.f32 v14, v0;
	v12 =	vadd.s32 $0x4E20, v4  }
0x42: {  	v14 =	vld.idx.msk [tilespmem:v16+s1+$0x0], $0xffff;
	v16 =	vadd.s32 $0x7530, v15;
	v10 =	vmul.f32 v10, v1  }
0x43: {  	v3 =	vadd.s32 $0x9C40, v3;
	[tilespmem:v18+s16+$0x0] =	vst.idx.add.f32.msk $0xffff, v13  }
0x44: {  	[tilespmem:v19+s16+$0x0] =	vst.idx.add.f32.msk $0xffff, v10;
	v10 =	vadd.s32 $0x2710, v20  }
0x45: {  	v19 =	vadd.s32 $0x4E20, v8;
	v13 =	vld.idx.msk [tilespmem:v7+s1+$0x0], $0xffff;
	v7 =	vmul.f32 v6, v17  }
0x46: {  	v21 =	vld.idx.msk [tilespmem:v12+s1+$0x0], $0xffff  }
0x47: {  	[tilespmem:v16+s16+$0x0] =	vst.idx.add.f32.msk $0xffff, v7;
	v16 =	vmul.f32 v14, v2  }
0x48: {  	v22 =	vadd.s32 $0x4E20, v9;
	v24 =	vld.idx.msk [tilespmem:v3+s1+$0x0], $0xffff  }
0x49: {  	v23 =	vadd.s32 $0x4E20, v11;
	v18 =	vadd.s32 $0x4E20, v20;
	v12 =	vadd.s32 $0x7530, v9;
	[tilespmem:v10+s16+$0x0] =	vst.idx.add.f32.msk $0xffff, v16  }
0x4a: {  	v6 =	vadd.s32 $0x7530, v4;
	v7 =	vadd.s32 $0x7530, v8;
	v14 =	vadd.s32 $0x7530, v5;
	v19 =	vld.idx.msk [tilespmem:v19+s1+$0x0], $0xffff  }
0x4b: {  	v5 =	vadd.s32 $0x9C40, v5;
	v10 =	vmul.f32 v13, v0;
	v16 =	vadd.s32 $0x9C40, v15  }
0x4c: {  	v3 =	vadd.s32 $0x9C40, v4;
	v4 =	vadd.s32 $0x9C40, v8;
	v21 =	vmul.f32 v21, v1  }
0x4d: {  	v8 =	vadd.s32 $0x9C40, v9;
	v9 =	vadd.s32 $0x9C40, v11;
	v13 =	vadd.s32 $0x7530, v11;
	[tilespmem:v22+s16+$0x0] =	vst.idx.add.f32.msk $0xffff, v10  }
0x4e: {  	s24 =	simm.s32 $0x18760;
	s23 =	simm.s32 $0x0;
	v11 =	vadd.s32 $0x7530, v20;
	v10 =	vadd.s32 $0x9C40, v20;
	[tilespmem:v23+s16+$0x0] =	vst.idx.add.f32.msk $0xffff, v21;
	v17 =	vmul.f32 v24, v17  }
.LBB2_2:
0x4f: {  	v15 =	vld [tilespmem:s24+$0x10];
	v19 =	vmul.f32 v19, v2  }
0x50: {  	s23 =	sadd.s32 $0x4, s23;
	[tilespmem:v16+s16+$0x0] =	vst.idx.add.f32.msk $0xffff, v17  }
0x51: {  	p0 =	slt.u32 s23, $0x138;
	v20 =	vld [tilespmem:s24+$0xFFFFFFF0]  }
0x52: {  	v21 =	vld [tilespmem:s24+$0x0]  }
0x53: {  	v22 =	vld [tilespmem:s24+$0xFFFFFFE0]  }
0x54: {  	[tilespmem:v18+s16+$0x0] =	vst.idx.add.f32.msk $0xffff, v19  }
0x55: {  	v18 =	vld.idx.msk [tilespmem:v14+s1+$0x0], $0xffff  }
0x56: {  	s21 =	sadd.s32 $0x40, s21;
	v19 =	vadd.s32 $0x2710, v20;
	v23 =	vadd.s32 $0x4E20, v20;
	v24 =	vld.idx.msk [tilespmem:v6+s1+$0x0], $0xffff;
	v6 =	vadd.s32 $0x7530, v20  }
0x57: {  	v25 =	vadd.s32 $0x2710, v21;
	v26 =	vadd.s32 $0x4E20, v21;
	v27 =	vadd.s32 $0x7530, v21;
	v16 =	vld [tilespmem:s21+$0x10]  }
0x58: {  	s22 =	sadd.s32 $0x40, s22;
	v28 =	vadd.s32 $0x2710, v22;
	v29 =	vadd.s32 $0x4E20, v22;
	v14 =	vadd.s32 $0x7530, v22;
	v30 =	vld.idx.msk [tilespmem:v15+s1+$0x0], $0xffff  }
0x59: {  	v32 =	vadd.s32 $0x9C40, v20;
	v33 =	vadd.s32 $0x9C40, v21;
	v31 =	vadd.s32 $0x9C40, v22;
	v17 =	vld [tilespmem:s22+$0x10]  }
0x5a: {  	v20 =	vld.idx.msk [tilespmem:v20+s1+$0x0], $0xffff  }
0x5b: {  	v18 =	vmul.f32 v18, v0;
	v22 =	vld.idx.msk [tilespmem:v22+s1+$0x0], $0xffff  }
0x5c: {  	v34 =	vadd.s32 $0x2710, v15;
	v24 =	vmul.f32 v24, v1;
	v21 =	vld.idx.msk [tilespmem:v21+s1+$0x0], $0xffff  }
0x5d: {  	v35 =	vld [tilespmem:s22+$0xFFFFFFE0]  }
0x5e: {  	v36 =	vld [tilespmem:s22+$0xFFFFFFF0];
	v30 =	vmul.f32 v30, v17  }
0x5f: {  	v37 =	vld [tilespmem:s22+$0x0]  }
0x60: {  	[tilespmem:v16+s16+$0x0] =	vst.idx.add.f32.msk $0xffff, v30  }
0x61: {  	v30 =	vld.idx.msk [tilespmem:v34+s1+$0x0], $0xffff  }
0x62: {  	v34 =	vld [tilespmem:s21+$0xFFFFFFE0];
	v22 =	vmul.f32 v22, v35  }
0x63: {  	v38 =	vld [tilespmem:s21+$0xFFFFFFF0];
	v20 =	vmul.f32 v20, v36  }
0x64: {  	v40 =	vadd.s32 $0x2710, v16;
	v39 =	vld [tilespmem:s21+$0x0];
	v21 =	vmul.f32 v21, v37  }
0x65: {  	v41 =	vadd.s32 $0x4E20, v15;
	v42 =	vld.idx.msk [tilespmem:v7+s1+$0x0], $0xffff;
	v7 =	vmov v27  }
0x66: {  	[tilespmem:v12+s16+$0x0] =	vst.idx.add.f32.msk $0xffff, v18  }
0x67: {  	v30 =	vmul.f32 v30, v17;
	v27 =	vadd.s32 $0x2710, v34;
	v43 =	vadd.s32 $0x4E20, v34;
	[tilespmem:v13+s16+$0x0] =	vst.idx.add.f32.msk $0xffff, v24  }
0x68: {  	v12 =	vadd.s32 $0x7530, v34;
	v24 =	vadd.s32 $0x2710, v38;
	v44 =	vadd.s32 $0x4E20, v38;
	v45 =	vld.idx.msk [tilespmem:v5+s1+$0x0], $0xffff;
	v5 =	vmovc v31  }
0x69: {  	v13 =	vadd.s32 $0x7530, v38;
	v31 =	vadd.s32 $0x2710, v39;
	v18 =	vadd.s32 $0x4E20, v39;
	[tilespmem:v40+s16+$0x0] =	vst.idx.add.f32.msk $0xffff, v30  }
0x6a: {  	v30 =	vadd.s32 $0x9C40, v34;
	v40 =	vadd.s32 $0x9C40, v38;
	v46 =	vadd.s32 $0x7530, v39;
	v41 =	vld.idx.msk [tilespmem:v41+s1+$0x0], $0xffff  }
0x6b: {  	[tilespmem:v34+s16+$0x0] =	vst.idx.add.f32.msk $0xffff, v22;
	v22 =	vadd.s32 $0x9C40, v39;
	v34 =	vmul.f32 v42, v2  }
0x6c: {  	[tilespmem:v38+s16+$0x0] =	vst.idx.add.f32.msk $0xffff, v20  }
0x6d: {  	v20 =	vadd.s32 $0x4E20, v16;
	[tilespmem:v39+s16+$0x0] =	vst.idx.add.f32.msk $0xffff, v21  }
0x6e: {  	v38 =	vmul.f32 v45, v0;
	v0 =	vmov v35;
	v21 =	vld.idx.msk [tilespmem:v28+s1+$0x0], $0xffff;
	v28 =	vadd.s32 $0x7530, v15  }
0x6f: {  	v19 =	vld.idx.msk [tilespmem:v19+s1+$0x0], $0xffff  }
0x70: {  	v35 =	vmul.f32 v41, v17;
	v25 =	vld.idx.msk [tilespmem:v25+s1+$0x0], $0xffff  }
0x71: {  	[tilespmem:v11+s16+$0x0] =	vst.idx.add.f32.msk $0xffff, v34;
	v11 =	vmov v46  }
0x72: {  	[tilespmem:v20+s16+$0x0] =	vst.idx.add.f32.msk $0xffff, v35  }
0x73: {  	v20 =	vld.idx.msk [tilespmem:v28+s1+$0x0], $0xffff  }
0x74: {  	v21 =	vmul.f32 v21, v0;
	v28 =	vld.idx.msk [tilespmem:v3+s1+$0x0], $0xffff;
	v3 =	vmov v32  }
0x75: {  	v19 =	vmul.f32 v19, v36;
	v32 =	vld.idx.msk [tilespmem:v4+s1+$0x0], $0xffff;
	v4 =	vmov v33  }
0x76: {  	[tilespmem:v27+s16+$0x0] =	vst.idx.add.f32.msk $0xffff, v21;
	v21 =	vmul.f32 v25, v37;
	v25 =	vadd.s32 $0x7530, v16  }
0x77: {  	v15 =	vadd.s32 $0x9C40, v15;
	[tilespmem:v24+s16+$0x0] =	vst.idx.add.f32.msk $0xffff, v19  }
0x78: {  	[tilespmem:v31+s16+$0x0] =	vst.idx.add.f32.msk $0xffff, v21  }
0x79: {  	v19 =	vmul.f32 v20, v17;
	v21 =	vld.idx.msk [tilespmem:v29+s1+$0x0], $0xffff  }
0x7a: {  	v20 =	vld.idx.msk [tilespmem:v23+s1+$0x0], $0xffff;
	v23 =	vmul.f32 v28, v1;
	v1 =	vmov v36  }
0x7b: {  	v24 =	vmul.f32 v32, v2;
	v2 =	vmov v37;
	[tilespmem:v25+s16+$0x0] =	vst.idx.add.f32.msk $0xffff, v19  }
0x7c: {  	v15 =	vld.idx.msk [tilespmem:v15+s1+$0x0], $0xffff  }
0x7d: {  	v19 =	vld.idx.msk [tilespmem:v26+s1+$0x0], $0xffff  }
.Ltmp0:
0x7e: {  	[tilespmem:v8+s16+$0x0] =	vst.idx.add.f32.msk $0xffff, v38;
	v8 =	vmov v30;
	(pc) =	sbr.rel @p0 .LBB2_2-.Ltmp0, $4  }
0x7f: {  	v16 =	vadd.s32 $0x9C40, v16;
	v21 =	vmul.f32 v21, v0;
	[tilespmem:v9+s16+$0x0] =	vst.idx.add.f32.msk $0xffff, v23;
	v9 =	vmov v40  }
0x80: {  	v20 =	vmul.f32 v20, v1;
	[tilespmem:v10+s16+$0x0] =	vst.idx.add.f32.msk $0xffff, v24;
	v10 =	vmov v22  }
0x81: {  	[tilespmem:v43+s16+$0x0] =	vst.idx.add.f32.msk $0xffff, v21  }
0x82: {  	s24 =	sadd.s32 $0x40, s24;
	v17 =	vmul.f32 v15, v17;
	[tilespmem:v44+s16+$0x0] =	vst.idx.add.f32.msk $0xffff, v20  }
0x83: {  	_ =	sdelay $0x3  }
0x84: {  	v14 =	vld.idx.msk [tilespmem:v14+s1+$0x0], $0xffff  }
0x85: {  	v15 =	vmul.f32 v19, v2;
	v6 =	vld.idx.msk [tilespmem:v6+s1+$0x0], $0xffff;
	_ =	sdelay $0x1  }
0x86: {  	[tilespmem:v18+s16+$0x0] =	vst.idx.add.f32.msk $0xffff, v15  }
0x87: {  	v7 =	vld.idx.msk [tilespmem:v7+s1+$0x0], $0xffff  }
0x88: {  	v14 =	vmul.f32 v14, v0  }
0x89: {  	v6 =	vmul.f32 v6, v1  }
0x8a: {  	[tilespmem:v12+s16+$0x0] =	vst.idx.add.f32.msk $0xffff, v14  }
0x8b: {  	[tilespmem:v13+s16+$0x0] =	vst.idx.add.f32.msk $0xffff, v6  }
0x8c: {  	v6 =	vmul.f32 v7, v2;
	v5 =	vld.idx.msk [tilespmem:v5+s1+$0x0], $0xffff  }
0x8d: {  	v3 =	vld.idx.msk [tilespmem:v3+s1+$0x0], $0xffff  }
0x8e: {  	[tilespmem:v11+s16+$0x0] =	vst.idx.add.f32.msk $0xffff, v6  }
0x8f: {  	v4 =	vld.idx.msk [tilespmem:v4+s1+$0x0], $0xffff;
	_ =	sdelay $0x2  }
0x90: {  	v0 =	vmul.f32 v5, v0  }
0x91: {  	[tilespmem:v16+s16+$0x0] =	vst.idx.add.f32.msk $0xffff, v17;
	v1 =	vmul.f32 v3, v1  }
0x92: {  	[tilespmem:v8+s16+$0x0] =	vst.idx.add.f32.msk $0xffff, v0;
	v2 =	vmul.f32 v4, v2  }
0x93: {  	[tilespmem:v9+s16+$0x0] =	vst.idx.add.f32.msk $0xffff, v1  }
0x94: {  	[tilespmem:v10+s16+$0x0] =	vst.idx.add.f32.msk $0xffff, v2  }
0x95: {  	[tilespmem:s17], [sflag:$0x1] =	stream.linear.gather [hbm4b:s8+s1], $0x13C0, $0x38;
	[tilespmem:$0x1C300] =	vst v63  }
0x96: {  	_ =	swait.ge [sflag:s15], $0x13C0  }
0x97: {  	[sflag:s15] =	ssyncset.done $0x0  }
0x98: {  	[sflag:s15] =	ssyncadd.s32 $0xFFFFEC40  }
0x99: {  	[tilespmem:s18], [sflag:$0x1] =	stream.linear.gather [hbm4b:s9+s1], $0x13C0, $0x38;
	[tilespmem:$0x1C300] =	vst v63  }
0x9a: {  	_ =	swait.ge [sflag:s15], $0x13C0  }
0x9b: {  	[sflag:s15] =	ssyncset.done $0x0  }
0x9c: {  	[sflag:s15] =	ssyncadd.s32 $0xFFFFEC40  }
0x9d: {  	[tilespmem:s19], [sflag:$0x1] =	stream.linear.gather [hbm4b:s10+s1], $0x13C0, $0x38;
	[tilespmem:$0x1C300] =	vst v63  }
0x9e: {  	_ =	swait.ge [sflag:s15], $0x13C0  }
0x9f: {  	[sflag:s15] =	ssyncset.done $0x0  }
0xa0: {  	s23 =	simm.s32 $0x18720;
	[sflag:s15] =	ssyncadd.s32 $0xFFFFEC40  }
0xa1: {  	v3 =	vld [tilespmem:s23+$0x10];
	_ =	sdelay $0x4  }
0xa2: {  	s21 =	simm.s32 $0x19B20  }
0xa3: {  	s22 =	simm.s32 $0x1AF20;
	v15 =	vld [tilespmem:s21+$0x10]  }
0xa4: {  	v17 =	vld [tilespmem:s22+$0x10]  }
0xa5: {  	v0 =	vld.idx.msk [tilespmem:v3+s1+$0x0], $0xffff  }
0xa6: {  	v4 =	vld [tilespmem:s23+$0xFFFFFFF0]  }
0xa7: {  	v5 =	vld [tilespmem:s23+$0xFFFFFFE0]  }
0xa8: {  	v1 =	vadd.s32 $0x2710, v3  }
0xa9: {  	v8 =	vld [tilespmem:s23+$0x0]  }
0xaa: {  	v9 =	vld [tilespmem:s21+$0xFFFFFFE0];
	v0 =	vmul.f32 v0, v17  }
0xab: {  	v11 =	vld [tilespmem:s21+$0xFFFFFFF0]  }
0xac: {  	[tilespmem:v15+s16+$0x0] =	vst.idx.add.f32.msk $0xffff, v0  }
0xad: {  	v2 =	vld.idx.msk [tilespmem:v1+s1+$0x0], $0xffff  }
0xae: {  	v6 =	vld.idx.msk [tilespmem:v4+s1+$0x0], $0xffff  }
0xaf: {  	v10 =	vadd.s32 $0x2710, v15;
	v7 =	vld.idx.msk [tilespmem:v5+s1+$0x0], $0xffff  }
0xb0: {  	v12 =	vadd.s32 $0x4E20, v3;
	v0 =	vld [tilespmem:s22+$0xFFFFFFE0]  }
0xb1: {  	v1 =	vld [tilespmem:s22+$0xFFFFFFF0]  }
0xb2: {  	v20 =	vld [tilespmem:s21+$0x0];
	v14 =	vmul.f32 v2, v17  }
0xb3: {  	v13 =	vld.idx.msk [tilespmem:v8+s1+$0x0], $0xffff  }
0xb4: {  	v16 =	vadd.s32 $0x2710, v5;
	[tilespmem:v10+s16+$0x0] =	vst.idx.add.f32.msk $0xffff, v14  }
0xb5: {  	v7 =	vmul.f32 v7, v0;
	v10 =	vadd.s32 $0x2710, v4;
	v12 =	vld.idx.msk [tilespmem:v12+s1+$0x0], $0xffff  }
0xb6: {  	v2 =	vld [tilespmem:s22+$0x0];
	v6 =	vmul.f32 v6, v1  }
0xb7: {  	[tilespmem:v9+s16+$0x0] =	vst.idx.add.f32.msk $0xffff, v7;
	v7 =	vadd.s32 $0x4E20, v15  }
0xb8: {  	[tilespmem:v11+s16+$0x0] =	vst.idx.add.f32.msk $0xffff, v6;
	v6 =	vadd.s32 $0x7530, v3  }
0xb9: {  	v14 =	vld.idx.msk [tilespmem:v16+s1+$0x0], $0xffff  }
0xba: {  	v16 =	vadd.s32 $0x2710, v8;
	v10 =	vld.idx.msk [tilespmem:v10+s1+$0x0], $0xffff;
	v12 =	vmul.f32 v12, v17  }
0xbb: {  	v18 =	vadd.s32 $0x2710, v9  }
0xbc: {  	v19 =	vadd.s32 $0x2710, v11;
	v13 =	vmul.f32 v13, v2;
	[tilespmem:v7+s16+$0x0] =	vst.idx.add.f32.msk $0xffff, v12  }
0xbd: {  	v7 =	vadd.s32 $0x4E20, v5;
	v6 =	vld.idx.msk [tilespmem:v6+s1+$0x0], $0xffff  }
0xbe: {  	[tilespmem:v20+s16+$0x0] =	vst.idx.add.f32.msk $0xffff, v13;
	v13 =	vmul.f32 v14, v0;
	v12 =	vadd.s32 $0x4E20, v4  }
0xbf: {  	v14 =	vld.idx.msk [tilespmem:v16+s1+$0x0], $0xffff;
	v16 =	vadd.s32 $0x7530, v15;
	v10 =	vmul.f32 v10, v1  }
0xc0: {  	v3 =	vadd.s32 $0x9C40, v3;
	[tilespmem:v18+s16+$0x0] =	vst.idx.add.f32.msk $0xffff, v13  }
0xc1: {  	[tilespmem:v19+s16+$0x0] =	vst.idx.add.f32.msk $0xffff, v10;
	v10 =	vadd.s32 $0x2710, v20  }
0xc2: {  	v19 =	vadd.s32 $0x4E20, v8;
	v13 =	vld.idx.msk [tilespmem:v7+s1+$0x0], $0xffff;
	v7 =	vmul.f32 v6, v17  }
0xc3: {  	v21 =	vld.idx.msk [tilespmem:v12+s1+$0x0], $0xffff  }
0xc4: {  	[tilespmem:v16+s16+$0x0] =	vst.idx.add.f32.msk $0xffff, v7;
	v16 =	vmul.f32 v14, v2  }
0xc5: {  	v22 =	vadd.s32 $0x4E20, v9;
	v24 =	vld.idx.msk [tilespmem:v3+s1+$0x0], $0xffff  }
0xc6: {  	v23 =	vadd.s32 $0x4E20, v11;
	v18 =	vadd.s32 $0x4E20, v20;
	v12 =	vadd.s32 $0x7530, v9;
	[tilespmem:v10+s16+$0x0] =	vst.idx.add.f32.msk $0xffff, v16  }
0xc7: {  	v6 =	vadd.s32 $0x7530, v4;
	v7 =	vadd.s32 $0x7530, v8;
	v14 =	vadd.s32 $0x7530, v5;
	v19 =	vld.idx.msk [tilespmem:v19+s1+$0x0], $0xffff  }
0xc8: {  	v5 =	vadd.s32 $0x9C40, v5;
	v10 =	vmul.f32 v13, v0;
	v16 =	vadd.s32 $0x9C40, v15  }
0xc9: {  	v3 =	vadd.s32 $0x9C40, v4;
	v4 =	vadd.s32 $0x9C40, v8;
	v21 =	vmul.f32 v21, v1  }
0xca: {  	v8 =	vadd.s32 $0x9C40, v9;
	v9 =	vadd.s32 $0x9C40, v11;
	v13 =	vadd.s32 $0x7530, v11;
	[tilespmem:v22+s16+$0x0] =	vst.idx.add.f32.msk $0xffff, v10  }
0xcb: {  	s24 =	simm.s32 $0x18760;
	s23 =	simm.s32 $0x0;
	v11 =	vadd.s32 $0x7530, v20;
	v10 =	vadd.s32 $0x9C40, v20;
	[tilespmem:v23+s16+$0x0] =	vst.idx.add.f32.msk $0xffff, v21;
	v17 =	vmul.f32 v24, v17  }
.LBB2_4:
0xcc: {  	v15 =	vld [tilespmem:s24+$0x10];
	v19 =	vmul.f32 v19, v2  }
0xcd: {  	s23 =	sadd.s32 $0x4, s23;
	[tilespmem:v16+s16+$0x0] =	vst.idx.add.f32.msk $0xffff, v17  }
0xce: {  	p0 =	slt.u32 s23, $0x138;
	v20 =	vld [tilespmem:s24+$0xFFFFFFF0]  }
0xcf: {  	v21 =	vld [tilespmem:s24+$0x0]  }
0xd0: {  	v22 =	vld [tilespmem:s24+$0xFFFFFFE0]  }
0xd1: {  	[tilespmem:v18+s16+$0x0] =	vst.idx.add.f32.msk $0xffff, v19  }
0xd2: {  	v18 =	vld.idx.msk [tilespmem:v14+s1+$0x0], $0xffff  }
0xd3: {  	s21 =	sadd.s32 $0x40, s21;
	v19 =	vadd.s32 $0x2710, v20;
	v23 =	vadd.s32 $0x4E20, v20;
	v24 =	vld.idx.msk [tilespmem:v6+s1+$0x0], $0xffff;
	v6 =	vadd.s32 $0x7530, v20  }
0xd4: {  	v25 =	vadd.s32 $0x2710, v21;
	v26 =	vadd.s32 $0x4E20, v21;
	v27 =	vadd.s32 $0x7530, v21;
	v16 =	vld [tilespmem:s21+$0x10]  }
0xd5: {  	s22 =	sadd.s32 $0x40, s22;
	v28 =	vadd.s32 $0x2710, v22;
	v29 =	vadd.s32 $0x4E20, v22;
	v14 =	vadd.s32 $0x7530, v22;
	v30 =	vld.idx.msk [tilespmem:v15+s1+$0x0], $0xffff  }
0xd6: {  	v32 =	vadd.s32 $0x9C40, v20;
	v33 =	vadd.s32 $0x9C40, v21;
	v31 =	vadd.s32 $0x9C40, v22;
	v17 =	vld [tilespmem:s22+$0x10]  }
0xd7: {  	v20 =	vld.idx.msk [tilespmem:v20+s1+$0x0], $0xffff  }
0xd8: {  	v18 =	vmul.f32 v18, v0;
	v22 =	vld.idx.msk [tilespmem:v22+s1+$0x0], $0xffff  }
0xd9: {  	v34 =	vadd.s32 $0x2710, v15;
	v24 =	vmul.f32 v24, v1;
	v21 =	vld.idx.msk [tilespmem:v21+s1+$0x0], $0xffff  }
0xda: {  	v35 =	vld [tilespmem:s22+$0xFFFFFFE0]  }
0xdb: {  	v36 =	vld [tilespmem:s22+$0xFFFFFFF0];
	v30 =	vmul.f32 v30, v17  }
0xdc: {  	v37 =	vld [tilespmem:s22+$0x0]  }
0xdd: {  	[tilespmem:v16+s16+$0x0] =	vst.idx.add.f32.msk $0xffff, v30  }
0xde: {  	v30 =	vld.idx.msk [tilespmem:v34+s1+$0x0], $0xffff  }
0xdf: {  	v34 =	vld [tilespmem:s21+$0xFFFFFFE0];
	v22 =	vmul.f32 v22, v35  }
0xe0: {  	v38 =	vld [tilespmem:s21+$0xFFFFFFF0];
	v20 =	vmul.f32 v20, v36  }
0xe1: {  	v40 =	vadd.s32 $0x2710, v16;
	v39 =	vld [tilespmem:s21+$0x0];
	v21 =	vmul.f32 v21, v37  }
0xe2: {  	v41 =	vadd.s32 $0x4E20, v15;
	v42 =	vld.idx.msk [tilespmem:v7+s1+$0x0], $0xffff;
	v7 =	vmov v27  }
0xe3: {  	[tilespmem:v12+s16+$0x0] =	vst.idx.add.f32.msk $0xffff, v18  }
0xe4: {  	v30 =	vmul.f32 v30, v17;
	v27 =	vadd.s32 $0x2710, v34;
	v43 =	vadd.s32 $0x4E20, v34;
	[tilespmem:v13+s16+$0x0] =	vst.idx.add.f32.msk $0xffff, v24  }
0xe5: {  	v12 =	vadd.s32 $0x7530, v34;
	v24 =	vadd.s32 $0x2710, v38;
	v44 =	vadd.s32 $0x4E20, v38;
	v45 =	vld.idx.msk [tilespmem:v5+s1+$0x0], $0xffff;
	v5 =	vmovc v31  }
0xe6: {  	v13 =	vadd.s32 $0x7530, v38;
	v31 =	vadd.s32 $0x2710, v39;
	v18 =	vadd.s32 $0x4E20, v39;
	[tilespmem:v40+s16+$0x0] =	vst.idx.add.f32.msk $0xffff, v30  }
0xe7: {  	v30 =	vadd.s32 $0x9C40, v34;
	v40 =	vadd.s32 $0x9C40, v38;
	v46 =	vadd.s32 $0x7530, v39;
	v41 =	vld.idx.msk [tilespmem:v41+s1+$0x0], $0xffff  }
0xe8: {  	[tilespmem:v34+s16+$0x0] =	vst.idx.add.f32.msk $0xffff, v22;
	v22 =	vadd.s32 $0x9C40, v39;
	v34 =	vmul.f32 v42, v2  }
0xe9: {  	[tilespmem:v38+s16+$0x0] =	vst.idx.add.f32.msk $0xffff, v20  }
0xea: {  	v20 =	vadd.s32 $0x4E20, v16;
	[tilespmem:v39+s16+$0x0] =	vst.idx.add.f32.msk $0xffff, v21  }
0xeb: {  	v38 =	vmul.f32 v45, v0;
	v0 =	vmov v35;
	v21 =	vld.idx.msk [tilespmem:v28+s1+$0x0], $0xffff;
	v28 =	vadd.s32 $0x7530, v15  }
0xec: {  	v19 =	vld.idx.msk [tilespmem:v19+s1+$0x0], $0xffff  }
0xed: {  	v35 =	vmul.f32 v41, v17;
	v25 =	vld.idx.msk [tilespmem:v25+s1+$0x0], $0xffff  }
0xee: {  	[tilespmem:v11+s16+$0x0] =	vst.idx.add.f32.msk $0xffff, v34;
	v11 =	vmov v46  }
0xef: {  	[tilespmem:v20+s16+$0x0] =	vst.idx.add.f32.msk $0xffff, v35  }
0xf0: {  	v20 =	vld.idx.msk [tilespmem:v28+s1+$0x0], $0xffff  }
0xf1: {  	v21 =	vmul.f32 v21, v0;
	v28 =	vld.idx.msk [tilespmem:v3+s1+$0x0], $0xffff;
	v3 =	vmov v32  }
0xf2: {  	v19 =	vmul.f32 v19, v36;
	v32 =	vld.idx.msk [tilespmem:v4+s1+$0x0], $0xffff;
	v4 =	vmov v33  }
0xf3: {  	[tilespmem:v27+s16+$0x0] =	vst.idx.add.f32.msk $0xffff, v21;
	v21 =	vmul.f32 v25, v37;
	v25 =	vadd.s32 $0x7530, v16  }
0xf4: {  	v15 =	vadd.s32 $0x9C40, v15;
	[tilespmem:v24+s16+$0x0] =	vst.idx.add.f32.msk $0xffff, v19  }
0xf5: {  	[tilespmem:v31+s16+$0x0] =	vst.idx.add.f32.msk $0xffff, v21  }
0xf6: {  	v19 =	vmul.f32 v20, v17;
	v21 =	vld.idx.msk [tilespmem:v29+s1+$0x0], $0xffff  }
0xf7: {  	v20 =	vld.idx.msk [tilespmem:v23+s1+$0x0], $0xffff;
	v23 =	vmul.f32 v28, v1;
	v1 =	vmov v36  }
0xf8: {  	v24 =	vmul.f32 v32, v2;
	v2 =	vmov v37;
	[tilespmem:v25+s16+$0x0] =	vst.idx.add.f32.msk $0xffff, v19  }
0xf9: {  	v15 =	vld.idx.msk [tilespmem:v15+s1+$0x0], $0xffff  }
0xfa: {  	v19 =	vld.idx.msk [tilespmem:v26+s1+$0x0], $0xffff  }
.Ltmp1:
0xfb: {  	[tilespmem:v8+s16+$0x0] =	vst.idx.add.f32.msk $0xffff, v38;
	v8 =	vmov v30;
	(pc) =	sbr.rel @p0 .LBB2_4-.Ltmp1, $4  }
0xfc: {  	v16 =	vadd.s32 $0x9C40, v16;
	v21 =	vmul.f32 v21, v0;
	[tilespmem:v9+s16+$0x0] =	vst.idx.add.f32.msk $0xffff, v23;
	v9 =	vmov v40  }
0xfd: {  	v20 =	vmul.f32 v20, v1;
	[tilespmem:v10+s16+$0x0] =	vst.idx.add.f32.msk $0xffff, v24;
	v10 =	vmov v22  }
0xfe: {  	[tilespmem:v43+s16+$0x0] =	vst.idx.add.f32.msk $0xffff, v21  }
0xff: {  	s24 =	sadd.s32 $0x40, s24;
	v17 =	vmul.f32 v15, v17;
	[tilespmem:v44+s16+$0x0] =	vst.idx.add.f32.msk $0xffff, v20  }
0x100: {  	_ =	sdelay $0x3  }
0x101: {  	v14 =	vld.idx.msk [tilespmem:v14+s1+$0x0], $0xffff  }
0x102: {  	v15 =	vmul.f32 v19, v2;
	v6 =	vld.idx.msk [tilespmem:v6+s1+$0x0], $0xffff;
	_ =	sdelay $0x1  }
0x103: {  	[tilespmem:v18+s16+$0x0] =	vst.idx.add.f32.msk $0xffff, v15  }
0x104: {  	v7 =	vld.idx.msk [tilespmem:v7+s1+$0x0], $0xffff  }
0x105: {  	v14 =	vmul.f32 v14, v0  }
0x106: {  	v6 =	vmul.f32 v6, v1  }
0x107: {  	[tilespmem:v12+s16+$0x0] =	vst.idx.add.f32.msk $0xffff, v14  }
0x108: {  	[tilespmem:v13+s16+$0x0] =	vst.idx.add.f32.msk $0xffff, v6  }
0x109: {  	v6 =	vmul.f32 v7, v2;
	v5 =	vld.idx.msk [tilespmem:v5+s1+$0x0], $0xffff  }
0x10a: {  	v3 =	vld.idx.msk [tilespmem:v3+s1+$0x0], $0xffff  }
0x10b: {  	[tilespmem:v11+s16+$0x0] =	vst.idx.add.f32.msk $0xffff, v6  }
0x10c: {  	v4 =	vld.idx.msk [tilespmem:v4+s1+$0x0], $0xffff;
	_ =	sdelay $0x2  }
0x10d: {  	v0 =	vmul.f32 v5, v0  }
0x10e: {  	[tilespmem:v16+s16+$0x0] =	vst.idx.add.f32.msk $0xffff, v17;
	v1 =	vmul.f32 v3, v1  }
0x10f: {  	[tilespmem:v8+s16+$0x0] =	vst.idx.add.f32.msk $0xffff, v0;
	v2 =	vmul.f32 v4, v2  }
0x110: {  	[tilespmem:v9+s16+$0x0] =	vst.idx.add.f32.msk $0xffff, v1  }
0x111: {  	[tilespmem:v10+s16+$0x0] =	vst.idx.add.f32.msk $0xffff, v2  }
0x112: {  	[hbm4b:s11+s1] =	stream.linear.scatter [tilespmem:s16], [sflag:$0x1], $0xC350, $0x38;
	[tilespmem:$0x1C300] =	vst v63  }
0x113: {  	_ =	swait.ge [sflag:s15], $0xC350  }
0x114: {  	[sflag:s15] =	ssyncset.done $0x0  }
0x115: {  	[sflag:s15] =	ssyncadd.s32 $0xFFFF3CB0  }
0x116: {  	[tilespmem:s1], [sflag:$0x1] =	stream.linear.gather [hbm4b:s12+s1], $0xC350, $0x38;
	[tilespmem:$0x1C300] =	vst v63  }
0x117: {  	_ =	swait.ge [sflag:s15], $0xC350  }
0x118: {  	[sflag:s15] =	ssyncset.done $0x0  }
0x119: {  	[sflag:s15] =	ssyncadd.s32 $0xFFFF3CB0  }
0x11a: {  	[tilespmem:s16], [sflag:$0x1] =	stream.linear.gather [hbm4b:s3+s1], $0xC380, $0x38;
	[tilespmem:$0x1C300] =	vst v63  }
0x11b: {  	_ =	swait.ge [sflag:s15], $0xC380  }
0x11c: {  	[sflag:s15] =	ssyncset.done $0x0  }
0x11d: {  	[sflag:s15] =	ssyncadd.s32 $0xFFFF3C80  }
0x11e: {  	[tilespmem:s17], [sflag:$0x1] =	stream.linear.gather [hbm4b:s5+s1], $0x13C0, $0x38;
	[tilespmem:$0x1C300] =	vst v63  }
0x11f: {  	_ =	swait.ge [sflag:s15], $0x13C0  }
0x120: {  	[sflag:s15] =	ssyncset.done $0x0  }
0x121: {  	[sflag:s15] =	ssyncadd.s32 $0xFFFFEC40  }
0x122: {  	[tilespmem:s18], [sflag:$0x1] =	stream.linear.gather [hbm4b:s6+s1], $0x13C0, $0x38;
	[tilespmem:$0x1C300] =	vst v63  }
0x123: {  	_ =	swait.ge [sflag:s15], $0x13C0  }
0x124: {  	[sflag:s15] =	ssyncset.done $0x0  }
0x125: {  	[sflag:s15] =	ssyncadd.s32 $0xFFFFEC40  }
0x126: {  	[tilespmem:s19], [sflag:$0x1] =	stream.linear.gather [hbm4b:s7+s1], $0x13C0, $0x38;
	[tilespmem:$0x1C300] =	vst v63  }
0x127: {  	_ =	swait.ge [sflag:s15], $0x13C0  }
0x128: {  	[sflag:s15] =	ssyncset.done $0x0  }
0x129: {  	s23 =	simm.s32 $0x18720;
	[sflag:s15] =	ssyncadd.s32 $0xFFFFEC40  }
0x12a: {  	v3 =	vld [tilespmem:s23+$0x10];
	_ =	sdelay $0x4  }
0x12b: {  	s21 =	simm.s32 $0x19B20  }
0x12c: {  	s22 =	simm.s32 $0x1AF20;
	v15 =	vld [tilespmem:s21+$0x10]  }
0x12d: {  	v17 =	vld [tilespmem:s22+$0x10]  }
0x12e: {  	v0 =	vld.idx.msk [tilespmem:v3+s1+$0x0], $0xffff  }
0x12f: {  	v4 =	vld [tilespmem:s23+$0xFFFFFFF0]  }
0x130: {  	v5 =	vld [tilespmem:s23+$0xFFFFFFE0]  }
0x131: {  	v1 =	vadd.s32 $0x2710, v3  }
0x132: {  	v8 =	vld [tilespmem:s23+$0x0]  }
0x133: {  	v9 =	vld [tilespmem:s21+$0xFFFFFFE0];
	v0 =	vmul.f32 v0, v17  }
0x134: {  	v11 =	vld [tilespmem:s21+$0xFFFFFFF0]  }
0x135: {  	[tilespmem:v15+s16+$0x0] =	vst.idx.add.f32.msk $0xffff, v0  }
0x136: {  	v2 =	vld.idx.msk [tilespmem:v1+s1+$0x0], $0xffff  }
0x137: {  	v6 =	vld.idx.msk [tilespmem:v4+s1+$0x0], $0xffff  }
0x138: {  	v10 =	vadd.s32 $0x2710, v15;
	v7 =	vld.idx.msk [tilespmem:v5+s1+$0x0], $0xffff  }
0x139: {  	v12 =	vadd.s32 $0x4E20, v3;
	v0 =	vld [tilespmem:s22+$0xFFFFFFE0]  }
0x13a: {  	v1 =	vld [tilespmem:s22+$0xFFFFFFF0]  }
0x13b: {  	v20 =	vld [tilespmem:s21+$0x0];
	v14 =	vmul.f32 v2, v17  }
0x13c: {  	v13 =	vld.idx.msk [tilespmem:v8+s1+$0x0], $0xffff  }
0x13d: {  	v16 =	vadd.s32 $0x2710, v5;
	[tilespmem:v10+s16+$0x0] =	vst.idx.add.f32.msk $0xffff, v14  }
0x13e: {  	v7 =	vmul.f32 v7, v0;
	v10 =	vadd.s32 $0x2710, v4;
	v12 =	vld.idx.msk [tilespmem:v12+s1+$0x0], $0xffff  }
0x13f: {  	v2 =	vld [tilespmem:s22+$0x0];
	v6 =	vmul.f32 v6, v1  }
0x140: {  	[tilespmem:v9+s16+$0x0] =	vst.idx.add.f32.msk $0xffff, v7;
	v7 =	vadd.s32 $0x4E20, v15  }
0x141: {  	[tilespmem:v11+s16+$0x0] =	vst.idx.add.f32.msk $0xffff, v6;
	v6 =	vadd.s32 $0x7530, v3  }
0x142: {  	v14 =	vld.idx.msk [tilespmem:v16+s1+$0x0], $0xffff  }
0x143: {  	v16 =	vadd.s32 $0x2710, v8;
	v10 =	vld.idx.msk [tilespmem:v10+s1+$0x0], $0xffff;
	v12 =	vmul.f32 v12, v17  }
0x144: {  	v18 =	vadd.s32 $0x2710, v9  }
0x145: {  	v19 =	vadd.s32 $0x2710, v11;
	v13 =	vmul.f32 v13, v2;
	[tilespmem:v7+s16+$0x0] =	vst.idx.add.f32.msk $0xffff, v12  }
0x146: {  	v7 =	vadd.s32 $0x4E20, v5;
	v6 =	vld.idx.msk [tilespmem:v6+s1+$0x0], $0xffff  }
0x147: {  	[tilespmem:v20+s16+$0x0] =	vst.idx.add.f32.msk $0xffff, v13;
	v13 =	vmul.f32 v14, v0;
	v12 =	vadd.s32 $0x4E20, v4  }
0x148: {  	v14 =	vld.idx.msk [tilespmem:v16+s1+$0x0], $0xffff;
	v16 =	vadd.s32 $0x7530, v15;
	v10 =	vmul.f32 v10, v1  }
0x149: {  	v3 =	vadd.s32 $0x9C40, v3;
	[tilespmem:v18+s16+$0x0] =	vst.idx.add.f32.msk $0xffff, v13  }
0x14a: {  	[tilespmem:v19+s16+$0x0] =	vst.idx.add.f32.msk $0xffff, v10;
	v10 =	vadd.s32 $0x2710, v20  }
0x14b: {  	v19 =	vadd.s32 $0x4E20, v8;
	v13 =	vld.idx.msk [tilespmem:v7+s1+$0x0], $0xffff;
	v7 =	vmul.f32 v6, v17  }
0x14c: {  	v21 =	vld.idx.msk [tilespmem:v12+s1+$0x0], $0xffff  }
0x14d: {  	[tilespmem:v16+s16+$0x0] =	vst.idx.add.f32.msk $0xffff, v7;
	v16 =	vmul.f32 v14, v2  }
0x14e: {  	v22 =	vadd.s32 $0x4E20, v9;
	v24 =	vld.idx.msk [tilespmem:v3+s1+$0x0], $0xffff  }
0x14f: {  	v23 =	vadd.s32 $0x4E20, v11;
	v18 =	vadd.s32 $0x4E20, v20;
	v12 =	vadd.s32 $0x7530, v9;
	[tilespmem:v10+s16+$0x0] =	vst.idx.add.f32.msk $0xffff, v16  }
0x150: {  	v6 =	vadd.s32 $0x7530, v4;
	v7 =	vadd.s32 $0x7530, v8;
	v14 =	vadd.s32 $0x7530, v5;
	v19 =	vld.idx.msk [tilespmem:v19+s1+$0x0], $0xffff  }
0x151: {  	v5 =	vadd.s32 $0x9C40, v5;
	v10 =	vmul.f32 v13, v0;
	v16 =	vadd.s32 $0x9C40, v15  }
0x152: {  	v3 =	vadd.s32 $0x9C40, v4;
	v4 =	vadd.s32 $0x9C40, v8;
	v21 =	vmul.f32 v21, v1  }
0x153: {  	v8 =	vadd.s32 $0x9C40, v9;
	v9 =	vadd.s32 $0x9C40, v11;
	v13 =	vadd.s32 $0x7530, v11;
	[tilespmem:v22+s16+$0x0] =	vst.idx.add.f32.msk $0xffff, v10  }
0x154: {  	s24 =	simm.s32 $0x18760;
	s23 =	simm.s32 $0x0;
	v11 =	vadd.s32 $0x7530, v20;
	v10 =	vadd.s32 $0x9C40, v20;
	[tilespmem:v23+s16+$0x0] =	vst.idx.add.f32.msk $0xffff, v21;
	v17 =	vmul.f32 v24, v17  }
.LBB2_6:
0x155: {  	v15 =	vld [tilespmem:s24+$0x10];
	v19 =	vmul.f32 v19, v2  }
0x156: {  	s23 =	sadd.s32 $0x4, s23;
	[tilespmem:v16+s16+$0x0] =	vst.idx.add.f32.msk $0xffff, v17  }
0x157: {  	p0 =	slt.u32 s23, $0x138;
	v20 =	vld [tilespmem:s24+$0xFFFFFFF0]  }
0x158: {  	v21 =	vld [tilespmem:s24+$0x0]  }
0x159: {  	v22 =	vld [tilespmem:s24+$0xFFFFFFE0]  }
0x15a: {  	[tilespmem:v18+s16+$0x0] =	vst.idx.add.f32.msk $0xffff, v19  }
0x15b: {  	v18 =	vld.idx.msk [tilespmem:v14+s1+$0x0], $0xffff  }
0x15c: {  	s21 =	sadd.s32 $0x40, s21;
	v19 =	vadd.s32 $0x2710, v20;
	v23 =	vadd.s32 $0x4E20, v20;
	v24 =	vld.idx.msk [tilespmem:v6+s1+$0x0], $0xffff;
	v6 =	vadd.s32 $0x7530, v20  }
0x15d: {  	v25 =	vadd.s32 $0x2710, v21;
	v26 =	vadd.s32 $0x4E20, v21;
	v27 =	vadd.s32 $0x7530, v21;
	v16 =	vld [tilespmem:s21+$0x10]  }
0x15e: {  	s22 =	sadd.s32 $0x40, s22;
	v28 =	vadd.s32 $0x2710, v22;
	v29 =	vadd.s32 $0x4E20, v22;
	v14 =	vadd.s32 $0x7530, v22;
	v30 =	vld.idx.msk [tilespmem:v15+s1+$0x0], $0xffff  }
0x15f: {  	v32 =	vadd.s32 $0x9C40, v20;
	v33 =	vadd.s32 $0x9C40, v21;
	v31 =	vadd.s32 $0x9C40, v22;
	v17 =	vld [tilespmem:s22+$0x10]  }
0x160: {  	v20 =	vld.idx.msk [tilespmem:v20+s1+$0x0], $0xffff  }
0x161: {  	v18 =	vmul.f32 v18, v0;
	v22 =	vld.idx.msk [tilespmem:v22+s1+$0x0], $0xffff  }
0x162: {  	v34 =	vadd.s32 $0x2710, v15;
	v24 =	vmul.f32 v24, v1;
	v21 =	vld.idx.msk [tilespmem:v21+s1+$0x0], $0xffff  }
0x163: {  	v35 =	vld [tilespmem:s22+$0xFFFFFFE0]  }
0x164: {  	v36 =	vld [tilespmem:s22+$0xFFFFFFF0];
	v30 =	vmul.f32 v30, v17  }
0x165: {  	v37 =	vld [tilespmem:s22+$0x0]  }
0x166: {  	[tilespmem:v16+s16+$0x0] =	vst.idx.add.f32.msk $0xffff, v30  }
0x167: {  	v30 =	vld.idx.msk [tilespmem:v34+s1+$0x0], $0xffff  }
0x168: {  	v34 =	vld [tilespmem:s21+$0xFFFFFFE0];
	v22 =	vmul.f32 v22, v35  }
0x169: {  	v38 =	vld [tilespmem:s21+$0xFFFFFFF0];
	v20 =	vmul.f32 v20, v36  }
0x16a: {  	v40 =	vadd.s32 $0x2710, v16;
	v39 =	vld [tilespmem:s21+$0x0];
	v21 =	vmul.f32 v21, v37  }
0x16b: {  	v41 =	vadd.s32 $0x4E20, v15;
	v42 =	vld.idx.msk [tilespmem:v7+s1+$0x0], $0xffff;
	v7 =	vmov v27  }
0x16c: {  	[tilespmem:v12+s16+$0x0] =	vst.idx.add.f32.msk $0xffff, v18  }
0x16d: {  	v30 =	vmul.f32 v30, v17;
	v27 =	vadd.s32 $0x2710, v34;
	v43 =	vadd.s32 $0x4E20, v34;
	[tilespmem:v13+s16+$0x0] =	vst.idx.add.f32.msk $0xffff, v24  }
0x16e: {  	v12 =	vadd.s32 $0x7530, v34;
	v24 =	vadd.s32 $0x2710, v38;
	v44 =	vadd.s32 $0x4E20, v38;
	v45 =	vld.idx.msk [tilespmem:v5+s1+$0x0], $0xffff;
	v5 =	vmovc v31  }
0x16f: {  	v13 =	vadd.s32 $0x7530, v38;
	v31 =	vadd.s32 $0x2710, v39;
	v18 =	vadd.s32 $0x4E20, v39;
	[tilespmem:v40+s16+$0x0] =	vst.idx.add.f32.msk $0xffff, v30  }
0x170: {  	v30 =	vadd.s32 $0x9C40, v34;
	v40 =	vadd.s32 $0x9C40, v38;
	v46 =	vadd.s32 $0x7530, v39;
	v41 =	vld.idx.msk [tilespmem:v41+s1+$0x0], $0xffff  }
0x171: {  	[tilespmem:v34+s16+$0x0] =	vst.idx.add.f32.msk $0xffff, v22;
	v22 =	vadd.s32 $0x9C40, v39;
	v34 =	vmul.f32 v42, v2  }
0x172: {  	[tilespmem:v38+s16+$0x0] =	vst.idx.add.f32.msk $0xffff, v20  }
0x173: {  	v20 =	vadd.s32 $0x4E20, v16;
	[tilespmem:v39+s16+$0x0] =	vst.idx.add.f32.msk $0xffff, v21  }
0x174: {  	v38 =	vmul.f32 v45, v0;
	v0 =	vmov v35;
	v21 =	vld.idx.msk [tilespmem:v28+s1+$0x0], $0xffff;
	v28 =	vadd.s32 $0x7530, v15  }
0x175: {  	v19 =	vld.idx.msk [tilespmem:v19+s1+$0x0], $0xffff  }
0x176: {  	v35 =	vmul.f32 v41, v17;
	v25 =	vld.idx.msk [tilespmem:v25+s1+$0x0], $0xffff  }
0x177: {  	[tilespmem:v11+s16+$0x0] =	vst.idx.add.f32.msk $0xffff, v34;
	v11 =	vmov v46  }
0x178: {  	[tilespmem:v20+s16+$0x0] =	vst.idx.add.f32.msk $0xffff, v35  }
0x179: {  	v20 =	vld.idx.msk [tilespmem:v28+s1+$0x0], $0xffff  }
0x17a: {  	v21 =	vmul.f32 v21, v0;
	v28 =	vld.idx.msk [tilespmem:v3+s1+$0x0], $0xffff;
	v3 =	vmov v32  }
0x17b: {  	v19 =	vmul.f32 v19, v36;
	v32 =	vld.idx.msk [tilespmem:v4+s1+$0x0], $0xffff;
	v4 =	vmov v33  }
0x17c: {  	[tilespmem:v27+s16+$0x0] =	vst.idx.add.f32.msk $0xffff, v21;
	v21 =	vmul.f32 v25, v37;
	v25 =	vadd.s32 $0x7530, v16  }
0x17d: {  	v15 =	vadd.s32 $0x9C40, v15;
	[tilespmem:v24+s16+$0x0] =	vst.idx.add.f32.msk $0xffff, v19  }
0x17e: {  	[tilespmem:v31+s16+$0x0] =	vst.idx.add.f32.msk $0xffff, v21  }
0x17f: {  	v19 =	vmul.f32 v20, v17;
	v21 =	vld.idx.msk [tilespmem:v29+s1+$0x0], $0xffff  }
0x180: {  	v20 =	vld.idx.msk [tilespmem:v23+s1+$0x0], $0xffff;
	v23 =	vmul.f32 v28, v1;
	v1 =	vmov v36  }
0x181: {  	v24 =	vmul.f32 v32, v2;
	v2 =	vmov v37;
	[tilespmem:v25+s16+$0x0] =	vst.idx.add.f32.msk $0xffff, v19  }
0x182: {  	v15 =	vld.idx.msk [tilespmem:v15+s1+$0x0], $0xffff  }
0x183: {  	v19 =	vld.idx.msk [tilespmem:v26+s1+$0x0], $0xffff  }
.Ltmp2:
0x184: {  	[tilespmem:v8+s16+$0x0] =	vst.idx.add.f32.msk $0xffff, v38;
	v8 =	vmov v30;
	(pc) =	sbr.rel @p0 .LBB2_6-.Ltmp2, $4  }
0x185: {  	v16 =	vadd.s32 $0x9C40, v16;
	v21 =	vmul.f32 v21, v0;
	[tilespmem:v9+s16+$0x0] =	vst.idx.add.f32.msk $0xffff, v23;
	v9 =	vmov v40  }
0x186: {  	v20 =	vmul.f32 v20, v1;
	[tilespmem:v10+s16+$0x0] =	vst.idx.add.f32.msk $0xffff, v24;
	v10 =	vmov v22  }
0x187: {  	[tilespmem:v43+s16+$0x0] =	vst.idx.add.f32.msk $0xffff, v21  }
0x188: {  	s24 =	sadd.s32 $0x40, s24;
	v17 =	vmul.f32 v15, v17;
	[tilespmem:v44+s16+$0x0] =	vst.idx.add.f32.msk $0xffff, v20  }
0x189: {  	_ =	sdelay $0x3  }
0x18a: {  	v14 =	vld.idx.msk [tilespmem:v14+s1+$0x0], $0xffff  }
0x18b: {  	v15 =	vmul.f32 v19, v2;
	v6 =	vld.idx.msk [tilespmem:v6+s1+$0x0], $0xffff;
	_ =	sdelay $0x1  }
0x18c: {  	[tilespmem:v18+s16+$0x0] =	vst.idx.add.f32.msk $0xffff, v15  }
0x18d: {  	v7 =	vld.idx.msk [tilespmem:v7+s1+$0x0], $0xffff  }
0x18e: {  	v14 =	vmul.f32 v14, v0  }
0x18f: {  	v6 =	vmul.f32 v6, v1  }
0x190: {  	[tilespmem:v12+s16+$0x0] =	vst.idx.add.f32.msk $0xffff, v14  }
0x191: {  	[tilespmem:v13+s16+$0x0] =	vst.idx.add.f32.msk $0xffff, v6  }
0x192: {  	v6 =	vmul.f32 v7, v2;
	v5 =	vld.idx.msk [tilespmem:v5+s1+$0x0], $0xffff  }
0x193: {  	v3 =	vld.idx.msk [tilespmem:v3+s1+$0x0], $0xffff  }
0x194: {  	[tilespmem:v11+s16+$0x0] =	vst.idx.add.f32.msk $0xffff, v6  }
0x195: {  	v4 =	vld.idx.msk [tilespmem:v4+s1+$0x0], $0xffff;
	_ =	sdelay $0x2  }
0x196: {  	v0 =	vmul.f32 v5, v0  }
0x197: {  	[tilespmem:v16+s16+$0x0] =	vst.idx.add.f32.msk $0xffff, v17;
	v1 =	vmul.f32 v3, v1  }
0x198: {  	[tilespmem:v8+s16+$0x0] =	vst.idx.add.f32.msk $0xffff, v0;
	v2 =	vmul.f32 v4, v2  }
0x199: {  	[tilespmem:v9+s16+$0x0] =	vst.idx.add.f32.msk $0xffff, v1  }
0x19a: {  	[tilespmem:v10+s16+$0x0] =	vst.idx.add.f32.msk $0xffff, v2  }
0x19b: {  	[tilespmem:s17], [sflag:$0x1] =	stream.linear.gather [hbm4b:s8+s1], $0x13C0, $0x38;
	[tilespmem:$0x1C300] =	vst v63  }
0x19c: {  	_ =	swait.ge [sflag:s15], $0x13C0  }
0x19d: {  	[sflag:s15] =	ssyncset.done $0x0  }
0x19e: {  	[sflag:s15] =	ssyncadd.s32 $0xFFFFEC40  }
0x19f: {  	[tilespmem:s18], [sflag:$0x1] =	stream.linear.gather [hbm4b:s9+s1], $0x13C0, $0x38;
	[tilespmem:$0x1C300] =	vst v63  }
0x1a0: {  	_ =	swait.ge [sflag:s15], $0x13C0  }
0x1a1: {  	[sflag:s15] =	ssyncset.done $0x0  }
0x1a2: {  	[sflag:s15] =	ssyncadd.s32 $0xFFFFEC40  }
0x1a3: {  	[tilespmem:s19], [sflag:$0x1] =	stream.linear.gather [hbm4b:s10+s1], $0x13C0, $0x38;
	[tilespmem:$0x1C300] =	vst v63  }
0x1a4: {  	_ =	swait.ge [sflag:s15], $0x13C0  }
0x1a5: {  	[sflag:s15] =	ssyncset.done $0x0  }
0x1a6: {  	s23 =	simm.s32 $0x18720;
	[sflag:s15] =	ssyncadd.s32 $0xFFFFEC40  }
0x1a7: {  	v3 =	vld [tilespmem:s23+$0x10];
	_ =	sdelay $0x4  }
0x1a8: {  	s21 =	simm.s32 $0x19B20  }
0x1a9: {  	s22 =	simm.s32 $0x1AF20;
	v15 =	vld [tilespmem:s21+$0x10]  }
0x1aa: {  	v17 =	vld [tilespmem:s22+$0x10]  }
0x1ab: {  	v0 =	vld.idx.msk [tilespmem:v3+s1+$0x0], $0xffff  }
0x1ac: {  	v4 =	vld [tilespmem:s23+$0xFFFFFFF0]  }
0x1ad: {  	v5 =	vld [tilespmem:s23+$0xFFFFFFE0]  }
0x1ae: {  	v1 =	vadd.s32 $0x2710, v3  }
0x1af: {  	v8 =	vld [tilespmem:s23+$0x0]  }
0x1b0: {  	v9 =	vld [tilespmem:s21+$0xFFFFFFE0];
	v0 =	vmul.f32 v0, v17  }
0x1b1: {  	v11 =	vld [tilespmem:s21+$0xFFFFFFF0]  }
0x1b2: {  	[tilespmem:v15+s16+$0x0] =	vst.idx.add.f32.msk $0xffff, v0  }
0x1b3: {  	v2 =	vld.idx.msk [tilespmem:v1+s1+$0x0], $0xffff  }
0x1b4: {  	v6 =	vld.idx.msk [tilespmem:v4+s1+$0x0], $0xffff  }
0x1b5: {  	v10 =	vadd.s32 $0x2710, v15;
	v7 =	vld.idx.msk [tilespmem:v5+s1+$0x0], $0xffff  }
0x1b6: {  	v12 =	vadd.s32 $0x4E20, v3;
	v0 =	vld [tilespmem:s22+$0xFFFFFFE0]  }
0x1b7: {  	v1 =	vld [tilespmem:s22+$0xFFFFFFF0]  }
0x1b8: {  	v20 =	vld [tilespmem:s21+$0x0];
	v14 =	vmul.f32 v2, v17  }
0x1b9: {  	v13 =	vld.idx.msk [tilespmem:v8+s1+$0x0], $0xffff  }
0x1ba: {  	v16 =	vadd.s32 $0x2710, v5;
	[tilespmem:v10+s16+$0x0] =	vst.idx.add.f32.msk $0xffff, v14  }
0x1bb: {  	v7 =	vmul.f32 v7, v0;
	v10 =	vadd.s32 $0x2710, v4;
	v12 =	vld.idx.msk [tilespmem:v12+s1+$0x0], $0xffff  }
0x1bc: {  	v2 =	vld [tilespmem:s22+$0x0];
	v6 =	vmul.f32 v6, v1  }
0x1bd: {  	[tilespmem:v9+s16+$0x0] =	vst.idx.add.f32.msk $0xffff, v7;
	v7 =	vadd.s32 $0x4E20, v15  }
0x1be: {  	[tilespmem:v11+s16+$0x0] =	vst.idx.add.f32.msk $0xffff, v6;
	v6 =	vadd.s32 $0x7530, v3  }
0x1bf: {  	v14 =	vld.idx.msk [tilespmem:v16+s1+$0x0], $0xffff  }
0x1c0: {  	v16 =	vadd.s32 $0x2710, v8;
	v10 =	vld.idx.msk [tilespmem:v10+s1+$0x0], $0xffff;
	v12 =	vmul.f32 v12, v17  }
0x1c1: {  	v18 =	vadd.s32 $0x2710, v9  }
0x1c2: {  	v19 =	vadd.s32 $0x2710, v11;
	v13 =	vmul.f32 v13, v2;
	[tilespmem:v7+s16+$0x0] =	vst.idx.add.f32.msk $0xffff, v12  }
0x1c3: {  	v7 =	vadd.s32 $0x4E20, v5;
	v6 =	vld.idx.msk [tilespmem:v6+s1+$0x0], $0xffff  }
0x1c4: {  	[tilespmem:v20+s16+$0x0] =	vst.idx.add.f32.msk $0xffff, v13;
	v13 =	vmul.f32 v14, v0;
	v12 =	vadd.s32 $0x4E20, v4  }
0x1c5: {  	v14 =	vld.idx.msk [tilespmem:v16+s1+$0x0], $0xffff;
	v16 =	vadd.s32 $0x7530, v15;
	v10 =	vmul.f32 v10, v1  }
0x1c6: {  	v3 =	vadd.s32 $0x9C40, v3;
	[tilespmem:v18+s16+$0x0] =	vst.idx.add.f32.msk $0xffff, v13  }
0x1c7: {  	[tilespmem:v19+s16+$0x0] =	vst.idx.add.f32.msk $0xffff, v10;
	v10 =	vadd.s32 $0x2710, v20  }
0x1c8: {  	v19 =	vadd.s32 $0x4E20, v8;
	v13 =	vld.idx.msk [tilespmem:v7+s1+$0x0], $0xffff;
	v7 =	vmul.f32 v6, v17  }
0x1c9: {  	v21 =	vld.idx.msk [tilespmem:v12+s1+$0x0], $0xffff  }
0x1ca: {  	[tilespmem:v16+s16+$0x0] =	vst.idx.add.f32.msk $0xffff, v7;
	v16 =	vmul.f32 v14, v2  }
0x1cb: {  	v22 =	vadd.s32 $0x4E20, v9;
	v24 =	vld.idx.msk [tilespmem:v3+s1+$0x0], $0xffff  }
0x1cc: {  	v23 =	vadd.s32 $0x4E20, v11;
	v18 =	vadd.s32 $0x4E20, v20;
	v12 =	vadd.s32 $0x7530, v9;
	[tilespmem:v10+s16+$0x0] =	vst.idx.add.f32.msk $0xffff, v16  }
0x1cd: {  	v6 =	vadd.s32 $0x7530, v4;
	v7 =	vadd.s32 $0x7530, v8;
	v14 =	vadd.s32 $0x7530, v5;
	v19 =	vld.idx.msk [tilespmem:v19+s1+$0x0], $0xffff  }
0x1ce: {  	v5 =	vadd.s32 $0x9C40, v5;
	v10 =	vmul.f32 v13, v0;
	v16 =	vadd.s32 $0x9C40, v15  }
0x1cf: {  	v3 =	vadd.s32 $0x9C40, v4;
	v4 =	vadd.s32 $0x9C40, v8;
	v21 =	vmul.f32 v21, v1  }
0x1d0: {  	v8 =	vadd.s32 $0x9C40, v9;
	v9 =	vadd.s32 $0x9C40, v11;
	v13 =	vadd.s32 $0x7530, v11;
	[tilespmem:v22+s16+$0x0] =	vst.idx.add.f32.msk $0xffff, v10  }
0x1d1: {  	s24 =	simm.s32 $0x18760;
	s23 =	simm.s32 $0x0;
	v11 =	vadd.s32 $0x7530, v20;
	v10 =	vadd.s32 $0x9C40, v20;
	[tilespmem:v23+s16+$0x0] =	vst.idx.add.f32.msk $0xffff, v21;
	v17 =	vmul.f32 v24, v17  }
.LBB2_8:
0x1d2: {  	v15 =	vld [tilespmem:s24+$0x10];
	v19 =	vmul.f32 v19, v2  }
0x1d3: {  	s23 =	sadd.s32 $0x4, s23;
	[tilespmem:v16+s16+$0x0] =	vst.idx.add.f32.msk $0xffff, v17  }
0x1d4: {  	p0 =	slt.u32 s23, $0x138;
	v20 =	vld [tilespmem:s24+$0xFFFFFFF0]  }
0x1d5: {  	v21 =	vld [tilespmem:s24+$0x0]  }
0x1d6: {  	v22 =	vld [tilespmem:s24+$0xFFFFFFE0]  }
0x1d7: {  	[tilespmem:v18+s16+$0x0] =	vst.idx.add.f32.msk $0xffff, v19  }
0x1d8: {  	v18 =	vld.idx.msk [tilespmem:v14+s1+$0x0], $0xffff  }
0x1d9: {  	s21 =	sadd.s32 $0x40, s21;
	v19 =	vadd.s32 $0x2710, v20;
	v23 =	vadd.s32 $0x4E20, v20;
	v24 =	vld.idx.msk [tilespmem:v6+s1+$0x0], $0xffff;
	v6 =	vadd.s32 $0x7530, v20  }
0x1da: {  	v25 =	vadd.s32 $0x2710, v21;
	v26 =	vadd.s32 $0x4E20, v21;
	v27 =	vadd.s32 $0x7530, v21;
	v16 =	vld [tilespmem:s21+$0x10]  }
0x1db: {  	s22 =	sadd.s32 $0x40, s22;
	v28 =	vadd.s32 $0x2710, v22;
	v29 =	vadd.s32 $0x4E20, v22;
	v14 =	vadd.s32 $0x7530, v22;
	v30 =	vld.idx.msk [tilespmem:v15+s1+$0x0], $0xffff  }
0x1dc: {  	v32 =	vadd.s32 $0x9C40, v20;
	v33 =	vadd.s32 $0x9C40, v21;
	v31 =	vadd.s32 $0x9C40, v22;
	v17 =	vld [tilespmem:s22+$0x10]  }
0x1dd: {  	v20 =	vld.idx.msk [tilespmem:v20+s1+$0x0], $0xffff  }
0x1de: {  	v18 =	vmul.f32 v18, v0;
	v22 =	vld.idx.msk [tilespmem:v22+s1+$0x0], $0xffff  }
0x1df: {  	v34 =	vadd.s32 $0x2710, v15;
	v24 =	vmul.f32 v24, v1;
	v21 =	vld.idx.msk [tilespmem:v21+s1+$0x0], $0xffff  }
0x1e0: {  	v35 =	vld [tilespmem:s22+$0xFFFFFFE0]  }
0x1e1: {  	v36 =	vld [tilespmem:s22+$0xFFFFFFF0];
	v30 =	vmul.f32 v30, v17  }
0x1e2: {  	v37 =	vld [tilespmem:s22+$0x0]  }
0x1e3: {  	[tilespmem:v16+s16+$0x0] =	vst.idx.add.f32.msk $0xffff, v30  }
0x1e4: {  	v30 =	vld.idx.msk [tilespmem:v34+s1+$0x0], $0xffff  }
0x1e5: {  	v34 =	vld [tilespmem:s21+$0xFFFFFFE0];
	v22 =	vmul.f32 v22, v35  }
0x1e6: {  	v38 =	vld [tilespmem:s21+$0xFFFFFFF0];
	v20 =	vmul.f32 v20, v36  }
0x1e7: {  	v40 =	vadd.s32 $0x2710, v16;
	v39 =	vld [tilespmem:s21+$0x0];
	v21 =	vmul.f32 v21, v37  }
0x1e8: {  	v41 =	vadd.s32 $0x4E20, v15;
	v42 =	vld.idx.msk [tilespmem:v7+s1+$0x0], $0xffff;
	v7 =	vmov v27  }
0x1e9: {  	[tilespmem:v12+s16+$0x0] =	vst.idx.add.f32.msk $0xffff, v18  }
0x1ea: {  	v30 =	vmul.f32 v30, v17;
	v27 =	vadd.s32 $0x2710, v34;
	v43 =	vadd.s32 $0x4E20, v34;
	[tilespmem:v13+s16+$0x0] =	vst.idx.add.f32.msk $0xffff, v24  }
0x1eb: {  	v12 =	vadd.s32 $0x7530, v34;
	v24 =	vadd.s32 $0x2710, v38;
	v44 =	vadd.s32 $0x4E20, v38;
	v45 =	vld.idx.msk [tilespmem:v5+s1+$0x0], $0xffff;
	v5 =	vmovc v31  }
0x1ec: {  	v13 =	vadd.s32 $0x7530, v38;
	v31 =	vadd.s32 $0x2710, v39;
	v18 =	vadd.s32 $0x4E20, v39;
	[tilespmem:v40+s16+$0x0] =	vst.idx.add.f32.msk $0xffff, v30  }
0x1ed: {  	v30 =	vadd.s32 $0x9C40, v34;
	v40 =	vadd.s32 $0x9C40, v38;
	v46 =	vadd.s32 $0x7530, v39;
	v41 =	vld.idx.msk [tilespmem:v41+s1+$0x0], $0xffff  }
0x1ee: {  	[tilespmem:v34+s16+$0x0] =	vst.idx.add.f32.msk $0xffff, v22;
	v22 =	vadd.s32 $0x9C40, v39;
	v34 =	vmul.f32 v42, v2  }
0x1ef: {  	[tilespmem:v38+s16+$0x0] =	vst.idx.add.f32.msk $0xffff, v20  }
0x1f0: {  	v20 =	vadd.s32 $0x4E20, v16;
	[tilespmem:v39+s16+$0x0] =	vst.idx.add.f32.msk $0xffff, v21  }
0x1f1: {  	v38 =	vmul.f32 v45, v0;
	v0 =	vmov v35;
	v21 =	vld.idx.msk [tilespmem:v28+s1+$0x0], $0xffff;
	v28 =	vadd.s32 $0x7530, v15  }
0x1f2: {  	v19 =	vld.idx.msk [tilespmem:v19+s1+$0x0], $0xffff  }
0x1f3: {  	v35 =	vmul.f32 v41, v17;
	v25 =	vld.idx.msk [tilespmem:v25+s1+$0x0], $0xffff  }
0x1f4: {  	[tilespmem:v11+s16+$0x0] =	vst.idx.add.f32.msk $0xffff, v34;
	v11 =	vmov v46  }
0x1f5: {  	[tilespmem:v20+s16+$0x0] =	vst.idx.add.f32.msk $0xffff, v35  }
0x1f6: {  	v20 =	vld.idx.msk [tilespmem:v28+s1+$0x0], $0xffff  }
0x1f7: {  	v21 =	vmul.f32 v21, v0;
	v28 =	vld.idx.msk [tilespmem:v3+s1+$0x0], $0xffff;
	v3 =	vmov v32  }
0x1f8: {  	v19 =	vmul.f32 v19, v36;
	v32 =	vld.idx.msk [tilespmem:v4+s1+$0x0], $0xffff;
	v4 =	vmov v33  }
0x1f9: {  	[tilespmem:v27+s16+$0x0] =	vst.idx.add.f32.msk $0xffff, v21;
	v21 =	vmul.f32 v25, v37;
	v25 =	vadd.s32 $0x7530, v16  }
0x1fa: {  	v15 =	vadd.s32 $0x9C40, v15;
	[tilespmem:v24+s16+$0x0] =	vst.idx.add.f32.msk $0xffff, v19  }
0x1fb: {  	[tilespmem:v31+s16+$0x0] =	vst.idx.add.f32.msk $0xffff, v21  }
0x1fc: {  	v19 =	vmul.f32 v20, v17;
	v21 =	vld.idx.msk [tilespmem:v29+s1+$0x0], $0xffff  }
0x1fd: {  	v20 =	vld.idx.msk [tilespmem:v23+s1+$0x0], $0xffff;
	v23 =	vmul.f32 v28, v1;
	v1 =	vmov v36  }
0x1fe: {  	v24 =	vmul.f32 v32, v2;
	v2 =	vmov v37;
	[tilespmem:v25+s16+$0x0] =	vst.idx.add.f32.msk $0xffff, v19  }
0x1ff: {  	v15 =	vld.idx.msk [tilespmem:v15+s1+$0x0], $0xffff  }
0x200: {  	v19 =	vld.idx.msk [tilespmem:v26+s1+$0x0], $0xffff  }
.Ltmp3:
0x201: {  	[tilespmem:v8+s16+$0x0] =	vst.idx.add.f32.msk $0xffff, v38;
	v8 =	vmov v30;
	(pc) =	sbr.rel @p0 .LBB2_8-.Ltmp3, $4  }
0x202: {  	v16 =	vadd.s32 $0x9C40, v16;
	v21 =	vmul.f32 v21, v0;
	[tilespmem:v9+s16+$0x0] =	vst.idx.add.f32.msk $0xffff, v23;
	v9 =	vmov v40  }
0x203: {  	v20 =	vmul.f32 v20, v1;
	[tilespmem:v10+s16+$0x0] =	vst.idx.add.f32.msk $0xffff, v24;
	v10 =	vmov v22  }
0x204: {  	[tilespmem:v43+s16+$0x0] =	vst.idx.add.f32.msk $0xffff, v21  }
0x205: {  	s24 =	sadd.s32 $0x40, s24;
	v17 =	vmul.f32 v15, v17;
	[tilespmem:v44+s16+$0x0] =	vst.idx.add.f32.msk $0xffff, v20  }
0x206: {  	_ =	sdelay $0x3  }
0x207: {  	v14 =	vld.idx.msk [tilespmem:v14+s1+$0x0], $0xffff  }
0x208: {  	v15 =	vmul.f32 v19, v2;
	v6 =	vld.idx.msk [tilespmem:v6+s1+$0x0], $0xffff;
	_ =	sdelay $0x1  }
0x209: {  	[tilespmem:v18+s16+$0x0] =	vst.idx.add.f32.msk $0xffff, v15  }
0x20a: {  	v7 =	vld.idx.msk [tilespmem:v7+s1+$0x0], $0xffff  }
0x20b: {  	v14 =	vmul.f32 v14, v0  }
0x20c: {  	v6 =	vmul.f32 v6, v1  }
0x20d: {  	[tilespmem:v12+s16+$0x0] =	vst.idx.add.f32.msk $0xffff, v14  }
0x20e: {  	[tilespmem:v13+s16+$0x0] =	vst.idx.add.f32.msk $0xffff, v6  }
0x20f: {  	v60 =	vmul.f32 v7, v2;
	v5 =	vld.idx.msk [tilespmem:v5+s1+$0x0], $0xffff  }
0x210: {  	v3 =	vld.idx.msk [tilespmem:v3+s1+$0x0], $0xffff  }
0x211: {  	[tilespmem:v11+s16+$0x0] =	vst.idx.add.f32.msk $0xffff, v60  }
0x212: {  	v4 =	vld.idx.msk [tilespmem:v4+s1+$0x0], $0xffff;
	_ =	sdelay $0x2  }
0x213: {  	v61 =	vmul.f32 v5, v0  }
0x214: {  	[tilespmem:v16+s16+$0x0] =	vst.idx.add.f32.msk $0xffff, v17;
	v62 =	vmul.f32 v3, v1  }
0x215: {  	s20 =	sadd.s32 $0x1, s20;
	[tilespmem:v8+s16+$0x0] =	vst.idx.add.f32.msk $0xffff, v61;
	v63 =	vmul.f32 v4, v2  }
0x216: {  	p0 =	sne.s32 s20, s14;
	[tilespmem:v9+s16+$0x0] =	vst.idx.add.f32.msk $0xffff, v62  }
.Ltmp4:
0x217: {  	[tilespmem:v10+s16+$0x0] =	vst.idx.add.f32.msk $0xffff, v63;
	(pc) =	sbr.rel @p0 .LBB2_1-.Ltmp4, $4  }
0x218: {  	[hbm4b:s13+s1] =	stream.linear.scatter [tilespmem:s16], [sflag:$0x1], $0xC350, $0x38;
	[tilespmem:$0x1C300] =	vst v63  }
0x219: {  	_ =	swait.ge [sflag:s15], $0xC350  }
0x21a: {  	[sflag:s15] =	ssyncset.done $0x0  }
0x21b: {  	[sflag:s15] =	ssyncadd.s32 $0xFFFF3CB0  }
0x21c: {  	_ =	sfence.sel $0x180000  }
0x21d: {  	[bflag:$0x0] =	sbarrier.arrive $0xFFFF  }
0x21e: {  	p0 =	sne.s32 s2, $0x0;
	_ =	strace $0x9000004A  }
0x21f: {  	s0 =	sadd.s32 @!p0 $0x100000, s0;
	[bflag:$0x2] =	sbarrier.arrive $0xFFFF  }
0x220: {  	[sflag:s0] =	ssyncadd.tile.s32 @!p0 $0x1;
	_ =	shalt  }
.Lfunc_end2:
_tile_overlayer_lowered:
.L_overlay_start_2:
0x221: {  	(tag) =	ssettag $0x2  }
0x222: {  	s0 =	rddreg [dreg:$0x0];
	s2 =	stileid.u32  }
0x223: {  	s1 =	rddreg [dreg:$0x1];
	p0 =	sne.s32 s2, $0x0  }
0x224: {  	s3 =	rddreg [dreg:$0x2];
	[bflag:$0x3] =	sbarrier.arrive $0xFFFF;
	s2 =	simm.s32 @!p0 $0x1C01  }
0x225: {  	[timem:s3], [sflag:s2] =	dma.local @!p0 [hbm:s0], s1  }
0x226: {  	s0 =	simm.s32 @!p0 $0x1  }
0x227: {  	_ =	swait.ge @!p0 [sflag:s0], s1  }
0x228: {  	s1 =	ssub.s32 @!p0 $0x0, s1;
	[sflag:s0] =	ssyncset.done @!p0 $0x0  }
0x229: {  	[sflag:s0] =	ssyncadd.s32 @!p0 s1  }
0x22a: {  	[bflag:$0x3] =	sbarrier.arrive $0xFFFF  }
0x22b: {  	_ =	shalt  }

// kernel: kernel.15.cloned.1.call-start
scs
__scs_entry_jumppad:
0x0: {  	(pc) =	sbr.rel $0x88, $3  }
0x1: {  	(tag) =	ssettag $0x0;
	lr =	simm.s32 $0x1  }
0x2: {  	[smem:$0x3F90] =	sst lr;
	_ =	strace $0xD0000000  }
0x3: {  	_ = 	snop  }
0x4: {  	_ = 	snop  }
0x5: {  	_ = 	snop  }
0x6: {  	_ = 	snop  }
0x7: {  	_ = 	snop  }
__scs_overlays_trampoline_lowered:
0x8: {  	[smem:$0x3F9F] =	sst s0  }
0x9: {  	[smem:$0x3FA0] =	sst s1  }
0xa: {  	[smem:$0x3FA1] =	sst s2  }
0xb: {  	[smem:$0x3FA2] =	sst s3  }
0xc: {  	[smem:$0x3FA3] =	sst s4  }
0xd: {  	[smem:$0x3FA4] =	sst s5  }
0xe: {  	[smem:$0x3FA5] =	sst s6  }
0xf: {  	[smem:$0x3FA6] =	sst s7  }
0x10: {  	[smem:$0x3FA7] =	sst s8  }
0x11: {  	[smem:$0x3FA8] =	sst s9;
	s0 =	simm.s32 @!p0 $0x0  }
0x12: {  	s1 =	sld [smem:$0x3F8E];
	s0 =	simm.s32 @p0 $0x1  }
0x13: {  	[smem:$0x3FA9] =	sst s0;
	s0 =	simm.s32 @!p1 $0x0  }
0x14: {  	s2 =	sld [smem:$0x3F8D];
	s0 =	simm.s32 @p1 $0x1  }
0x15: {  	[smem:$0x3FAA] =	sst s0;
	s0 =	simm.s32 @!p2 $0x0  }
0x16: {  	s3 =	sld [smem:$0x3FDB];
	s0 =	simm.s32 @p2 $0x1  }
0x17: {  	s4 =	simm.s32 $0x1BF5;
	[smem:$0x3FAC] =	sst s0  }
0x18: {  	s0 =	sld [smem:$0x3F8F];
	_ =	swait.ge [sflag:s4], $0x0  }
0x19: {  	s7 =	sld [smem:$0x3F90]  }
0x1a: {  	s8 =	sadd.s32 $0xFFFFE003, lr  }
0x1b: {  	s9 =	sadd.s32 $0xFFFFFEF7, lr;
	s5 =	simm.s32 $0xFFFFFFFF;
	p2 =	slt.u32 s8, $0xFFFFF086  }
0x1c: {  	p1 =	slt.u32 s9, $0xF7A;
	s5 =	simm.s32 @!p2 $0x0  }
0x1d: {  	s5 =	simm.s32 @p1 $0x1;
	p0 =	seq.s32 s7, s2  }
0x1e: {  	s7 =	smul.u32 @!p0 $0xF7A, s2;
	p2 =	seq.s32 @!p0 s5, $0x0  }
0x1f: {  	s9 =	smul.u32 $0xF7A, s1;
	s8 =	simm.s32 @!p0 $0x1BF5;
	p2 =	por !p2, p0  }
0x20: {  	[sflag:s8] =	ssyncset.s32 @!p0 $0xFFFFF086;
	s6 =	sadd.s32 @!p0 s3, s7;
	s7 =	simm.s32 @!p0 $0x108  }
0x21: {  	s3 =	sadd.s32 s3, s9;
	s6 =	sadd.s32 @!p0 $0x88, s6;
	s7 =	simm.s32 @p2 $0x1082  }
0x22: {  	[simem:s7], [sflag:s8] =	dma.local @!p0 [hbm:s6], $0xF7A  }
0x23: {  	s9 =	sor.u32 $0xD0000000, s2;
	s6 =	simm.s32 $0x108;
	_ =	swait.ge @!p0 [sflag:s8], $0x0  }
0x24: {  	s3 =	sadd.s32 $0x88, s3;
	s6 =	simm.s32 @!p1 $0x1082;
	[sflag:s4] =	ssyncset.s32 $0xFFFFF086  }
0x25: {  	[simem:s6], [sflag:s4] =	dma.local [hbm:s3], $0xF7A  }
0x26: {  	[smem:$0x3F90] =	sst s1;
	(tag) =	ssettag s2;
	_ =	strace s9  }
0x27: {  	s1 =	sld [smem:$0x3FA0]  }
0x28: {  	s2 =	sld [smem:$0x3FA1]  }
0x29: {  	s4 =	sld [smem:$0x3FA3]  }
0x2a: {  	p0 =	seq.s32 s5, $0x0;
	s5 =	sld [smem:$0x3FA4]  }
0x2b: {  	s6 =	sld [smem:$0x3FA5]  }
0x2c: {  	s7 =	sld [smem:$0x3FA6]  }
0x2d: {  	s3 =	simm.s32 $0x108;
	s8 =	sld [smem:$0x3FA7]  }
0x2e: {  	s3 =	simm.s32 @!p0 $0x1082;
	s9 =	sld [smem:$0x3FA8]  }
0x2f: {  	lr =	sadd.s32 s0, s3;
	s0 =	sld [smem:$0x3F9F]  }
0x30: {  	s3 =	sld [smem:$0x3FA2]  }
0x31: {  	[smem:$0x3FAB] =	sst s10  }
0x32: {  	s10 =	sld [smem:$0x3FA9];
	_ =	sdelay $0x3  }
0x33: {  	p0 =	seq.s32 s10, $0x1;
	s10 =	sld [smem:$0x3FAB];
	_ =	sdelay $0x3  }
0x34: {  	[smem:$0x3FAB] =	sst s10  }
0x35: {  	s10 =	sld [smem:$0x3FAA];
	_ =	sdelay $0x3  }
0x36: {  	p1 =	seq.s32 s10, $0x1;
	s10 =	sld [smem:$0x3FAB];
	_ =	sdelay $0x3  }
0x37: {  	[smem:$0x3FAB] =	sst s10  }
0x38: {  	s10 =	sld [smem:$0x3FAC]  }
0x39: {  	_ = 	snop;
	(pc) =	sbr.ind lr, $3  }
0x3a: {  	_ = 	snop  }
0x3b: {  	_ = 	snop  }
0x3c: {  	p2 =	seq.s32 s10, $0x1;
	s10 =	sld [smem:$0x3FAB]  }
0x3d: {  	_ =	shalt  }
0x3e: {  	_ =	shalt  }
0x3f: {  	_ =	shalt  }
0x40: {  	_ =	shalt  }
0x41: {  	_ =	shalt  }
0x42: {  	_ =	shalt  }
0x43: {  	_ =	shalt  }
0x44: {  	_ =	shalt  }
0x45: {  	_ =	shalt  }
0x46: {  	_ =	shalt  }
0x47: {  	_ =	shalt  }
0x48: {  	_ =	shalt  }
0x49: {  	_ =	shalt  }
0x4a: {  	_ =	shalt  }
0x4b: {  	_ =	shalt  }
0x4c: {  	_ =	shalt  }
0x4d: {  	_ =	shalt  }
0x4e: {  	_ =	shalt  }
0x4f: {  	_ =	shalt  }
0x50: {  	_ =	shalt  }
0x51: {  	_ =	shalt  }
0x52: {  	_ =	shalt  }
0x53: {  	_ =	shalt  }
0x54: {  	_ =	shalt  }
0x55: {  	_ =	shalt  }
0x56: {  	_ =	shalt  }
0x57: {  	_ =	shalt  }
0x58: {  	_ =	shalt  }
0x59: {  	_ =	shalt  }
0x5a: {  	_ =	shalt  }
0x5b: {  	_ =	shalt  }
0x5c: {  	_ =	shalt  }
0x5d: {  	_ =	shalt  }
0x5e: {  	_ =	shalt  }
0x5f: {  	_ =	shalt  }
0x60: {  	_ =	shalt  }
0x61: {  	_ =	shalt  }
0x62: {  	_ =	shalt  }
0x63: {  	_ =	shalt  }
0x64: {  	_ =	shalt  }
0x65: {  	_ =	shalt  }
0x66: {  	_ =	shalt  }
0x67: {  	_ =	shalt  }
0x68: {  	_ =	shalt  }
0x69: {  	_ =	shalt  }
0x6a: {  	_ =	shalt  }
0x6b: {  	_ =	shalt  }
0x6c: {  	_ =	shalt  }
0x6d: {  	_ =	shalt  }
0x6e: {  	_ =	shalt  }
0x6f: {  	_ =	shalt  }
0x70: {  	_ =	shalt  }
0x71: {  	_ =	shalt  }
0x72: {  	_ =	shalt  }
0x73: {  	_ =	shalt  }
0x74: {  	_ =	shalt  }
0x75: {  	_ =	shalt  }
0x76: {  	_ =	shalt  }
0x77: {  	_ =	shalt  }
0x78: {  	_ =	shalt  }
0x79: {  	_ =	shalt  }
0x7a: {  	_ =	shalt  }
0x7b: {  	_ =	shalt  }
0x7c: {  	_ =	shalt  }
0x7d: {  	_ =	shalt  }
0x7e: {  	_ =	shalt  }
0x7f: {  	_ =	shalt  }
0x80: {  	_ =	shalt  }
0x81: {  	_ =	shalt  }
0x82: {  	_ =	shalt  }
0x83: {  	_ =	shalt  }
0x84: {  	_ =	shalt  }
0x85: {  	_ =	shalt  }
0x86: {  	_ =	shalt  }
0x87: {  	_ =	shalt  }
.Lfunc_end0:
.L_simem_size_0:
called_computation.2_lowered:
.L_overlay_start_0:
0x88: {  	s2 =	sld [smem:$0x3FD9]  }
0x89: {  	s3 =	sld [smem:$0x3FFE];
	_ =	sdelay $0x1  }
0x8a: {  	s1 =	srdreg.scid  }
0x8b: {  	s0 =	sand.u32 $0x1, s1  }
0x8c: {  	s16 =	sshll.u32 s0, $0xA;
	s2 =	sadd.s32 s3, s2  }
0x8d: {  	s2 =	sadd.s32 s2, s16  }
0x8e: {  	[smem:$0x3FB7] =	sst s2  }
0x8f: {  	_ = 	snop  }
0x90: {  	(tm) =	ssettm $0x1  }
0x91: {  	s17 =	sld [smem:$0x3FFB];
	_ =	sdelay $0x3  }
0x92: {  	_ =	strace s17  }
0x93: {  	s2 =	sld [smem:$0x3FFC];
	_ =	sdelay $0x3  }
0x94: {  	_ =	strace s2  }
0x95: {  	s2 =	sld [smem:$0x3FFD];
	_ =	sdelay $0x3  }
0x96: {  	_ =	strace s2  }
0x97: {  	_ =	strace $0x8FFFFFFF  }
0x98: {  	s18 =	sld [smem:$0x3FDB];
	_ =	sdelay $0x1  }
0x99: {  	s19 =	simm.s32 $_scs_section_size  }
0x9a: {  	s4 =	simm.s32 $_size__tile_overlayer_lowered;
	s5 =	simm.s32 $_tile_overlayer_lowered  }
0x9b: {  	s22 =	simm.s32 $0x1BFF;
	s21 =	sshll.u32 s5, $0x1;
	s2 =	sadd.s32 s19, s18  }
0x9c: {  	s6 =	simm.s32 $0x0;
	s20 =	sshll.u32 s4, $0x1;
	s4 =	sadd.s32 s21, s2  }
0x9d: {  	[timem:s6], [sflag:s22] =	dma.local [hbm:s4], s20  }
0x9e: {  	_ =	swait.ge [sflag:s22], s20  }
0x9f: {  	s3 =	ssub.s32 $0x0, s20;
	[sflag:s22] =	ssyncset.done $0x0  }
0xa0: {  	[sflag:s22] =	ssyncadd.s32 s3;
	_ =	sdelay $0x1  }
0xa1: {  	s23 =	simm.s32 $0x1B8B  }
0xa2: {  	_ =	swait.ge [sflag:s23], $0x1  }
0xa3: {  	[sflag:s23] =	ssyncset.done $0x0  }
0xa4: {  	s25 =	simm.s32 $0x1B8E;
	s24 =	sld [smem:$0x3FFE];
	[sflag:s23] =	ssyncadd.s32 $0xFFFFFFFF  }
0xa5: {  	s26 =	simm.s32 $execute0_lowered;
	[smem:$0x3FD2] =	sst s25  }
0xa6: {  	s4 =	sshll.u32 s26, $0x1;
	_ =	strace $0x8000004C;
	[dreg:$0x1] =	wrdreg $0xFFFFFFFF  }
0xa7: {  	s28 =	simm.s32 $_size_execute0_lowered;
	s2 =	sadd.s32 s2, s4;
	[dreg:$0x0] =	wrdreg $0x0  }
0xa8: {  	s4 =	sshll.u32 s28, $0x1;
	[dreg:$0x2] =	wrdreg s2  }
0xa9: {  	[dreg:$0x3] =	wrdreg s4  }
0xaa: {  	[dreg:$0x4] =	wrdreg $0xC0  }
0xab: {  	_ =	task [dreg:s6], $0x5FFFF  }
0xac: {  	[dreg:$0x1] =	wrdreg $0xFFFFFFFF  }
0xad: {  	[dreg:$0x0] =	wrdreg $0x60  }
0xae: {  	[dreg:$0x2] =	wrdreg s24  }
0xaf: {  	[dreg:$0x3] =	wrdreg $0x9  }
0xb0: {  	_ =	task.clear_ibuf [dreg:s6], $0x4FFFF;
	_ =	strace $0x9000004C  }
0xb1: {  	s29 =	simm.s32 $0x9;
	_ =	strace $0x8000004E  }
0xb2: {  	_ =	swait.ge [sflag:s29], $0x1  }
0xb3: {  	[sflag:s29] =	ssyncadd.s32 $0xFFFFFFFF  }
0xb4: {  	_ =	strace $0x9000004E  }
0xb5: {  	_ =	sfence  }
0xb6: {  	s30 =	sld [smem:$0x0];
	_ =	sdelay $0x2  }
0xb7: {  	s31 =	sshll.u32 s1, $0xD;
	s1 =	sshrl.u32 s1, $0x2  }
0xb8: {  	s3 =	sand.u32 $0x4000, s31;
	s1 =	sadd.s32 s1, s30  }
0xb9: {  	s0 =	sor.u32 s3, s0;
	s1 =	sshll.u32 s1, $0x11  }
0xba: {  	s0 =	sor.u32 s1, s0  }
0xbb: {  	s0 =	sadd.s32 $0x8F2B, s0  }
0xbc: {  	[sflag:s0] =	ssyncadd.remote.s32 $0x1  }
0xbd: {  	_ =	sfence.sel $0xFFFF  }
0xbe: {  	[dreg:$0x0] =	wrdreg $0xFFFFFFFF;
	(pc) =	sbr.abs _section_cstart, $3  }
0xbf: {  	[dreg:$0x1] =	wrdreg $0xFFFFFFFF  }
0xc0: {  	_ =	task.clear_ibuf [dreg:s6], $0x2FFFF;
	_ =	strace $0x9FFFFFFF  }
0xc1: {  	(tm) =	ssettm $0x7FFFFFFF  }
tec
execute0_lowered:
.L_overlay_start_1:
0x0: {  	(tag) =	ssettag $0x1  }
0x1: {  	s0 =	srdreg.scid;
	s4 =	rddreg [dreg:$0x0];
	s1 =	simm.s32 $0x0  }
0x2: {  	s17 =	simm.s32 $0x18700;
	s18 =	simm.s32 $0x19B00;
	s19 =	simm.s32 $0x1AF00  }
0x3: {  	s20 =	simm.s32 $0x0;
	s5 =	sand.u32 $0x1, s0;
	s0 =	rddreg [dreg:$0x1]  }
0x4: {  	[smem:$0x7FF] =	sst s1;
	s8 =	sadd.s32 $0x16600, s4;
	s2 =	smul.u32 $0x186A0, s5  }
0x5: {  	s9 =	sadd.s32 $0x2200, s4;
	s10 =	sadd.s32 $0x7200, s4;
	s3 =	sadd.s32 $0x12400, s4  }
0x6: {  	s13 =	sadd.s32 $0x1B600, s4;
	s6 =	ssub.s32 $0x2, s5;
	s2 =	sshrl.u32 s2, $0x3  }
0x7: {  	s7 =	sshrl.u32 s6, $0x1;
	s12 =	sadd.s32 s2, s4;
	s2 =	stileid.u32  }
0x8: {  	s5 =	sshll.u32 s5, $0x4;
	s14 =	ssub.s32 s6, s7;
	s11 =	smul.u32 $0x2780, s2  }
0x9: {  	_ =	strace $0x8000004D;
	s14 =	smax.u32 s14, $0x1;
	s15 =	sor.u32 s2, s5  }
0xa: {  	s4 =	sadd.s32 $0xC200, s12;
	s16 =	smul.u32 $0x186A0, s15;
	s11 =	sshrl.u32 s11, $0x3  }
0xb: {  	s12 =	sadd.s32 $0xDA6A, s12;
	s15 =	smul.u32 $0x30D4, s15;
	s5 =	sadd.s32 s8, s11  }
0xc: {  	s6 =	sadd.s32 s9, s11;
	s7 =	sadd.s32 s10, s11;
	s11 =	sadd.s32 $0x278, s11  }
0xd: {  	s16 =	sshrl.u32 s16, $0x3;
	s8 =	sadd.s32 s8, s11;
	s9 =	sadd.s32 s9, s11  }
0xe: {  	s10 =	sadd.s32 s10, s11;
	s11 =	sadd.s32 s13, s15;
	s13 =	sadd.s32 s13, s16  }
0xf: {  	s15 =	simm.s32 $0x1;
	s16 =	simm.s32 $0xC380;
	s13 =	sadd.s32 $0x186A, s13  }
.LBB2_1:
0x10: {  	[tilespmem:s1], [sflag:$0x1] =	stream.linear.gather [hbm4b:s4+s1], $0xC350, $0x38;
	[tilespmem:$0x1C300] =	vst v63  }
0x11: {  	_ =	swait.ge [sflag:s15], $0xC350  }
0x12: {  	[sflag:s15] =	ssyncset.done $0x0  }
0x13: {  	[sflag:s15] =	ssyncadd.s32 $0xFFFF3CB0  }
0x14: {  	[tilespmem:s16], [sflag:$0x1] =	stream.linear.gather [hbm4b:s3+s1], $0xC380, $0x38;
	[tilespmem:$0x1C300] =	vst v63  }
0x15: {  	_ =	swait.ge [sflag:s15], $0xC380  }
0x16: {  	[sflag:s15] =	ssyncset.done $0x0  }
0x17: {  	[sflag:s15] =	ssyncadd.s32 $0xFFFF3C80  }
0x18: {  	[tilespmem:s17], [sflag:$0x1] =	stream.linear.gather [hbm4b:s5+s1], $0x13C0, $0x38;
	[tilespmem:$0x1C300] =	vst v63  }
0x19: {  	_ =	swait.ge [sflag:s15], $0x13C0  }
0x1a: {  	[sflag:s15] =	ssyncset.done $0x0  }
0x1b: {  	[sflag:s15] =	ssyncadd.s32 $0xFFFFEC40  }
0x1c: {  	[tilespmem:s18], [sflag:$0x1] =	stream.linear.gather [hbm4b:s6+s1], $0x13C0, $0x38;
	[tilespmem:$0x1C300] =	vst v63  }
0x1d: {  	_ =	swait.ge [sflag:s15], $0x13C0  }
0x1e: {  	[sflag:s15] =	ssyncset.done $0x0  }
0x1f: {  	[sflag:s15] =	ssyncadd.s32 $0xFFFFEC40  }
0x20: {  	[tilespmem:s19], [sflag:$0x1] =	stream.linear.gather [hbm4b:s7+s1], $0x13C0, $0x38;
	[tilespmem:$0x1C300] =	vst v63  }
0x21: {  	_ =	swait.ge [sflag:s15], $0x13C0  }
0x22: {  	[sflag:s15] =	ssyncset.done $0x0  }
0x23: {  	s23 =	simm.s32 $0x18720;
	[sflag:s15] =	ssyncadd.s32 $0xFFFFEC40  }
0x24: {  	v3 =	vld [tilespmem:s23+$0x10];
	_ =	sdelay $0x4  }
0x25: {  	s21 =	simm.s32 $0x19B20  }
0x26: {  	s22 =	simm.s32 $0x1AF20;
	v15 =	vld [tilespmem:s21+$0x10]  }
0x27: {  	v17 =	vld [tilespmem:s22+$0x10]  }
0x28: {  	v0 =	vld.idx.msk [tilespmem:v3+s1+$0x0], $0xffff  }
0x29: {  	v4 =	vld [tilespmem:s23+$0xFFFFFFF0]  }
0x2a: {  	v5 =	vld [tilespmem:s23+$0xFFFFFFE0]  }
0x2b: {  	v1 =	vadd.s32 $0x2710, v3  }
0x2c: {  	v8 =	vld [tilespmem:s23+$0x0]  }
0x2d: {  	v9 =	vld [tilespmem:s21+$0xFFFFFFE0];
	v0 =	vmul.f32 v0, v17  }
0x2e: {  	v11 =	vld [tilespmem:s21+$0xFFFFFFF0]  }
0x2f: {  	[tilespmem:v15+s16+$0x0] =	vst.idx.add.f32.msk $0xffff, v0  }
0x30: {  	v2 =	vld.idx.msk [tilespmem:v1+s1+$0x0], $0xffff  }
0x31: {  	v6 =	vld.idx.msk [tilespmem:v4+s1+$0x0], $0xffff  }
0x32: {  	v10 =	vadd.s32 $0x2710, v15;
	v7 =	vld.idx.msk [tilespmem:v5+s1+$0x0], $0xffff  }
0x33: {  	v12 =	vadd.s32 $0x4E20, v3;
	v0 =	vld [tilespmem:s22+$0xFFFFFFE0]  }
0x34: {  	v1 =	vld [tilespmem:s22+$0xFFFFFFF0]  }
0x35: {  	v20 =	vld [tilespmem:s21+$0x0];
	v14 =	vmul.f32 v2, v17  }
0x36: {  	v13 =	vld.idx.msk [tilespmem:v8+s1+$0x0], $0xffff  }
0x37: {  	v16 =	vadd.s32 $0x2710, v5;
	[tilespmem:v10+s16+$0x0] =	vst.idx.add.f32.msk $0xffff, v14  }
0x38: {  	v7 =	vmul.f32 v7, v0;
	v10 =	vadd.s32 $0x2710, v4;
	v12 =	vld.idx.msk [tilespmem:v12+s1+$0x0], $0xffff  }
0x39: {  	v2 =	vld [tilespmem:s22+$0x0];
	v6 =	vmul.f32 v6, v1  }
0x3a: {  	[tilespmem:v9+s16+$0x0] =	vst.idx.add.f32.msk $0xffff, v7;
	v7 =	vadd.s32 $0x4E20, v15  }
0x3b: {  	[tilespmem:v11+s16+$0x0] =	vst.idx.add.f32.msk $0xffff, v6;
	v6 =	vadd.s32 $0x7530, v3  }
0x3c: {  	v14 =	vld.idx.msk [tilespmem:v16+s1+$0x0], $0xffff  }
0x3d: {  	v16 =	vadd.s32 $0x2710, v8;
	v10 =	vld.idx.msk [tilespmem:v10+s1+$0x0], $0xffff;
	v12 =	vmul.f32 v12, v17  }
0x3e: {  	v18 =	vadd.s32 $0x2710, v9  }
0x3f: {  	v19 =	vadd.s32 $0x2710, v11;
	v13 =	vmul.f32 v13, v2;
	[tilespmem:v7+s16+$0x0] =	vst.idx.add.f32.msk $0xffff, v12  }
0x40: {  	v7 =	vadd.s32 $0x4E20, v5;
	v6 =	vld.idx.msk [tilespmem:v6+s1+$0x0], $0xffff  }
0x41: {  	[tilespmem:v20+s16+$0x0] =	vst.idx.add.f32.msk $0xffff, v13;
	v13 =	vmul.f32 v14, v0;
	v12 =	vadd.s32 $0x4E20, v4  }
0x42: {  	v14 =	vld.idx.msk [tilespmem:v16+s1+$0x0], $0xffff;
	v16 =	vadd.s32 $0x7530, v15;
	v10 =	vmul.f32 v10, v1  }
0x43: {  	v3 =	vadd.s32 $0x9C40, v3;
	[tilespmem:v18+s16+$0x0] =	vst.idx.add.f32.msk $0xffff, v13  }
0x44: {  	[tilespmem:v19+s16+$0x0] =	vst.idx.add.f32.msk $0xffff, v10;
	v10 =	vadd.s32 $0x2710, v20  }
0x45: {  	v19 =	vadd.s32 $0x4E20, v8;
	v13 =	vld.idx.msk [tilespmem:v7+s1+$0x0], $0xffff;
	v7 =	vmul.f32 v6, v17  }
0x46: {  	v21 =	vld.idx.msk [tilespmem:v12+s1+$0x0], $0xffff  }
0x47: {  	[tilespmem:v16+s16+$0x0] =	vst.idx.add.f32.msk $0xffff, v7;
	v16 =	vmul.f32 v14, v2  }
0x48: {  	v22 =	vadd.s32 $0x4E20, v9;
	v24 =	vld.idx.msk [tilespmem:v3+s1+$0x0], $0xffff  }
0x49: {  	v23 =	vadd.s32 $0x4E20, v11;
	v18 =	vadd.s32 $0x4E20, v20;
	v12 =	vadd.s32 $0x7530, v9;
	[tilespmem:v10+s16+$0x0] =	vst.idx.add.f32.msk $0xffff, v16  }
0x4a: {  	v6 =	vadd.s32 $0x7530, v4;
	v7 =	vadd.s32 $0x7530, v8;
	v14 =	vadd.s32 $0x7530, v5;
	v19 =	vld.idx.msk [tilespmem:v19+s1+$0x0], $0xffff  }
0x4b: {  	v5 =	vadd.s32 $0x9C40, v5;
	v10 =	vmul.f32 v13, v0;
	v16 =	vadd.s32 $0x9C40, v15  }
0x4c: {  	v3 =	vadd.s32 $0x9C40, v4;
	v4 =	vadd.s32 $0x9C40, v8;
	v21 =	vmul.f32 v21, v1  }
0x4d: {  	v8 =	vadd.s32 $0x9C40, v9;
	v9 =	vadd.s32 $0x9C40, v11;
	v13 =	vadd.s32 $0x7530, v11;
	[tilespmem:v22+s16+$0x0] =	vst.idx.add.f32.msk $0xffff, v10  }
0x4e: {  	s24 =	simm.s32 $0x18760;
	s23 =	simm.s32 $0x0;
	v11 =	vadd.s32 $0x7530, v20;
	v10 =	vadd.s32 $0x9C40, v20;
	[tilespmem:v23+s16+$0x0] =	vst.idx.add.f32.msk $0xffff, v21;
	v17 =	vmul.f32 v24, v17  }
.LBB2_2:
0x4f: {  	v15 =	vld [tilespmem:s24+$0x10];
	v19 =	vmul.f32 v19, v2  }
0x50: {  	s23 =	sadd.s32 $0x4, s23;
	[tilespmem:v16+s16+$0x0] =	vst.idx.add.f32.msk $0xffff, v17  }
0x51: {  	p0 =	slt.u32 s23, $0x138;
	v20 =	vld [tilespmem:s24+$0xFFFFFFF0]  }
0x52: {  	v21 =	vld [tilespmem:s24+$0x0]  }
0x53: {  	v22 =	vld [tilespmem:s24+$0xFFFFFFE0]  }
0x54: {  	[tilespmem:v18+s16+$0x0] =	vst.idx.add.f32.msk $0xffff, v19  }
0x55: {  	v18 =	vld.idx.msk [tilespmem:v14+s1+$0x0], $0xffff  }
0x56: {  	s21 =	sadd.s32 $0x40, s21;
	v19 =	vadd.s32 $0x2710, v20;
	v23 =	vadd.s32 $0x4E20, v20;
	v24 =	vld.idx.msk [tilespmem:v6+s1+$0x0], $0xffff;
	v6 =	vadd.s32 $0x7530, v20  }
0x57: {  	v25 =	vadd.s32 $0x2710, v21;
	v26 =	vadd.s32 $0x4E20, v21;
	v27 =	vadd.s32 $0x7530, v21;
	v16 =	vld [tilespmem:s21+$0x10]  }
0x58: {  	s22 =	sadd.s32 $0x40, s22;
	v28 =	vadd.s32 $0x2710, v22;
	v29 =	vadd.s32 $0x4E20, v22;
	v14 =	vadd.s32 $0x7530, v22;
	v30 =	vld.idx.msk [tilespmem:v15+s1+$0x0], $0xffff  }
0x59: {  	v32 =	vadd.s32 $0x9C40, v20;
	v33 =	vadd.s32 $0x9C40, v21;
	v31 =	vadd.s32 $0x9C40, v22;
	v17 =	vld [tilespmem:s22+$0x10]  }
0x5a: {  	v20 =	vld.idx.msk [tilespmem:v20+s1+$0x0], $0xffff  }
0x5b: {  	v18 =	vmul.f32 v18, v0;
	v22 =	vld.idx.msk [tilespmem:v22+s1+$0x0], $0xffff  }
0x5c: {  	v34 =	vadd.s32 $0x2710, v15;
	v24 =	vmul.f32 v24, v1;
	v21 =	vld.idx.msk [tilespmem:v21+s1+$0x0], $0xffff  }
0x5d: {  	v35 =	vld [tilespmem:s22+$0xFFFFFFE0]  }
0x5e: {  	v36 =	vld [tilespmem:s22+$0xFFFFFFF0];
	v30 =	vmul.f32 v30, v17  }
0x5f: {  	v37 =	vld [tilespmem:s22+$0x0]  }
0x60: {  	[tilespmem:v16+s16+$0x0] =	vst.idx.add.f32.msk $0xffff, v30  }
0x61: {  	v30 =	vld.idx.msk [tilespmem:v34+s1+$0x0], $0xffff  }
0x62: {  	v34 =	vld [tilespmem:s21+$0xFFFFFFE0];
	v22 =	vmul.f32 v22, v35  }
0x63: {  	v38 =	vld [tilespmem:s21+$0xFFFFFFF0];
	v20 =	vmul.f32 v20, v36  }
0x64: {  	v40 =	vadd.s32 $0x2710, v16;
	v39 =	vld [tilespmem:s21+$0x0];
	v21 =	vmul.f32 v21, v37  }
0x65: {  	v41 =	vadd.s32 $0x4E20, v15;
	v42 =	vld.idx.msk [tilespmem:v7+s1+$0x0], $0xffff;
	v7 =	vmov v27  }
0x66: {  	[tilespmem:v12+s16+$0x0] =	vst.idx.add.f32.msk $0xffff, v18  }
0x67: {  	v30 =	vmul.f32 v30, v17;
	v27 =	vadd.s32 $0x2710, v34;
	v43 =	vadd.s32 $0x4E20, v34;
	[tilespmem:v13+s16+$0x0] =	vst.idx.add.f32.msk $0xffff, v24  }
0x68: {  	v12 =	vadd.s32 $0x7530, v34;
	v24 =	vadd.s32 $0x2710, v38;
	v44 =	vadd.s32 $0x4E20, v38;
	v45 =	vld.idx.msk [tilespmem:v5+s1+$0x0], $0xffff;
	v5 =	vmovc v31  }
0x69: {  	v13 =	vadd.s32 $0x7530, v38;
	v31 =	vadd.s32 $0x2710, v39;
	v18 =	vadd.s32 $0x4E20, v39;
	[tilespmem:v40+s16+$0x0] =	vst.idx.add.f32.msk $0xffff, v30  }
0x6a: {  	v30 =	vadd.s32 $0x9C40, v34;
	v40 =	vadd.s32 $0x9C40, v38;
	v46 =	vadd.s32 $0x7530, v39;
	v41 =	vld.idx.msk [tilespmem:v41+s1+$0x0], $0xffff  }
0x6b: {  	[tilespmem:v34+s16+$0x0] =	vst.idx.add.f32.msk $0xffff, v22;
	v22 =	vadd.s32 $0x9C40, v39;
	v34 =	vmul.f32 v42, v2  }
0x6c: {  	[tilespmem:v38+s16+$0x0] =	vst.idx.add.f32.msk $0xffff, v20  }
0x6d: {  	v20 =	vadd.s32 $0x4E20, v16;
	[tilespmem:v39+s16+$0x0] =	vst.idx.add.f32.msk $0xffff, v21  }
0x6e: {  	v38 =	vmul.f32 v45, v0;
	v0 =	vmov v35;
	v21 =	vld.idx.msk [tilespmem:v28+s1+$0x0], $0xffff;
	v28 =	vadd.s32 $0x7530, v15  }
0x6f: {  	v19 =	vld.idx.msk [tilespmem:v19+s1+$0x0], $0xffff  }
0x70: {  	v35 =	vmul.f32 v41, v17;
	v25 =	vld.idx.msk [tilespmem:v25+s1+$0x0], $0xffff  }
0x71: {  	[tilespmem:v11+s16+$0x0] =	vst.idx.add.f32.msk $0xffff, v34;
	v11 =	vmov v46  }
0x72: {  	[tilespmem:v20+s16+$0x0] =	vst.idx.add.f32.msk $0xffff, v35  }
0x73: {  	v20 =	vld.idx.msk [tilespmem:v28+s1+$0x0], $0xffff  }
0x74: {  	v21 =	vmul.f32 v21, v0;
	v28 =	vld.idx.msk [tilespmem:v3+s1+$0x0], $0xffff;
	v3 =	vmov v32  }
0x75: {  	v19 =	vmul.f32 v19, v36;
	v32 =	vld.idx.msk [tilespmem:v4+s1+$0x0], $0xffff;
	v4 =	vmov v33  }
0x76: {  	[tilespmem:v27+s16+$0x0] =	vst.idx.add.f32.msk $0xffff, v21;
	v21 =	vmul.f32 v25, v37;
	v25 =	vadd.s32 $0x7530, v16  }
0x77: {  	v15 =	vadd.s32 $0x9C40, v15;
	[tilespmem:v24+s16+$0x0] =	vst.idx.add.f32.msk $0xffff, v19  }
0x78: {  	[tilespmem:v31+s16+$0x0] =	vst.idx.add.f32.msk $0xffff, v21  }
0x79: {  	v19 =	vmul.f32 v20, v17;
	v21 =	vld.idx.msk [tilespmem:v29+s1+$0x0], $0xffff  }
0x7a: {  	v20 =	vld.idx.msk [tilespmem:v23+s1+$0x0], $0xffff;
	v23 =	vmul.f32 v28, v1;
	v1 =	vmov v36  }
0x7b: {  	v24 =	vmul.f32 v32, v2;
	v2 =	vmov v37;
	[tilespmem:v25+s16+$0x0] =	vst.idx.add.f32.msk $0xffff, v19  }
0x7c: {  	v15 =	vld.idx.msk [tilespmem:v15+s1+$0x0], $0xffff  }
0x7d: {  	v19 =	vld.idx.msk [tilespmem:v26+s1+$0x0], $0xffff  }
.Ltmp0:
0x7e: {  	[tilespmem:v8+s16+$0x0] =	vst.idx.add.f32.msk $0xffff, v38;
	v8 =	vmov v30;
	(pc) =	sbr.rel @p0 .LBB2_2-.Ltmp0, $4  }
0x7f: {  	v16 =	vadd.s32 $0x9C40, v16;
	v21 =	vmul.f32 v21, v0;
	[tilespmem:v9+s16+$0x0] =	vst.idx.add.f32.msk $0xffff, v23;
	v9 =	vmov v40  }
0x80: {  	v20 =	vmul.f32 v20, v1;
	[tilespmem:v10+s16+$0x0] =	vst.idx.add.f32.msk $0xffff, v24;
	v10 =	vmov v22  }
0x81: {  	[tilespmem:v43+s16+$0x0] =	vst.idx.add.f32.msk $0xffff, v21  }
0x82: {  	s24 =	sadd.s32 $0x40, s24;
	v17 =	vmul.f32 v15, v17;
	[tilespmem:v44+s16+$0x0] =	vst.idx.add.f32.msk $0xffff, v20  }
0x83: {  	_ =	sdelay $0x3  }
0x84: {  	v14 =	vld.idx.msk [tilespmem:v14+s1+$0x0], $0xffff  }
0x85: {  	v15 =	vmul.f32 v19, v2;
	v6 =	vld.idx.msk [tilespmem:v6+s1+$0x0], $0xffff;
	_ =	sdelay $0x1  }
0x86: {  	[tilespmem:v18+s16+$0x0] =	vst.idx.add.f32.msk $0xffff, v15  }
0x87: {  	v7 =	vld.idx.msk [tilespmem:v7+s1+$0x0], $0xffff  }
0x88: {  	v14 =	vmul.f32 v14, v0  }
0x89: {  	v6 =	vmul.f32 v6, v1  }
0x8a: {  	[tilespmem:v12+s16+$0x0] =	vst.idx.add.f32.msk $0xffff, v14  }
0x8b: {  	[tilespmem:v13+s16+$0x0] =	vst.idx.add.f32.msk $0xffff, v6  }
0x8c: {  	v6 =	vmul.f32 v7, v2;
	v5 =	vld.idx.msk [tilespmem:v5+s1+$0x0], $0xffff  }
0x8d: {  	v3 =	vld.idx.msk [tilespmem:v3+s1+$0x0], $0xffff  }
0x8e: {  	[tilespmem:v11+s16+$0x0] =	vst.idx.add.f32.msk $0xffff, v6  }
0x8f: {  	v4 =	vld.idx.msk [tilespmem:v4+s1+$0x0], $0xffff;
	_ =	sdelay $0x2  }
0x90: {  	v0 =	vmul.f32 v5, v0  }
0x91: {  	[tilespmem:v16+s16+$0x0] =	vst.idx.add.f32.msk $0xffff, v17;
	v1 =	vmul.f32 v3, v1  }
0x92: {  	[tilespmem:v8+s16+$0x0] =	vst.idx.add.f32.msk $0xffff, v0;
	v2 =	vmul.f32 v4, v2  }
0x93: {  	[tilespmem:v9+s16+$0x0] =	vst.idx.add.f32.msk $0xffff, v1  }
0x94: {  	[tilespmem:v10+s16+$0x0] =	vst.idx.add.f32.msk $0xffff, v2  }
0x95: {  	[tilespmem:s17], [sflag:$0x1] =	stream.linear.gather [hbm4b:s8+s1], $0x13C0, $0x38;
	[tilespmem:$0x1C300] =	vst v63  }
0x96: {  	_ =	swait.ge [sflag:s15], $0x13C0  }
0x97: {  	[sflag:s15] =	ssyncset.done $0x0  }
0x98: {  	[sflag:s15] =	ssyncadd.s32 $0xFFFFEC40  }
0x99: {  	[tilespmem:s18], [sflag:$0x1] =	stream.linear.gather [hbm4b:s9+s1], $0x13C0, $0x38;
	[tilespmem:$0x1C300] =	vst v63  }
0x9a: {  	_ =	swait.ge [sflag:s15], $0x13C0  }
0x9b: {  	[sflag:s15] =	ssyncset.done $0x0  }
0x9c: {  	[sflag:s15] =	ssyncadd.s32 $0xFFFFEC40  }
0x9d: {  	[tilespmem:s19], [sflag:$0x1] =	stream.linear.gather [hbm4b:s10+s1], $0x13C0, $0x38;
	[tilespmem:$0x1C300] =	vst v63  }
0x9e: {  	_ =	swait.ge [sflag:s15], $0x13C0  }
0x9f: {  	[sflag:s15] =	ssyncset.done $0x0  }
0xa0: {  	s23 =	simm.s32 $0x18720;
	[sflag:s15] =	ssyncadd.s32 $0xFFFFEC40  }
0xa1: {  	v3 =	vld [tilespmem:s23+$0x10];
	_ =	sdelay $0x4  }
0xa2: {  	s21 =	simm.s32 $0x19B20  }
0xa3: {  	s22 =	simm.s32 $0x1AF20;
	v15 =	vld [tilespmem:s21+$0x10]  }
0xa4: {  	v17 =	vld [tilespmem:s22+$0x10]  }
0xa5: {  	v0 =	vld.idx.msk [tilespmem:v3+s1+$0x0], $0xffff  }
0xa6: {  	v4 =	vld [tilespmem:s23+$0xFFFFFFF0]  }
0xa7: {  	v5 =	vld [tilespmem:s23+$0xFFFFFFE0]  }
0xa8: {  	v1 =	vadd.s32 $0x2710, v3  }
0xa9: {  	v8 =	vld [tilespmem:s23+$0x0]  }
0xaa: {  	v9 =	vld [tilespmem:s21+$0xFFFFFFE0];
	v0 =	vmul.f32 v0, v17  }
0xab: {  	v11 =	vld [tilespmem:s21+$0xFFFFFFF0]  }
0xac: {  	[tilespmem:v15+s16+$0x0] =	vst.idx.add.f32.msk $0xffff, v0  }
0xad: {  	v2 =	vld.idx.msk [tilespmem:v1+s1+$0x0], $0xffff  }
0xae: {  	v6 =	vld.idx.msk [tilespmem:v4+s1+$0x0], $0xffff  }
0xaf: {  	v10 =	vadd.s32 $0x2710, v15;
	v7 =	vld.idx.msk [tilespmem:v5+s1+$0x0], $0xffff  }
0xb0: {  	v12 =	vadd.s32 $0x4E20, v3;
	v0 =	vld [tilespmem:s22+$0xFFFFFFE0]  }
0xb1: {  	v1 =	vld [tilespmem:s22+$0xFFFFFFF0]  }
0xb2: {  	v20 =	vld [tilespmem:s21+$0x0];
	v14 =	vmul.f32 v2, v17  }
0xb3: {  	v13 =	vld.idx.msk [tilespmem:v8+s1+$0x0], $0xffff  }
0xb4: {  	v16 =	vadd.s32 $0x2710, v5;
	[tilespmem:v10+s16+$0x0] =	vst.idx.add.f32.msk $0xffff, v14  }
0xb5: {  	v7 =	vmul.f32 v7, v0;
	v10 =	vadd.s32 $0x2710, v4;
	v12 =	vld.idx.msk [tilespmem:v12+s1+$0x0], $0xffff  }
0xb6: {  	v2 =	vld [tilespmem:s22+$0x0];
	v6 =	vmul.f32 v6, v1  }
0xb7: {  	[tilespmem:v9+s16+$0x0] =	vst.idx.add.f32.msk $0xffff, v7;
	v7 =	vadd.s32 $0x4E20, v15  }
0xb8: {  	[tilespmem:v11+s16+$0x0] =	vst.idx.add.f32.msk $0xffff, v6;
	v6 =	vadd.s32 $0x7530, v3  }
0xb9: {  	v14 =	vld.idx.msk [tilespmem:v16+s1+$0x0], $0xffff  }
0xba: {  	v16 =	vadd.s32 $0x2710, v8;
	v10 =	vld.idx.msk [tilespmem:v10+s1+$0x0], $0xffff;
	v12 =	vmul.f32 v12, v17  }
0xbb: {  	v18 =	vadd.s32 $0x2710, v9  }
0xbc: {  	v19 =	vadd.s32 $0x2710, v11;
	v13 =	vmul.f32 v13, v2;
	[tilespmem:v7+s16+$0x0] =	vst.idx.add.f32.msk $0xffff, v12  }
0xbd: {  	v7 =	vadd.s32 $0x4E20, v5;
	v6 =	vld.idx.msk [tilespmem:v6+s1+$0x0], $0xffff  }
0xbe: {  	[tilespmem:v20+s16+$0x0] =	vst.idx.add.f32.msk $0xffff, v13;
	v13 =	vmul.f32 v14, v0;
	v12 =	vadd.s32 $0x4E20, v4  }
0xbf: {  	v14 =	vld.idx.msk [tilespmem:v16+s1+$0x0], $0xffff;
	v16 =	vadd.s32 $0x7530, v15;
	v10 =	vmul.f32 v10, v1  }
0xc0: {  	v3 =	vadd.s32 $0x9C40, v3;
	[tilespmem:v18+s16+$0x0] =	vst.idx.add.f32.msk $0xffff, v13  }
0xc1: {  	[tilespmem:v19+s16+$0x0] =	vst.idx.add.f32.msk $0xffff, v10;
	v10 =	vadd.s32 $0x2710, v20  }
0xc2: {  	v19 =	vadd.s32 $0x4E20, v8;
	v13 =	vld.idx.msk [tilespmem:v7+s1+$0x0], $0xffff;
	v7 =	vmul.f32 v6, v17  }
0xc3: {  	v21 =	vld.idx.msk [tilespmem:v12+s1+$0x0], $0xffff  }
0xc4: {  	[tilespmem:v16+s16+$0x0] =	vst.idx.add.f32.msk $0xffff, v7;
	v16 =	vmul.f32 v14, v2  }
0xc5: {  	v22 =	vadd.s32 $0x4E20, v9;
	v24 =	vld.idx.msk [tilespmem:v3+s1+$0x0], $0xffff  }
0xc6: {  	v23 =	vadd.s32 $0x4E20, v11;
	v18 =	vadd.s32 $0x4E20, v20;
	v12 =	vadd.s32 $0x7530, v9;
	[tilespmem:v10+s16+$0x0] =	vst.idx.add.f32.msk $0xffff, v16  }
0xc7: {  	v6 =	vadd.s32 $0x7530, v4;
	v7 =	vadd.s32 $0x7530, v8;
	v14 =	vadd.s32 $0x7530, v5;
	v19 =	vld.idx.msk [tilespmem:v19+s1+$0x0], $0xffff  }
0xc8: {  	v5 =	vadd.s32 $0x9C40, v5;
	v10 =	vmul.f32 v13, v0;
	v16 =	vadd.s32 $0x9C40, v15  }
0xc9: {  	v3 =	vadd.s32 $0x9C40, v4;
	v4 =	vadd.s32 $0x9C40, v8;
	v21 =	vmul.f32 v21, v1  }
0xca: {  	v8 =	vadd.s32 $0x9C40, v9;
	v9 =	vadd.s32 $0x9C40, v11;
	v13 =	vadd.s32 $0x7530, v11;
	[tilespmem:v22+s16+$0x0] =	vst.idx.add.f32.msk $0xffff, v10  }
0xcb: {  	s24 =	simm.s32 $0x18760;
	s23 =	simm.s32 $0x0;
	v11 =	vadd.s32 $0x7530, v20;
	v10 =	vadd.s32 $0x9C40, v20;
	[tilespmem:v23+s16+$0x0] =	vst.idx.add.f32.msk $0xffff, v21;
	v17 =	vmul.f32 v24, v17  }
.LBB2_4:
0xcc: {  	v15 =	vld [tilespmem:s24+$0x10];
	v19 =	vmul.f32 v19, v2  }
0xcd: {  	s23 =	sadd.s32 $0x4, s23;
	[tilespmem:v16+s16+$0x0] =	vst.idx.add.f32.msk $0xffff, v17  }
0xce: {  	p0 =	slt.u32 s23, $0x138;
	v20 =	vld [tilespmem:s24+$0xFFFFFFF0]  }
0xcf: {  	v21 =	vld [tilespmem:s24+$0x0]  }
0xd0: {  	v22 =	vld [tilespmem:s24+$0xFFFFFFE0]  }
0xd1: {  	[tilespmem:v18+s16+$0x0] =	vst.idx.add.f32.msk $0xffff, v19  }
0xd2: {  	v18 =	vld.idx.msk [tilespmem:v14+s1+$0x0], $0xffff  }
0xd3: {  	s21 =	sadd.s32 $0x40, s21;
	v19 =	vadd.s32 $0x2710, v20;
	v23 =	vadd.s32 $0x4E20, v20;
	v24 =	vld.idx.msk [tilespmem:v6+s1+$0x0], $0xffff;
	v6 =	vadd.s32 $0x7530, v20  }
0xd4: {  	v25 =	vadd.s32 $0x2710, v21;
	v26 =	vadd.s32 $0x4E20, v21;
	v27 =	vadd.s32 $0x7530, v21;
	v16 =	vld [tilespmem:s21+$0x10]  }
0xd5: {  	s22 =	sadd.s32 $0x40, s22;
	v28 =	vadd.s32 $0x2710, v22;
	v29 =	vadd.s32 $0x4E20, v22;
	v14 =	vadd.s32 $0x7530, v22;
	v30 =	vld.idx.msk [tilespmem:v15+s1+$0x0], $0xffff  }
0xd6: {  	v32 =	vadd.s32 $0x9C40, v20;
	v33 =	vadd.s32 $0x9C40, v21;
	v31 =	vadd.s32 $0x9C40, v22;
	v17 =	vld [tilespmem:s22+$0x10]  }
0xd7: {  	v20 =	vld.idx.msk [tilespmem:v20+s1+$0x0], $0xffff  }
0xd8: {  	v18 =	vmul.f32 v18, v0;
	v22 =	vld.idx.msk [tilespmem:v22+s1+$0x0], $0xffff  }
0xd9: {  	v34 =	vadd.s32 $0x2710, v15;
	v24 =	vmul.f32 v24, v1;
	v21 =	vld.idx.msk [tilespmem:v21+s1+$0x0], $0xffff  }
0xda: {  	v35 =	vld [tilespmem:s22+$0xFFFFFFE0]  }
0xdb: {  	v36 =	vld [tilespmem:s22+$0xFFFFFFF0];
	v30 =	vmul.f32 v30, v17  }
0xdc: {  	v37 =	vld [tilespmem:s22+$0x0]  }
0xdd: {  	[tilespmem:v16+s16+$0x0] =	vst.idx.add.f32.msk $0xffff, v30  }
0xde: {  	v30 =	vld.idx.msk [tilespmem:v34+s1+$0x0], $0xffff  }
0xdf: {  	v34 =	vld [tilespmem:s21+$0xFFFFFFE0];
	v22 =	vmul.f32 v22, v35  }
0xe0: {  	v38 =	vld [tilespmem:s21+$0xFFFFFFF0];
	v20 =	vmul.f32 v20, v36  }
0xe1: {  	v40 =	vadd.s32 $0x2710, v16;
	v39 =	vld [tilespmem:s21+$0x0];
	v21 =	vmul.f32 v21, v37  }
0xe2: {  	v41 =	vadd.s32 $0x4E20, v15;
	v42 =	vld.idx.msk [tilespmem:v7+s1+$0x0], $0xffff;
	v7 =	vmov v27  }
0xe3: {  	[tilespmem:v12+s16+$0x0] =	vst.idx.add.f32.msk $0xffff, v18  }
0xe4: {  	v30 =	vmul.f32 v30, v17;
	v27 =	vadd.s32 $0x2710, v34;
	v43 =	vadd.s32 $0x4E20, v34;
	[tilespmem:v13+s16+$0x0] =	vst.idx.add.f32.msk $0xffff, v24  }
0xe5: {  	v12 =	vadd.s32 $0x7530, v34;
	v24 =	vadd.s32 $0x2710, v38;
	v44 =	vadd.s32 $0x4E20, v38;
	v45 =	vld.idx.msk [tilespmem:v5+s1+$0x0], $0xffff;
	v5 =	vmovc v31  }
0xe6: {  	v13 =	vadd.s32 $0x7530, v38;
	v31 =	vadd.s32 $0x2710, v39;
	v18 =	vadd.s32 $0x4E20, v39;
	[tilespmem:v40+s16+$0x0] =	vst.idx.add.f32.msk $0xffff, v30  }
0xe7: {  	v30 =	vadd.s32 $0x9C40, v34;
	v40 =	vadd.s32 $0x9C40, v38;
	v46 =	vadd.s32 $0x7530, v39;
	v41 =	vld.idx.msk [tilespmem:v41+s1+$0x0], $0xffff  }
0xe8: {  	[tilespmem:v34+s16+$0x0] =	vst.idx.add.f32.msk $0xffff, v22;
	v22 =	vadd.s32 $0x9C40, v39;
	v34 =	vmul.f32 v42, v2  }
0xe9: {  	[tilespmem:v38+s16+$0x0] =	vst.idx.add.f32.msk $0xffff, v20  }
0xea: {  	v20 =	vadd.s32 $0x4E20, v16;
	[tilespmem:v39+s16+$0x0] =	vst.idx.add.f32.msk $0xffff, v21  }
0xeb: {  	v38 =	vmul.f32 v45, v0;
	v0 =	vmov v35;
	v21 =	vld.idx.msk [tilespmem:v28+s1+$0x0], $0xffff;
	v28 =	vadd.s32 $0x7530, v15  }
0xec: {  	v19 =	vld.idx.msk [tilespmem:v19+s1+$0x0], $0xffff  }
0xed: {  	v35 =	vmul.f32 v41, v17;
	v25 =	vld.idx.msk [tilespmem:v25+s1+$0x0], $0xffff  }
0xee: {  	[tilespmem:v11+s16+$0x0] =	vst.idx.add.f32.msk $0xffff, v34;
	v11 =	vmov v46  }
0xef: {  	[tilespmem:v20+s16+$0x0] =	vst.idx.add.f32.msk $0xffff, v35  }
0xf0: {  	v20 =	vld.idx.msk [tilespmem:v28+s1+$0x0], $0xffff  }
0xf1: {  	v21 =	vmul.f32 v21, v0;
	v28 =	vld.idx.msk [tilespmem:v3+s1+$0x0], $0xffff;
	v3 =	vmov v32  }
0xf2: {  	v19 =	vmul.f32 v19, v36;
	v32 =	vld.idx.msk [tilespmem:v4+s1+$0x0], $0xffff;
	v4 =	vmov v33  }
0xf3: {  	[tilespmem:v27+s16+$0x0] =	vst.idx.add.f32.msk $0xffff, v21;
	v21 =	vmul.f32 v25, v37;
	v25 =	vadd.s32 $0x7530, v16  }
0xf4: {  	v15 =	vadd.s32 $0x9C40, v15;
	[tilespmem:v24+s16+$0x0] =	vst.idx.add.f32.msk $0xffff, v19  }
0xf5: {  	[tilespmem:v31+s16+$0x0] =	vst.idx.add.f32.msk $0xffff, v21  }
0xf6: {  	v19 =	vmul.f32 v20, v17;
	v21 =	vld.idx.msk [tilespmem:v29+s1+$0x0], $0xffff  }
0xf7: {  	v20 =	vld.idx.msk [tilespmem:v23+s1+$0x0], $0xffff;
	v23 =	vmul.f32 v28, v1;
	v1 =	vmov v36  }
0xf8: {  	v24 =	vmul.f32 v32, v2;
	v2 =	vmov v37;
	[tilespmem:v25+s16+$0x0] =	vst.idx.add.f32.msk $0xffff, v19  }
0xf9: {  	v15 =	vld.idx.msk [tilespmem:v15+s1+$0x0], $0xffff  }
0xfa: {  	v19 =	vld.idx.msk [tilespmem:v26+s1+$0x0], $0xffff  }
.Ltmp1:
0xfb: {  	[tilespmem:v8+s16+$0x0] =	vst.idx.add.f32.msk $0xffff, v38;
	v8 =	vmov v30;
	(pc) =	sbr.rel @p0 .LBB2_4-.Ltmp1, $4  }
0xfc: {  	v16 =	vadd.s32 $0x9C40, v16;
	v21 =	vmul.f32 v21, v0;
	[tilespmem:v9+s16+$0x0] =	vst.idx.add.f32.msk $0xffff, v23;
	v9 =	vmov v40  }
0xfd: {  	v20 =	vmul.f32 v20, v1;
	[tilespmem:v10+s16+$0x0] =	vst.idx.add.f32.msk $0xffff, v24;
	v10 =	vmov v22  }
0xfe: {  	[tilespmem:v43+s16+$0x0] =	vst.idx.add.f32.msk $0xffff, v21  }
0xff: {  	s24 =	sadd.s32 $0x40, s24;
	v17 =	vmul.f32 v15, v17;
	[tilespmem:v44+s16+$0x0] =	vst.idx.add.f32.msk $0xffff, v20  }
0x100: {  	_ =	sdelay $0x3  }
0x101: {  	v14 =	vld.idx.msk [tilespmem:v14+s1+$0x0], $0xffff  }
0x102: {  	v15 =	vmul.f32 v19, v2;
	v6 =	vld.idx.msk [tilespmem:v6+s1+$0x0], $0xffff;
	_ =	sdelay $0x1  }
0x103: {  	[tilespmem:v18+s16+$0x0] =	vst.idx.add.f32.msk $0xffff, v15  }
0x104: {  	v7 =	vld.idx.msk [tilespmem:v7+s1+$0x0], $0xffff  }
0x105: {  	v14 =	vmul.f32 v14, v0  }
0x106: {  	v6 =	vmul.f32 v6, v1  }
0x107: {  	[tilespmem:v12+s16+$0x0] =	vst.idx.add.f32.msk $0xffff, v14  }
0x108: {  	[tilespmem:v13+s16+$0x0] =	vst.idx.add.f32.msk $0xffff, v6  }
0x109: {  	v6 =	vmul.f32 v7, v2;
	v5 =	vld.idx.msk [tilespmem:v5+s1+$0x0], $0xffff  }
0x10a: {  	v3 =	vld.idx.msk [tilespmem:v3+s1+$0x0], $0xffff  }
0x10b: {  	[tilespmem:v11+s16+$0x0] =	vst.idx.add.f32.msk $0xffff, v6  }
0x10c: {  	v4 =	vld.idx.msk [tilespmem:v4+s1+$0x0], $0xffff;
	_ =	sdelay $0x2  }
0x10d: {  	v0 =	vmul.f32 v5, v0  }
0x10e: {  	[tilespmem:v16+s16+$0x0] =	vst.idx.add.f32.msk $0xffff, v17;
	v1 =	vmul.f32 v3, v1  }
0x10f: {  	[tilespmem:v8+s16+$0x0] =	vst.idx.add.f32.msk $0xffff, v0;
	v2 =	vmul.f32 v4, v2  }
0x110: {  	[tilespmem:v9+s16+$0x0] =	vst.idx.add.f32.msk $0xffff, v1  }
0x111: {  	[tilespmem:v10+s16+$0x0] =	vst.idx.add.f32.msk $0xffff, v2  }
0x112: {  	[hbm4b:s11+s1] =	stream.linear.scatter [tilespmem:s16], [sflag:$0x1], $0xC350, $0x38;
	[tilespmem:$0x1C300] =	vst v63  }
0x113: {  	_ =	swait.ge [sflag:s15], $0xC350  }
0x114: {  	[sflag:s15] =	ssyncset.done $0x0  }
0x115: {  	[sflag:s15] =	ssyncadd.s32 $0xFFFF3CB0  }
0x116: {  	[tilespmem:s1], [sflag:$0x1] =	stream.linear.gather [hbm4b:s12+s1], $0xC350, $0x38;
	[tilespmem:$0x1C300] =	vst v63  }
0x117: {  	_ =	swait.ge [sflag:s15], $0xC350  }
0x118: {  	[sflag:s15] =	ssyncset.done $0x0  }
0x119: {  	[sflag:s15] =	ssyncadd.s32 $0xFFFF3CB0  }
0x11a: {  	[tilespmem:s16], [sflag:$0x1] =	stream.linear.gather [hbm4b:s3+s1], $0xC380, $0x38;
	[tilespmem:$0x1C300] =	vst v63  }
0x11b: {  	_ =	swait.ge [sflag:s15], $0xC380  }
0x11c: {  	[sflag:s15] =	ssyncset.done $0x0  }
0x11d: {  	[sflag:s15] =	ssyncadd.s32 $0xFFFF3C80  }
0x11e: {  	[tilespmem:s17], [sflag:$0x1] =	stream.linear.gather [hbm4b:s5+s1], $0x13C0, $0x38;
	[tilespmem:$0x1C300] =	vst v63  }
0x11f: {  	_ =	swait.ge [sflag:s15], $0x13C0  }
0x120: {  	[sflag:s15] =	ssyncset.done $0x0  }
0x121: {  	[sflag:s15] =	ssyncadd.s32 $0xFFFFEC40  }
0x122: {  	[tilespmem:s18], [sflag:$0x1] =	stream.linear.gather [hbm4b:s6+s1], $0x13C0, $0x38;
	[tilespmem:$0x1C300] =	vst v63  }
0x123: {  	_ =	swait.ge [sflag:s15], $0x13C0  }
0x124: {  	[sflag:s15] =	ssyncset.done $0x0  }
0x125: {  	[sflag:s15] =	ssyncadd.s32 $0xFFFFEC40  }
0x126: {  	[tilespmem:s19], [sflag:$0x1] =	stream.linear.gather [hbm4b:s7+s1], $0x13C0, $0x38;
	[tilespmem:$0x1C300] =	vst v63  }
0x127: {  	_ =	swait.ge [sflag:s15], $0x13C0  }
0x128: {  	[sflag:s15] =	ssyncset.done $0x0  }
0x129: {  	s23 =	simm.s32 $0x18720;
	[sflag:s15] =	ssyncadd.s32 $0xFFFFEC40  }
0x12a: {  	v3 =	vld [tilespmem:s23+$0x10];
	_ =	sdelay $0x4  }
0x12b: {  	s21 =	simm.s32 $0x19B20  }
0x12c: {  	s22 =	simm.s32 $0x1AF20;
	v15 =	vld [tilespmem:s21+$0x10]  }
0x12d: {  	v17 =	vld [tilespmem:s22+$0x10]  }
0x12e: {  	v0 =	vld.idx.msk [tilespmem:v3+s1+$0x0], $0xffff  }
0x12f: {  	v4 =	vld [tilespmem:s23+$0xFFFFFFF0]  }
0x130: {  	v5 =	vld [tilespmem:s23+$0xFFFFFFE0]  }
0x131: {  	v1 =	vadd.s32 $0x2710, v3  }
0x132: {  	v8 =	vld [tilespmem:s23+$0x0]  }
0x133: {  	v9 =	vld [tilespmem:s21+$0xFFFFFFE0];
	v0 =	vmul.f32 v0, v17  }
0x134: {  	v11 =	vld [tilespmem:s21+$0xFFFFFFF0]  }
0x135: {  	[tilespmem:v15+s16+$0x0] =	vst.idx.add.f32.msk $0xffff, v0  }
0x136: {  	v2 =	vld.idx.msk [tilespmem:v1+s1+$0x0], $0xffff  }
0x137: {  	v6 =	vld.idx.msk [tilespmem:v4+s1+$0x0], $0xffff  }
0x138: {  	v10 =	vadd.s32 $0x2710, v15;
	v7 =	vld.idx.msk [tilespmem:v5+s1+$0x0], $0xffff  }
0x139: {  	v12 =	vadd.s32 $0x4E20, v3;
	v0 =	vld [tilespmem:s22+$0xFFFFFFE0]  }
0x13a: {  	v1 =	vld [tilespmem:s22+$0xFFFFFFF0]  }
0x13b: {  	v20 =	vld [tilespmem:s21+$0x0];
	v14 =	vmul.f32 v2, v17  }
0x13c: {  	v13 =	vld.idx.msk [tilespmem:v8+s1+$0x0], $0xffff  }
0x13d: {  	v16 =	vadd.s32 $0x2710, v5;
	[tilespmem:v10+s16+$0x0] =	vst.idx.add.f32.msk $0xffff, v14  }
0x13e: {  	v7 =	vmul.f32 v7, v0;
	v10 =	vadd.s32 $0x2710, v4;
	v12 =	vld.idx.msk [tilespmem:v12+s1+$0x0], $0xffff  }
0x13f: {  	v2 =	vld [tilespmem:s22+$0x0];
	v6 =	vmul.f32 v6, v1  }
0x140: {  	[tilespmem:v9+s16+$0x0] =	vst.idx.add.f32.msk $0xffff, v7;
	v7 =	vadd.s32 $0x4E20, v15  }
0x141: {  	[tilespmem:v11+s16+$0x0] =	vst.idx.add.f32.msk $0xffff, v6;
	v6 =	vadd.s32 $0x7530, v3  }
0x142: {  	v14 =	vld.idx.msk [tilespmem:v16+s1+$0x0], $0xffff  }
0x143: {  	v16 =	vadd.s32 $0x2710, v8;
	v10 =	vld.idx.msk [tilespmem:v10+s1+$0x0], $0xffff;
	v12 =	vmul.f32 v12, v17  }
0x144: {  	v18 =	vadd.s32 $0x2710, v9  }
0x145: {  	v19 =	vadd.s32 $0x2710, v11;
	v13 =	vmul.f32 v13, v2;
	[tilespmem:v7+s16+$0x0] =	vst.idx.add.f32.msk $0xffff, v12  }
0x146: {  	v7 =	vadd.s32 $0x4E20, v5;
	v6 =	vld.idx.msk [tilespmem:v6+s1+$0x0], $0xffff  }
0x147: {  	[tilespmem:v20+s16+$0x0] =	vst.idx.add.f32.msk $0xffff, v13;
	v13 =	vmul.f32 v14, v0;
	v12 =	vadd.s32 $0x4E20, v4  }
0x148: {  	v14 =	vld.idx.msk [tilespmem:v16+s1+$0x0], $0xffff;
	v16 =	vadd.s32 $0x7530, v15;
	v10 =	vmul.f32 v10, v1  }
0x149: {  	v3 =	vadd.s32 $0x9C40, v3;
	[tilespmem:v18+s16+$0x0] =	vst.idx.add.f32.msk $0xffff, v13  }
0x14a: {  	[tilespmem:v19+s16+$0x0] =	vst.idx.add.f32.msk $0xffff, v10;
	v10 =	vadd.s32 $0x2710, v20  }
0x14b: {  	v19 =	vadd.s32 $0x4E20, v8;
	v13 =	vld.idx.msk [tilespmem:v7+s1+$0x0], $0xffff;
	v7 =	vmul.f32 v6, v17  }
0x14c: {  	v21 =	vld.idx.msk [tilespmem:v12+s1+$0x0], $0xffff  }
0x14d: {  	[tilespmem:v16+s16+$0x0] =	vst.idx.add.f32.msk $0xffff, v7;
	v16 =	vmul.f32 v14, v2  }
0x14e: {  	v22 =	vadd.s32 $0x4E20, v9;
	v24 =	vld.idx.msk [tilespmem:v3+s1+$0x0], $0xffff  }
0x14f: {  	v23 =	vadd.s32 $0x4E20, v11;
	v18 =	vadd.s32 $0x4E20, v20;
	v12 =	vadd.s32 $0x7530, v9;
	[tilespmem:v10+s16+$0x0] =	vst.idx.add.f32.msk $0xffff, v16  }
0x150: {  	v6 =	vadd.s32 $0x7530, v4;
	v7 =	vadd.s32 $0x7530, v8;
	v14 =	vadd.s32 $0x7530, v5;
	v19 =	vld.idx.msk [tilespmem:v19+s1+$0x0], $0xffff  }
0x151: {  	v5 =	vadd.s32 $0x9C40, v5;
	v10 =	vmul.f32 v13, v0;
	v16 =	vadd.s32 $0x9C40, v15  }
0x152: {  	v3 =	vadd.s32 $0x9C40, v4;
	v4 =	vadd.s32 $0x9C40, v8;
	v21 =	vmul.f32 v21, v1  }
0x153: {  	v8 =	vadd.s32 $0x9C40, v9;
	v9 =	vadd.s32 $0x9C40, v11;
	v13 =	vadd.s32 $0x7530, v11;
	[tilespmem:v22+s16+$0x0] =	vst.idx.add.f32.msk $0xffff, v10  }
0x154: {  	s24 =	simm.s32 $0x18760;
	s23 =	simm.s32 $0x0;
	v11 =	vadd.s32 $0x7530, v20;
	v10 =	vadd.s32 $0x9C40, v20;
	[tilespmem:v23+s16+$0x0] =	vst.idx.add.f32.msk $0xffff, v21;
	v17 =	vmul.f32 v24, v17  }
.LBB2_6:
0x155: {  	v15 =	vld [tilespmem:s24+$0x10];
	v19 =	vmul.f32 v19, v2  }
0x156: {  	s23 =	sadd.s32 $0x4, s23;
	[tilespmem:v16+s16+$0x0] =	vst.idx.add.f32.msk $0xffff, v17  }
0x157: {  	p0 =	slt.u32 s23, $0x138;
	v20 =	vld [tilespmem:s24+$0xFFFFFFF0]  }
0x158: {  	v21 =	vld [tilespmem:s24+$0x0]  }
0x159: {  	v22 =	vld [tilespmem:s24+$0xFFFFFFE0]  }
0x15a: {  	[tilespmem:v18+s16+$0x0] =	vst.idx.add.f32.msk $0xffff, v19  }
0x15b: {  	v18 =	vld.idx.msk [tilespmem:v14+s1+$0x0], $0xffff  }
0x15c: {  	s21 =	sadd.s32 $0x40, s21;
	v19 =	vadd.s32 $0x2710, v20;
	v23 =	vadd.s32 $0x4E20, v20;
	v24 =	vld.idx.msk [tilespmem:v6+s1+$0x0], $0xffff;
	v6 =	vadd.s32 $0x7530, v20  }
0x15d: {  	v25 =	vadd.s32 $0x2710, v21;
	v26 =	vadd.s32 $0x4E20, v21;
	v27 =	vadd.s32 $0x7530, v21;
	v16 =	vld [tilespmem:s21+$0x10]  }
0x15e: {  	s22 =	sadd.s32 $0x40, s22;
	v28 =	vadd.s32 $0x2710, v22;
	v29 =	vadd.s32 $0x4E20, v22;
	v14 =	vadd.s32 $0x7530, v22;
	v30 =	vld.idx.msk [tilespmem:v15+s1+$0x0], $0xffff  }
0x15f: {  	v32 =	vadd.s32 $0x9C40, v20;
	v33 =	vadd.s32 $0x9C40, v21;
	v31 =	vadd.s32 $0x9C40, v22;
	v17 =	vld [tilespmem:s22+$0x10]  }
0x160: {  	v20 =	vld.idx.msk [tilespmem:v20+s1+$0x0], $0xffff  }
0x161: {  	v18 =	vmul.f32 v18, v0;
	v22 =	vld.idx.msk [tilespmem:v22+s1+$0x0], $0xffff  }
0x162: {  	v34 =	vadd.s32 $0x2710, v15;
	v24 =	vmul.f32 v24, v1;
	v21 =	vld.idx.msk [tilespmem:v21+s1+$0x0], $0xffff  }
0x163: {  	v35 =	vld [tilespmem:s22+$0xFFFFFFE0]  }
0x164: {  	v36 =	vld [tilespmem:s22+$0xFFFFFFF0];
	v30 =	vmul.f32 v30, v17  }
0x165: {  	v37 =	vld [tilespmem:s22+$0x0]  }
0x166: {  	[tilespmem:v16+s16+$0x0] =	vst.idx.add.f32.msk $0xffff, v30  }
0x167: {  	v30 =	vld.idx.msk [tilespmem:v34+s1+$0x0], $0xffff  }
0x168: {  	v34 =	vld [tilespmem:s21+$0xFFFFFFE0];
	v22 =	vmul.f32 v22, v35  }
0x169: {  	v38 =	vld [tilespmem:s21+$0xFFFFFFF0];
	v20 =	vmul.f32 v20, v36  }
0x16a: {  	v40 =	vadd.s32 $0x2710, v16;
	v39 =	vld [tilespmem:s21+$0x0];
	v21 =	vmul.f32 v21, v37  }
0x16b: {  	v41 =	vadd.s32 $0x4E20, v15;
	v42 =	vld.idx.msk [tilespmem:v7+s1+$0x0], $0xffff;
	v7 =	vmov v27  }
0x16c: {  	[tilespmem:v12+s16+$0x0] =	vst.idx.add.f32.msk $0xffff, v18  }
0x16d: {  	v30 =	vmul.f32 v30, v17;
	v27 =	vadd.s32 $0x2710, v34;
	v43 =	vadd.s32 $0x4E20, v34;
	[tilespmem:v13+s16+$0x0] =	vst.idx.add.f32.msk $0xffff, v24  }
0x16e: {  	v12 =	vadd.s32 $0x7530, v34;
	v24 =	vadd.s32 $0x2710, v38;
	v44 =	vadd.s32 $0x4E20, v38;
	v45 =	vld.idx.msk [tilespmem:v5+s1+$0x0], $0xffff;
	v5 =	vmovc v31  }
0x16f: {  	v13 =	vadd.s32 $0x7530, v38;
	v31 =	vadd.s32 $0x2710, v39;
	v18 =	vadd.s32 $0x4E20, v39;
	[tilespmem:v40+s16+$0x0] =	vst.idx.add.f32.msk $0xffff, v30  }
0x170: {  	v30 =	vadd.s32 $0x9C40, v34;
	v40 =	vadd.s32 $0x9C40, v38;
	v46 =	vadd.s32 $0x7530, v39;
	v41 =	vld.idx.msk [tilespmem:v41+s1+$0x0], $0xffff  }
0x171: {  	[tilespmem:v34+s16+$0x0] =	vst.idx.add.f32.msk $0xffff, v22;
	v22 =	vadd.s32 $0x9C40, v39;
	v34 =	vmul.f32 v42, v2  }
0x172: {  	[tilespmem:v38+s16+$0x0] =	vst.idx.add.f32.msk $0xffff, v20  }
0x173: {  	v20 =	vadd.s32 $0x4E20, v16;
	[tilespmem:v39+s16+$0x0] =	vst.idx.add.f32.msk $0xffff, v21  }
0x174: {  	v38 =	vmul.f32 v45, v0;
	v0 =	vmov v35;
	v21 =	vld.idx.msk [tilespmem:v28+s1+$0x0], $0xffff;
	v28 =	vadd.s32 $0x7530, v15  }
0x175: {  	v19 =	vld.idx.msk [tilespmem:v19+s1+$0x0], $0xffff  }
0x176: {  	v35 =	vmul.f32 v41, v17;
	v25 =	vld.idx.msk [tilespmem:v25+s1+$0x0], $0xffff  }
0x177: {  	[tilespmem:v11+s16+$0x0] =	vst.idx.add.f32.msk $0xffff, v34;
	v11 =	vmov v46  }
0x178: {  	[tilespmem:v20+s16+$0x0] =	vst.idx.add.f32.msk $0xffff, v35  }
0x179: {  	v20 =	vld.idx.msk [tilespmem:v28+s1+$0x0], $0xffff  }
0x17a: {  	v21 =	vmul.f32 v21, v0;
	v28 =	vld.idx.msk [tilespmem:v3+s1+$0x0], $0xffff;
	v3 =	vmov v32  }
0x17b: {  	v19 =	vmul.f32 v19, v36;
	v32 =	vld.idx.msk [tilespmem:v4+s1+$0x0], $0xffff;
	v4 =	vmov v33  }
0x17c: {  	[tilespmem:v27+s16+$0x0] =	vst.idx.add.f32.msk $0xffff, v21;
	v21 =	vmul.f32 v25, v37;
	v25 =	vadd.s32 $0x7530, v16  }
0x17d: {  	v15 =	vadd.s32 $0x9C40, v15;
	[tilespmem:v24+s16+$0x0] =	vst.idx.add.f32.msk $0xffff, v19  }
0x17e: {  	[tilespmem:v31+s16+$0x0] =	vst.idx.add.f32.msk $0xffff, v21  }
0x17f: {  	v19 =	vmul.f32 v20, v17;
	v21 =	vld.idx.msk [tilespmem:v29+s1+$0x0], $0xffff  }
0x180: {  	v20 =	vld.idx.msk [tilespmem:v23+s1+$0x0], $0xffff;
	v23 =	vmul.f32 v28, v1;
	v1 =	vmov v36  }
0x181: {  	v24 =	vmul.f32 v32, v2;
	v2 =	vmov v37;
	[tilespmem:v25+s16+$0x0] =	vst.idx.add.f32.msk $0xffff, v19  }
0x182: {  	v15 =	vld.idx.msk [tilespmem:v15+s1+$0x0], $0xffff  }
0x183: {  	v19 =	vld.idx.msk [tilespmem:v26+s1+$0x0], $0xffff  }
.Ltmp2:
0x184: {  	[tilespmem:v8+s16+$0x0] =	vst.idx.add.f32.msk $0xffff, v38;
	v8 =	vmov v30;
	(pc) =	sbr.rel @p0 .LBB2_6-.Ltmp2, $4  }
0x185: {  	v16 =	vadd.s32 $0x9C40, v16;
	v21 =	vmul.f32 v21, v0;
	[tilespmem:v9+s16+$0x0] =	vst.idx.add.f32.msk $0xffff, v23;
	v9 =	vmov v40  }
0x186: {  	v20 =	vmul.f32 v20, v1;
	[tilespmem:v10+s16+$0x0] =	vst.idx.add.f32.msk $0xffff, v24;
	v10 =	vmov v22  }
0x187: {  	[tilespmem:v43+s16+$0x0] =	vst.idx.add.f32.msk $0xffff, v21  }
0x188: {  	s24 =	sadd.s32 $0x40, s24;
	v17 =	vmul.f32 v15, v17;
	[tilespmem:v44+s16+$0x0] =	vst.idx.add.f32.msk $0xffff, v20  }
0x189: {  	_ =	sdelay $0x3  }
0x18a: {  	v14 =	vld.idx.msk [tilespmem:v14+s1+$0x0], $0xffff  }
0x18b: {  	v15 =	vmul.f32 v19, v2;
	v6 =	vld.idx.msk [tilespmem:v6+s1+$0x0], $0xffff;
	_ =	sdelay $0x1  }
0x18c: {  	[tilespmem:v18+s16+$0x0] =	vst.idx.add.f32.msk $0xffff, v15  }
0x18d: {  	v7 =	vld.idx.msk [tilespmem:v7+s1+$0x0], $0xffff  }
0x18e: {  	v14 =	vmul.f32 v14, v0  }
0x18f: {  	v6 =	vmul.f32 v6, v1  }
0x190: {  	[tilespmem:v12+s16+$0x0] =	vst.idx.add.f32.msk $0xffff, v14  }
0x191: {  	[tilespmem:v13+s16+$0x0] =	vst.idx.add.f32.msk $0xffff, v6  }
0x192: {  	v6 =	vmul.f32 v7, v2;
	v5 =	vld.idx.msk [tilespmem:v5+s1+$0x0], $0xffff  }
0x193: {  	v3 =	vld.idx.msk [tilespmem:v3+s1+$0x0], $0xffff  }
0x194: {  	[tilespmem:v11+s16+$0x0] =	vst.idx.add.f32.msk $0xffff, v6  }
0x195: {  	v4 =	vld.idx.msk [tilespmem:v4+s1+$0x0], $0xffff;
	_ =	sdelay $0x2  }
0x196: {  	v0 =	vmul.f32 v5, v0  }
0x197: {  	[tilespmem:v16+s16+$0x0] =	vst.idx.add.f32.msk $0xffff, v17;
	v1 =	vmul.f32 v3, v1  }
0x198: {  	[tilespmem:v8+s16+$0x0] =	vst.idx.add.f32.msk $0xffff, v0;
	v2 =	vmul.f32 v4, v2  }
0x199: {  	[tilespmem:v9+s16+$0x0] =	vst.idx.add.f32.msk $0xffff, v1  }
0x19a: {  	[tilespmem:v10+s16+$0x0] =	vst.idx.add.f32.msk $0xffff, v2  }
0x19b: {  	[tilespmem:s17], [sflag:$0x1] =	stream.linear.gather [hbm4b:s8+s1], $0x13C0, $0x38;
	[tilespmem:$0x1C300] =	vst v63  }
0x19c: {  	_ =	swait.ge [sflag:s15], $0x13C0  }
0x19d: {  	[sflag:s15] =	ssyncset.done $0x0  }
0x19e: {  	[sflag:s15] =	ssyncadd.s32 $0xFFFFEC40  }
0x19f: {  	[tilespmem:s18], [sflag:$0x1] =	stream.linear.gather [hbm4b:s9+s1], $0x13C0, $0x38;
	[tilespmem:$0x1C300] =	vst v63  }
0x1a0: {  	_ =	swait.ge [sflag:s15], $0x13C0  }
0x1a1: {  	[sflag:s15] =	ssyncset.done $0x0  }
0x1a2: {  	[sflag:s15] =	ssyncadd.s32 $0xFFFFEC40  }
0x1a3: {  	[tilespmem:s19], [sflag:$0x1] =	stream.linear.gather [hbm4b:s10+s1], $0x13C0, $0x38;
	[tilespmem:$0x1C300] =	vst v63  }
0x1a4: {  	_ =	swait.ge [sflag:s15], $0x13C0  }
0x1a5: {  	[sflag:s15] =	ssyncset.done $0x0  }
0x1a6: {  	s23 =	simm.s32 $0x18720;
	[sflag:s15] =	ssyncadd.s32 $0xFFFFEC40  }
0x1a7: {  	v3 =	vld [tilespmem:s23+$0x10];
	_ =	sdelay $0x4  }
0x1a8: {  	s21 =	simm.s32 $0x19B20  }
0x1a9: {  	s22 =	simm.s32 $0x1AF20;
	v15 =	vld [tilespmem:s21+$0x10]  }
0x1aa: {  	v17 =	vld [tilespmem:s22+$0x10]  }
0x1ab: {  	v0 =	vld.idx.msk [tilespmem:v3+s1+$0x0], $0xffff  }
0x1ac: {  	v4 =	vld [tilespmem:s23+$0xFFFFFFF0]  }
0x1ad: {  	v5 =	vld [tilespmem:s23+$0xFFFFFFE0]  }
0x1ae: {  	v1 =	vadd.s32 $0x2710, v3  }
0x1af: {  	v8 =	vld [tilespmem:s23+$0x0]  }
0x1b0: {  	v9 =	vld [tilespmem:s21+$0xFFFFFFE0];
	v0 =	vmul.f32 v0, v17  }
0x1b1: {  	v11 =	vld [tilespmem:s21+$0xFFFFFFF0]  }
0x1b2: {  	[tilespmem:v15+s16+$0x0] =	vst.idx.add.f32.msk $0xffff, v0  }
0x1b3: {  	v2 =	vld.idx.msk [tilespmem:v1+s1+$0x0], $0xffff  }
0x1b4: {  	v6 =	vld.idx.msk [tilespmem:v4+s1+$0x0], $0xffff  }
0x1b5: {  	v10 =	vadd.s32 $0x2710, v15;
	v7 =	vld.idx.msk [tilespmem:v5+s1+$0x0], $0xffff  }
0x1b6: {  	v12 =	vadd.s32 $0x4E20, v3;
	v0 =	vld [tilespmem:s22+$0xFFFFFFE0]  }
0x1b7: {  	v1 =	vld [tilespmem:s22+$0xFFFFFFF0]  }
0x1b8: {  	v20 =	vld [tilespmem:s21+$0x0];
	v14 =	vmul.f32 v2, v17  }
0x1b9: {  	v13 =	vld.idx.msk [tilespmem:v8+s1+$0x0], $0xffff  }
0x1ba: {  	v16 =	vadd.s32 $0x2710, v5;
	[tilespmem:v10+s16+$0x0] =	vst.idx.add.f32.msk $0xffff, v14  }
0x1bb: {  	v7 =	vmul.f32 v7, v0;
	v10 =	vadd.s32 $0x2710, v4;
	v12 =	vld.idx.msk [tilespmem:v12+s1+$0x0], $0xffff  }
0x1bc: {  	v2 =	vld [tilespmem:s22+$0x0];
	v6 =	vmul.f32 v6, v1  }
0x1bd: {  	[tilespmem:v9+s16+$0x0] =	vst.idx.add.f32.msk $0xffff, v7;
	v7 =	vadd.s32 $0x4E20, v15  }
0x1be: {  	[tilespmem:v11+s16+$0x0] =	vst.idx.add.f32.msk $0xffff, v6;
	v6 =	vadd.s32 $0x7530, v3  }
0x1bf: {  	v14 =	vld.idx.msk [tilespmem:v16+s1+$0x0], $0xffff  }
0x1c0: {  	v16 =	vadd.s32 $0x2710, v8;
	v10 =	vld.idx.msk [tilespmem:v10+s1+$0x0], $0xffff;
	v12 =	vmul.f32 v12, v17  }
0x1c1: {  	v18 =	vadd.s32 $0x2710, v9  }
0x1c2: {  	v19 =	vadd.s32 $0x2710, v11;
	v13 =	vmul.f32 v13, v2;
	[tilespmem:v7+s16+$0x0] =	vst.idx.add.f32.msk $0xffff, v12  }
0x1c3: {  	v7 =	vadd.s32 $0x4E20, v5;
	v6 =	vld.idx.msk [tilespmem:v6+s1+$0x0], $0xffff  }
0x1c4: {  	[tilespmem:v20+s16+$0x0] =	vst.idx.add.f32.msk $0xffff, v13;
	v13 =	vmul.f32 v14, v0;
	v12 =	vadd.s32 $0x4E20, v4  }
0x1c5: {  	v14 =	vld.idx.msk [tilespmem:v16+s1+$0x0], $0xffff;
	v16 =	vadd.s32 $0x7530, v15;
	v10 =	vmul.f32 v10, v1  }
0x1c6: {  	v3 =	vadd.s32 $0x9C40, v3;
	[tilespmem:v18+s16+$0x0] =	vst.idx.add.f32.msk $0xffff, v13  }
0x1c7: {  	[tilespmem:v19+s16+$0x0] =	vst.idx.add.f32.msk $0xffff, v10;
	v10 =	vadd.s32 $0x2710, v20  }
0x1c8: {  	v19 =	vadd.s32 $0x4E20, v8;
	v13 =	vld.idx.msk [tilespmem:v7+s1+$0x0], $0xffff;
	v7 =	vmul.f32 v6, v17  }
0x1c9: {  	v21 =	vld.idx.msk [tilespmem:v12+s1+$0x0], $0xffff  }
0x1ca: {  	[tilespmem:v16+s16+$0x0] =	vst.idx.add.f32.msk $0xffff, v7;
	v16 =	vmul.f32 v14, v2  }
0x1cb: {  	v22 =	vadd.s32 $0x4E20, v9;
	v24 =	vld.idx.msk [tilespmem:v3+s1+$0x0], $0xffff  }
0x1cc: {  	v23 =	vadd.s32 $0x4E20, v11;
	v18 =	vadd.s32 $0x4E20, v20;
	v12 =	vadd.s32 $0x7530, v9;
	[tilespmem:v10+s16+$0x0] =	vst.idx.add.f32.msk $0xffff, v16  }
0x1cd: {  	v6 =	vadd.s32 $0x7530, v4;
	v7 =	vadd.s32 $0x7530, v8;
	v14 =	vadd.s32 $0x7530, v5;
	v19 =	vld.idx.msk [tilespmem:v19+s1+$0x0], $0xffff  }
0x1ce: {  	v5 =	vadd.s32 $0x9C40, v5;
	v10 =	vmul.f32 v13, v0;
	v16 =	vadd.s32 $0x9C40, v15  }
0x1cf: {  	v3 =	vadd.s32 $0x9C40, v4;
	v4 =	vadd.s32 $0x9C40, v8;
	v21 =	vmul.f32 v21, v1  }
0x1d0: {  	v8 =	vadd.s32 $0x9C40, v9;
	v9 =	vadd.s32 $0x9C40, v11;
	v13 =	vadd.s32 $0x7530, v11;
	[tilespmem:v22+s16+$0x0] =	vst.idx.add.f32.msk $0xffff, v10  }
0x1d1: {  	s24 =	simm.s32 $0x18760;
	s23 =	simm.s32 $0x0;
	v11 =	vadd.s32 $0x7530, v20;
	v10 =	vadd.s32 $0x9C40, v20;
	[tilespmem:v23+s16+$0x0] =	vst.idx.add.f32.msk $0xffff, v21;
	v17 =	vmul.f32 v24, v17  }
.LBB2_8:
0x1d2: {  	v15 =	vld [tilespmem:s24+$0x10];
	v19 =	vmul.f32 v19, v2  }
0x1d3: {  	s23 =	sadd.s32 $0x4, s23;
	[tilespmem:v16+s16+$0x0] =	vst.idx.add.f32.msk $0xffff, v17  }
0x1d4: {  	p0 =	slt.u32 s23, $0x138;
	v20 =	vld [tilespmem:s24+$0xFFFFFFF0]  }
0x1d5: {  	v21 =	vld [tilespmem:s24+$0x0]  }
0x1d6: {  	v22 =	vld [tilespmem:s24+$0xFFFFFFE0]  }
0x1d7: {  	[tilespmem:v18+s16+$0x0] =	vst.idx.add.f32.msk $0xffff, v19  }
0x1d8: {  	v18 =	vld.idx.msk [tilespmem:v14+s1+$0x0], $0xffff  }
0x1d9: {  	s21 =	sadd.s32 $0x40, s21;
	v19 =	vadd.s32 $0x2710, v20;
	v23 =	vadd.s32 $0x4E20, v20;
	v24 =	vld.idx.msk [tilespmem:v6+s1+$0x0], $0xffff;
	v6 =	vadd.s32 $0x7530, v20  }
0x1da: {  	v25 =	vadd.s32 $0x2710, v21;
	v26 =	vadd.s32 $0x4E20, v21;
	v27 =	vadd.s32 $0x7530, v21;
	v16 =	vld [tilespmem:s21+$0x10]  }
0x1db: {  	s22 =	sadd.s32 $0x40, s22;
	v28 =	vadd.s32 $0x2710, v22;
	v29 =	vadd.s32 $0x4E20, v22;
	v14 =	vadd.s32 $0x7530, v22;
	v30 =	vld.idx.msk [tilespmem:v15+s1+$0x0], $0xffff  }
0x1dc: {  	v32 =	vadd.s32 $0x9C40, v20;
	v33 =	vadd.s32 $0x9C40, v21;
	v31 =	vadd.s32 $0x9C40, v22;
	v17 =	vld [tilespmem:s22+$0x10]  }
0x1dd: {  	v20 =	vld.idx.msk [tilespmem:v20+s1+$0x0], $0xffff  }
0x1de: {  	v18 =	vmul.f32 v18, v0;
	v22 =	vld.idx.msk [tilespmem:v22+s1+$0x0], $0xffff  }
0x1df: {  	v34 =	vadd.s32 $0x2710, v15;
	v24 =	vmul.f32 v24, v1;
	v21 =	vld.idx.msk [tilespmem:v21+s1+$0x0], $0xffff  }
0x1e0: {  	v35 =	vld [tilespmem:s22+$0xFFFFFFE0]  }
0x1e1: {  	v36 =	vld [tilespmem:s22+$0xFFFFFFF0];
	v30 =	vmul.f32 v30, v17  }
0x1e2: {  	v37 =	vld [tilespmem:s22+$0x0]  }
0x1e3: {  	[tilespmem:v16+s16+$0x0] =	vst.idx.add.f32.msk $0xffff, v30  }
0x1e4: {  	v30 =	vld.idx.msk [tilespmem:v34+s1+$0x0], $0xffff  }
0x1e5: {  	v34 =	vld [tilespmem:s21+$0xFFFFFFE0];
	v22 =	vmul.f32 v22, v35  }
0x1e6: {  	v38 =	vld [tilespmem:s21+$0xFFFFFFF0];
	v20 =	vmul.f32 v20, v36  }
0x1e7: {  	v40 =	vadd.s32 $0x2710, v16;
	v39 =	vld [tilespmem:s21+$0x0];
	v21 =	vmul.f32 v21, v37  }
0x1e8: {  	v41 =	vadd.s32 $0x4E20, v15;
	v42 =	vld.idx.msk [tilespmem:v7+s1+$0x0], $0xffff;
	v7 =	vmov v27  }
0x1e9: {  	[tilespmem:v12+s16+$0x0] =	vst.idx.add.f32.msk $0xffff, v18  }
0x1ea: {  	v30 =	vmul.f32 v30, v17;
	v27 =	vadd.s32 $0x2710, v34;
	v43 =	vadd.s32 $0x4E20, v34;
	[tilespmem:v13+s16+$0x0] =	vst.idx.add.f32.msk $0xffff, v24  }
0x1eb: {  	v12 =	vadd.s32 $0x7530, v34;
	v24 =	vadd.s32 $0x2710, v38;
	v44 =	vadd.s32 $0x4E20, v38;
	v45 =	vld.idx.msk [tilespmem:v5+s1+$0x0], $0xffff;
	v5 =	vmovc v31  }
0x1ec: {  	v13 =	vadd.s32 $0x7530, v38;
	v31 =	vadd.s32 $0x2710, v39;
	v18 =	vadd.s32 $0x4E20, v39;
	[tilespmem:v40+s16+$0x0] =	vst.idx.add.f32.msk $0xffff, v30  }
0x1ed: {  	v30 =	vadd.s32 $0x9C40, v34;
	v40 =	vadd.s32 $0x9C40, v38;
	v46 =	vadd.s32 $0x7530, v39;
	v41 =	vld.idx.msk [tilespmem:v41+s1+$0x0], $0xffff  }
0x1ee: {  	[tilespmem:v34+s16+$0x0] =	vst.idx.add.f32.msk $0xffff, v22;
	v22 =	vadd.s32 $0x9C40, v39;
	v34 =	vmul.f32 v42, v2  }
0x1ef: {  	[tilespmem:v38+s16+$0x0] =	vst.idx.add.f32.msk $0xffff, v20  }
0x1f0: {  	v20 =	vadd.s32 $0x4E20, v16;
	[tilespmem:v39+s16+$0x0] =	vst.idx.add.f32.msk $0xffff, v21  }
0x1f1: {  	v38 =	vmul.f32 v45, v0;
	v0 =	vmov v35;
	v21 =	vld.idx.msk [tilespmem:v28+s1+$0x0], $0xffff;
	v28 =	vadd.s32 $0x7530, v15  }
0x1f2: {  	v19 =	vld.idx.msk [tilespmem:v19+s1+$0x0], $0xffff  }
0x1f3: {  	v35 =	vmul.f32 v41, v17;
	v25 =	vld.idx.msk [tilespmem:v25+s1+$0x0], $0xffff  }
0x1f4: {  	[tilespmem:v11+s16+$0x0] =	vst.idx.add.f32.msk $0xffff, v34;
	v11 =	vmov v46  }
0x1f5: {  	[tilespmem:v20+s16+$0x0] =	vst.idx.add.f32.msk $0xffff, v35  }
0x1f6: {  	v20 =	vld.idx.msk [tilespmem:v28+s1+$0x0], $0xffff  }
0x1f7: {  	v21 =	vmul.f32 v21, v0;
	v28 =	vld.idx.msk [tilespmem:v3+s1+$0x0], $0xffff;
	v3 =	vmov v32  }
0x1f8: {  	v19 =	vmul.f32 v19, v36;
	v32 =	vld.idx.msk [tilespmem:v4+s1+$0x0], $0xffff;
	v4 =	vmov v33  }
0x1f9: {  	[tilespmem:v27+s16+$0x0] =	vst.idx.add.f32.msk $0xffff, v21;
	v21 =	vmul.f32 v25, v37;
	v25 =	vadd.s32 $0x7530, v16  }
0x1fa: {  	v15 =	vadd.s32 $0x9C40, v15;
	[tilespmem:v24+s16+$0x0] =	vst.idx.add.f32.msk $0xffff, v19  }
0x1fb: {  	[tilespmem:v31+s16+$0x0] =	vst.idx.add.f32.msk $0xffff, v21  }
0x1fc: {  	v19 =	vmul.f32 v20, v17;
	v21 =	vld.idx.msk [tilespmem:v29+s1+$0x0], $0xffff  }
0x1fd: {  	v20 =	vld.idx.msk [tilespmem:v23+s1+$0x0], $0xffff;
	v23 =	vmul.f32 v28, v1;
	v1 =	vmov v36  }
0x1fe: {  	v24 =	vmul.f32 v32, v2;
	v2 =	vmov v37;
	[tilespmem:v25+s16+$0x0] =	vst.idx.add.f32.msk $0xffff, v19  }
0x1ff: {  	v15 =	vld.idx.msk [tilespmem:v15+s1+$0x0], $0xffff  }
0x200: {  	v19 =	vld.idx.msk [tilespmem:v26+s1+$0x0], $0xffff  }
.Ltmp3:
0x201: {  	[tilespmem:v8+s16+$0x0] =	vst.idx.add.f32.msk $0xffff, v38;
	v8 =	vmov v30;
	(pc) =	sbr.rel @p0 .LBB2_8-.Ltmp3, $4  }
0x202: {  	v16 =	vadd.s32 $0x9C40, v16;
	v21 =	vmul.f32 v21, v0;
	[tilespmem:v9+s16+$0x0] =	vst.idx.add.f32.msk $0xffff, v23;
	v9 =	vmov v40  }
0x203: {  	v20 =	vmul.f32 v20, v1;
	[tilespmem:v10+s16+$0x0] =	vst.idx.add.f32.msk $0xffff, v24;
	v10 =	vmov v22  }
0x204: {  	[tilespmem:v43+s16+$0x0] =	vst.idx.add.f32.msk $0xffff, v21  }
0x205: {  	s24 =	sadd.s32 $0x40, s24;
	v17 =	vmul.f32 v15, v17;
	[tilespmem:v44+s16+$0x0] =	vst.idx.add.f32.msk $0xffff, v20  }
0x206: {  	_ =	sdelay $0x3  }
0x207: {  	v14 =	vld.idx.msk [tilespmem:v14+s1+$0x0], $0xffff  }
0x208: {  	v15 =	vmul.f32 v19, v2;
	v6 =	vld.idx.msk [tilespmem:v6+s1+$0x0], $0xffff;
	_ =	sdelay $0x1  }
0x209: {  	[tilespmem:v18+s16+$0x0] =	vst.idx.add.f32.msk $0xffff, v15  }
0x20a: {  	v7 =	vld.idx.msk [tilespmem:v7+s1+$0x0], $0xffff  }
0x20b: {  	v14 =	vmul.f32 v14, v0  }
0x20c: {  	v6 =	vmul.f32 v6, v1  }
0x20d: {  	[tilespmem:v12+s16+$0x0] =	vst.idx.add.f32.msk $0xffff, v14  }
0x20e: {  	[tilespmem:v13+s16+$0x0] =	vst.idx.add.f32.msk $0xffff, v6  }
0x20f: {  	v60 =	vmul.f32 v7, v2;
	v5 =	vld.idx.msk [tilespmem:v5+s1+$0x0], $0xffff  }
0x210: {  	v3 =	vld.idx.msk [tilespmem:v3+s1+$0x0], $0xffff  }
0x211: {  	[tilespmem:v11+s16+$0x0] =	vst.idx.add.f32.msk $0xffff, v60  }
0x212: {  	v4 =	vld.idx.msk [tilespmem:v4+s1+$0x0], $0xffff;
	_ =	sdelay $0x2  }
0x213: {  	v61 =	vmul.f32 v5, v0  }
0x214: {  	[tilespmem:v16+s16+$0x0] =	vst.idx.add.f32.msk $0xffff, v17;
	v62 =	vmul.f32 v3, v1  }
0x215: {  	s20 =	sadd.s32 $0x1, s20;
	[tilespmem:v8+s16+$0x0] =	vst.idx.add.f32.msk $0xffff, v61;
	v63 =	vmul.f32 v4, v2  }
0x216: {  	p0 =	sne.s32 s20, s14;
	[tilespmem:v9+s16+$0x0] =	vst.idx.add.f32.msk $0xffff, v62  }
.Ltmp4:
0x217: {  	[tilespmem:v10+s16+$0x0] =	vst.idx.add.f32.msk $0xffff, v63;
	(pc) =	sbr.rel @p0 .LBB2_1-.Ltmp4, $4  }
0x218: {  	[hbm4b:s13+s1] =	stream.linear.scatter [tilespmem:s16], [sflag:$0x1], $0xC350, $0x38;
	[tilespmem:$0x1C300] =	vst v63  }
0x219: {  	_ =	swait.ge [sflag:s15], $0xC350  }
0x21a: {  	[sflag:s15] =	ssyncset.done $0x0  }
0x21b: {  	[sflag:s15] =	ssyncadd.s32 $0xFFFF3CB0  }
0x21c: {  	_ =	sfence.sel $0x180000  }
0x21d: {  	[bflag:$0x0] =	sbarrier.arrive $0xFFFF  }
0x21e: {  	p0 =	sne.s32 s2, $0x0;
	_ =	strace $0x9000004D  }
0x21f: {  	s0 =	sadd.s32 @!p0 $0x100000, s0;
	[bflag:$0x2] =	sbarrier.arrive $0xFFFF  }
0x220: {  	[sflag:s0] =	ssyncadd.tile.s32 @!p0 $0x1;
	_ =	shalt  }
.Lfunc_end2:
_tile_overlayer_lowered:
.L_overlay_start_2:
0x221: {  	(tag) =	ssettag $0x2  }
0x222: {  	s0 =	rddreg [dreg:$0x0];
	s2 =	stileid.u32  }
0x223: {  	s1 =	rddreg [dreg:$0x1];
	p0 =	sne.s32 s2, $0x0  }
0x224: {  	s3 =	rddreg [dreg:$0x2];
	[bflag:$0x3] =	sbarrier.arrive $0xFFFF;
	s2 =	simm.s32 @!p0 $0x1C01  }
0x225: {  	[timem:s3], [sflag:s2] =	dma.local @!p0 [hbm:s0], s1  }
0x226: {  	s0 =	simm.s32 @!p0 $0x1  }
0x227: {  	_ =	swait.ge @!p0 [sflag:s0], s1  }
0x228: {  	s1 =	ssub.s32 @!p0 $0x0, s1;
	[sflag:s0] =	ssyncset.done @!p0 $0x0  }
0x229: {  	[sflag:s0] =	ssyncadd.s32 @!p0 s1  }
0x22a: {  	[bflag:$0x3] =	sbarrier.arrive $0xFFFF  }
0x22b: {  	_ =	shalt  }

// kernel: kernel.9.cloned.1.call-start
scs
__scs_entry_jumppad:
0x0: {  	(pc) =	sbr.rel $0x88, $3  }
0x1: {  	(tag) =	ssettag $0x0;
	lr =	simm.s32 $0x1  }
0x2: {  	[smem:$0x3F90] =	sst lr;
	_ =	strace $0xD0000000  }
0x3: {  	_ = 	snop  }
0x4: {  	_ = 	snop  }
0x5: {  	_ = 	snop  }
0x6: {  	_ = 	snop  }
0x7: {  	_ = 	snop  }
__scs_overlays_trampoline_lowered:
0x8: {  	[smem:$0x3F9F] =	sst s0  }
0x9: {  	[smem:$0x3FA0] =	sst s1  }
0xa: {  	[smem:$0x3FA1] =	sst s2  }
0xb: {  	[smem:$0x3FA2] =	sst s3  }
0xc: {  	[smem:$0x3FA3] =	sst s4  }
0xd: {  	[smem:$0x3FA4] =	sst s5  }
0xe: {  	[smem:$0x3FA5] =	sst s6  }
0xf: {  	[smem:$0x3FA6] =	sst s7  }
0x10: {  	[smem:$0x3FA7] =	sst s8  }
0x11: {  	[smem:$0x3FA8] =	sst s9;
	s0 =	simm.s32 @!p0 $0x0  }
0x12: {  	s1 =	sld [smem:$0x3F8E];
	s0 =	simm.s32 @p0 $0x1  }
0x13: {  	[smem:$0x3FA9] =	sst s0;
	s0 =	simm.s32 @!p1 $0x0  }
0x14: {  	s2 =	sld [smem:$0x3F8D];
	s0 =	simm.s32 @p1 $0x1  }
0x15: {  	[smem:$0x3FAA] =	sst s0;
	s0 =	simm.s32 @!p2 $0x0  }
0x16: {  	s3 =	sld [smem:$0x3FDB];
	s0 =	simm.s32 @p2 $0x1  }
0x17: {  	s4 =	simm.s32 $0x1BF5;
	[smem:$0x3FAC] =	sst s0  }
0x18: {  	s0 =	sld [smem:$0x3F8F];
	_ =	swait.ge [sflag:s4], $0x0  }
0x19: {  	s7 =	sld [smem:$0x3F90]  }
0x1a: {  	s8 =	sadd.s32 $0xFFFFE003, lr  }
0x1b: {  	s9 =	sadd.s32 $0xFFFFFEF7, lr;
	s5 =	simm.s32 $0xFFFFFFFF;
	p2 =	slt.u32 s8, $0xFFFFF086  }
0x1c: {  	p1 =	slt.u32 s9, $0xF7A;
	s5 =	simm.s32 @!p2 $0x0  }
0x1d: {  	s5 =	simm.s32 @p1 $0x1;
	p0 =	seq.s32 s7, s2  }
0x1e: {  	s7 =	smul.u32 @!p0 $0xF7A, s2;
	p2 =	seq.s32 @!p0 s5, $0x0  }
0x1f: {  	s9 =	smul.u32 $0xF7A, s1;
	s8 =	simm.s32 @!p0 $0x1BF5;
	p2 =	por !p2, p0  }
0x20: {  	[sflag:s8] =	ssyncset.s32 @!p0 $0xFFFFF086;
	s6 =	sadd.s32 @!p0 s3, s7;
	s7 =	simm.s32 @!p0 $0x108  }
0x21: {  	s3 =	sadd.s32 s3, s9;
	s6 =	sadd.s32 @!p0 $0x88, s6;
	s7 =	simm.s32 @p2 $0x1082  }
0x22: {  	[simem:s7], [sflag:s8] =	dma.local @!p0 [hbm:s6], $0xF7A  }
0x23: {  	s9 =	sor.u32 $0xD0000000, s2;
	s6 =	simm.s32 $0x108;
	_ =	swait.ge @!p0 [sflag:s8], $0x0  }
0x24: {  	s3 =	sadd.s32 $0x88, s3;
	s6 =	simm.s32 @!p1 $0x1082;
	[sflag:s4] =	ssyncset.s32 $0xFFFFF086  }
0x25: {  	[simem:s6], [sflag:s4] =	dma.local [hbm:s3], $0xF7A  }
0x26: {  	[smem:$0x3F90] =	sst s1;
	(tag) =	ssettag s2;
	_ =	strace s9  }
0x27: {  	s1 =	sld [smem:$0x3FA0]  }
0x28: {  	s2 =	sld [smem:$0x3FA1]  }
0x29: {  	s4 =	sld [smem:$0x3FA3]  }
0x2a: {  	p0 =	seq.s32 s5, $0x0;
	s5 =	sld [smem:$0x3FA4]  }
0x2b: {  	s6 =	sld [smem:$0x3FA5]  }
0x2c: {  	s7 =	sld [smem:$0x3FA6]  }
0x2d: {  	s3 =	simm.s32 $0x108;
	s8 =	sld [smem:$0x3FA7]  }
0x2e: {  	s3 =	simm.s32 @!p0 $0x1082;
	s9 =	sld [smem:$0x3FA8]  }
0x2f: {  	lr =	sadd.s32 s0, s3;
	s0 =	sld [smem:$0x3F9F]  }
0x30: {  	s3 =	sld [smem:$0x3FA2]  }
0x31: {  	[smem:$0x3FAB] =	sst s10  }
0x32: {  	s10 =	sld [smem:$0x3FA9];
	_ =	sdelay $0x3  }
0x33: {  	p0 =	seq.s32 s10, $0x1;
	s10 =	sld [smem:$0x3FAB];
	_ =	sdelay $0x3  }
0x34: {  	[smem:$0x3FAB] =	sst s10  }
0x35: {  	s10 =	sld [smem:$0x3FAA];
	_ =	sdelay $0x3  }
0x36: {  	p1 =	seq.s32 s10, $0x1;
	s10 =	sld [smem:$0x3FAB];
	_ =	sdelay $0x3  }
0x37: {  	[smem:$0x3FAB] =	sst s10  }
0x38: {  	s10 =	sld [smem:$0x3FAC]  }
0x39: {  	_ = 	snop;
	(pc) =	sbr.ind lr, $3  }
0x3a: {  	_ = 	snop  }
0x3b: {  	_ = 	snop  }
0x3c: {  	p2 =	seq.s32 s10, $0x1;
	s10 =	sld [smem:$0x3FAB]  }
0x3d: {  	_ =	shalt  }
0x3e: {  	_ =	shalt  }
0x3f: {  	_ =	shalt  }
0x40: {  	_ =	shalt  }
0x41: {  	_ =	shalt  }
0x42: {  	_ =	shalt  }
0x43: {  	_ =	shalt  }
0x44: {  	_ =	shalt  }
0x45: {  	_ =	shalt  }
0x46: {  	_ =	shalt  }
0x47: {  	_ =	shalt  }
0x48: {  	_ =	shalt  }
0x49: {  	_ =	shalt  }
0x4a: {  	_ =	shalt  }
0x4b: {  	_ =	shalt  }
0x4c: {  	_ =	shalt  }
0x4d: {  	_ =	shalt  }
0x4e: {  	_ =	shalt  }
0x4f: {  	_ =	shalt  }
0x50: {  	_ =	shalt  }
0x51: {  	_ =	shalt  }
0x52: {  	_ =	shalt  }
0x53: {  	_ =	shalt  }
0x54: {  	_ =	shalt  }
0x55: {  	_ =	shalt  }
0x56: {  	_ =	shalt  }
0x57: {  	_ =	shalt  }
0x58: {  	_ =	shalt  }
0x59: {  	_ =	shalt  }
0x5a: {  	_ =	shalt  }
0x5b: {  	_ =	shalt  }
0x5c: {  	_ =	shalt  }
0x5d: {  	_ =	shalt  }
0x5e: {  	_ =	shalt  }
0x5f: {  	_ =	shalt  }
0x60: {  	_ =	shalt  }
0x61: {  	_ =	shalt  }
0x62: {  	_ =	shalt  }
0x63: {  	_ =	shalt  }
0x64: {  	_ =	shalt  }
0x65: {  	_ =	shalt  }
0x66: {  	_ =	shalt  }
0x67: {  	_ =	shalt  }
0x68: {  	_ =	shalt  }
0x69: {  	_ =	shalt  }
0x6a: {  	_ =	shalt  }
0x6b: {  	_ =	shalt  }
0x6c: {  	_ =	shalt  }
0x6d: {  	_ =	shalt  }
0x6e: {  	_ =	shalt  }
0x6f: {  	_ =	shalt  }
0x70: {  	_ =	shalt  }
0x71: {  	_ =	shalt  }
0x72: {  	_ =	shalt  }
0x73: {  	_ =	shalt  }
0x74: {  	_ =	shalt  }
0x75: {  	_ =	shalt  }
0x76: {  	_ =	shalt  }
0x77: {  	_ =	shalt  }
0x78: {  	_ =	shalt  }
0x79: {  	_ =	shalt  }
0x7a: {  	_ =	shalt  }
0x7b: {  	_ =	shalt  }
0x7c: {  	_ =	shalt  }
0x7d: {  	_ =	shalt  }
0x7e: {  	_ =	shalt  }
0x7f: {  	_ =	shalt  }
0x80: {  	_ =	shalt  }
0x81: {  	_ =	shalt  }
0x82: {  	_ =	shalt  }
0x83: {  	_ =	shalt  }
0x84: {  	_ =	shalt  }
0x85: {  	_ =	shalt  }
0x86: {  	_ =	shalt  }
0x87: {  	_ =	shalt  }
.Lfunc_end0:
.L_simem_size_0:
called_computation_lowered:
.L_overlay_start_0:
0x88: {  	s2 =	sld [smem:$0x3FD9]  }
0x89: {  	s3 =	sld [smem:$0x3FFE];
	_ =	sdelay $0x1  }
0x8a: {  	s1 =	srdreg.scid  }
0x8b: {  	s0 =	sand.u32 $0x1, s1  }
0x8c: {  	s16 =	sshll.u32 s0, $0xA;
	s2 =	sadd.s32 s3, s2  }
0x8d: {  	s2 =	sadd.s32 s2, s16  }
0x8e: {  	[smem:$0x3FB7] =	sst s2  }
0x8f: {  	_ = 	snop  }
0x90: {  	(tm) =	ssettm $0x1  }
0x91: {  	s17 =	sld [smem:$0x3FFB];
	_ =	sdelay $0x3  }
0x92: {  	_ =	strace s17  }
0x93: {  	s2 =	sld [smem:$0x3FFC];
	_ =	sdelay $0x3  }
0x94: {  	_ =	strace s2  }
0x95: {  	s2 =	sld [smem:$0x3FFD];
	_ =	sdelay $0x3  }
0x96: {  	_ =	strace s2  }
0x97: {  	_ =	strace $0x8FFFFFFF  }
0x98: {  	s18 =	sld [smem:$0x3FDB];
	_ =	sdelay $0x1  }
0x99: {  	s19 =	simm.s32 $_scs_section_size  }
0x9a: {  	s4 =	simm.s32 $_size__tile_overlayer_lowered;
	s5 =	simm.s32 $_tile_overlayer_lowered  }
0x9b: {  	s22 =	simm.s32 $0x1BFF;
	s21 =	sshll.u32 s5, $0x1;
	s2 =	sadd.s32 s19, s18  }
0x9c: {  	s6 =	simm.s32 $0x0;
	s20 =	sshll.u32 s4, $0x1;
	s4 =	sadd.s32 s21, s2  }
0x9d: {  	[timem:s6], [sflag:s22] =	dma.local [hbm:s4], s20  }
0x9e: {  	_ =	swait.ge [sflag:s22], s20  }
0x9f: {  	s3 =	ssub.s32 $0x0, s20;
	[sflag:s22] =	ssyncset.done $0x0  }
0xa0: {  	[sflag:s22] =	ssyncadd.s32 s3;
	_ =	sdelay $0x1  }
0xa1: {  	s23 =	simm.s32 $0x1B8B  }
0xa2: {  	_ =	swait.ge [sflag:s23], $0x1  }
0xa3: {  	[sflag:s23] =	ssyncset.done $0x0  }
0xa4: {  	s25 =	simm.s32 $0x1B8E;
	s24 =	sld [smem:$0x3FFE];
	[sflag:s23] =	ssyncadd.s32 $0xFFFFFFFF  }
0xa5: {  	s26 =	simm.s32 $execute0_lowered;
	[smem:$0x3FD2] =	sst s25  }
0xa6: {  	s4 =	sshll.u32 s26, $0x1;
	_ =	strace $0x80000046;
	[dreg:$0x1] =	wrdreg $0xFFFFFFFF  }
0xa7: {  	s28 =	simm.s32 $_size_execute0_lowered;
	s2 =	sadd.s32 s2, s4;
	[dreg:$0x0] =	wrdreg $0x0  }
0xa8: {  	s4 =	sshll.u32 s28, $0x1;
	[dreg:$0x2] =	wrdreg s2  }
0xa9: {  	[dreg:$0x3] =	wrdreg s4  }
0xaa: {  	[dreg:$0x4] =	wrdreg $0xC0  }
0xab: {  	_ =	task [dreg:s6], $0x5FFFF  }
0xac: {  	[dreg:$0x1] =	wrdreg $0xFFFFFFFF  }
0xad: {  	[dreg:$0x0] =	wrdreg $0x60  }
0xae: {  	[dreg:$0x2] =	wrdreg s24  }
0xaf: {  	[dreg:$0x3] =	wrdreg $0x9  }
0xb0: {  	_ =	task.clear_ibuf [dreg:s6], $0x4FFFF;
	_ =	strace $0x90000046  }
0xb1: {  	s29 =	simm.s32 $0x9;
	_ =	strace $0x80000048  }
0xb2: {  	_ =	swait.ge [sflag:s29], $0x1  }
0xb3: {  	[sflag:s29] =	ssyncadd.s32 $0xFFFFFFFF  }
0xb4: {  	_ =	strace $0x90000048  }
0xb5: {  	_ =	sfence  }
0xb6: {  	s30 =	sld [smem:$0x0];
	_ =	sdelay $0x2  }
0xb7: {  	s31 =	sshll.u32 s1, $0xD;
	s1 =	sshrl.u32 s1, $0x2  }
0xb8: {  	s3 =	sand.u32 $0x4000, s31;
	s1 =	sadd.s32 s1, s30  }
0xb9: {  	s0 =	sor.u32 s3, s0;
	s1 =	sshll.u32 s1, $0x11  }
0xba: {  	s0 =	sor.u32 s1, s0  }
0xbb: {  	s0 =	sadd.s32 $0x8F2B, s0  }
0xbc: {  	[sflag:s0] =	ssyncadd.remote.s32 $0x1  }
0xbd: {  	_ =	sfence.sel $0xFFFF  }
0xbe: {  	[dreg:$0x0] =	wrdreg $0xFFFFFFFF;
	(pc) =	sbr.abs _section_cstart, $3  }
0xbf: {  	[dreg:$0x1] =	wrdreg $0xFFFFFFFF  }
0xc0: {  	_ =	task.clear_ibuf [dreg:s6], $0x2FFFF;
	_ =	strace $0x9FFFFFFF  }
0xc1: {  	(tm) =	ssettm $0x7FFFFFFF  }
tec
execute0_lowered:
.L_overlay_start_1:
0x0: {  	(tag) =	ssettag $0x1  }
0x1: {  	s1 =	srdreg.scid;
	s0 =	stileid.u32  }
0x2: {  	s4 =	rddreg [dreg:$0x0];
	s2 =	simm.s32 $0x0;
	s9 =	simm.s32 $0x1400  }
0x3: {  	s10 =	simm.s32 $0x2800;
	s3 =	sand.u32 $0x1, s1;
	s30 =	sshll.u32 s0, $0x1  }
0x4: {  	s11 =	simm.s32 $0x0;
	s1 =	rddreg [dreg:$0x1];
	s5 =	sor.u32 s3, s30  }
0x5: {  	[smem:$0x7FF] =	sst s2;
	s7 =	ssub.s32 $0x2, s3;
	s6 =	smul.u32 $0x278, s5  }
0x6: {  	_ =	strace $0x80000047;
	s5 =	smul.u32 $0x4E2, s5;
	s31 =	sshrl.u32 s7, $0x1  }
0x7: {  	s3 =	sadd.s32 $0xC200, s4;
	s7 =	ssub.s32 s7, s31;
	s6 =	sadd.s32 s6, s4  }
0x8: {  	s8 =	sadd.s32 s5, s4;
	s7 =	smax.u32 s7, $0x1;
	s4 =	sadd.s32 $0x2200, s6  }
0x9: {  	s5 =	sadd.s32 $0x7200, s6;
	s6 =	sadd.s32 $0xC800, s8;
	s8 =	simm.s32 $0x1  }
.LBB2_1:
0xa: {  	[tilespmem:s2], [sflag:$0x1] =	stream.linear.gather [hbm4b:s4+s2], $0x13C0, $0x38;
	[tilespmem:$0x4F80] =	vst v63  }
0xb: {  	_ =	swait.ge [sflag:s8], $0x13C0  }
0xc: {  	[sflag:s8] =	ssyncset.done $0x0  }
0xd: {  	[sflag:s8] =	ssyncadd.s32 $0xFFFFEC40  }
0xe: {  	[tilespmem:s9], [sflag:$0x1] =	stream.linear.gather [hbm4b:s5+s2], $0x13C0, $0x38;
	[tilespmem:$0x4F80] =	vst v63  }
0xf: {  	_ =	swait.ge [sflag:s8], $0x13C0  }
0x10: {  	[sflag:s8] =	ssyncset.done $0x0  }
0x11: {  	[sflag:s8] =	ssyncadd.s32 $0xFFFFEC40  }
0x12: {  	[tilespmem:s10], [sflag:$0x1] =	stream.linear.gather [hbm4b:s3+s2], $0x2780, $0x38;
	[tilespmem:$0x4F80] =	vst v63  }
0x13: {  	_ =	swait.ge [sflag:s8], $0x2780  }
0x14: {  	[sflag:s8] =	ssyncset.done $0x0  }
0x15: {  	s13 =	simm.s32 $0x20;
	[sflag:s8] =	ssyncadd.s32 $0xFFFFD880  }
0x16: {  	v4 =	vld [tilespmem:s13+$0x10]  }
0x17: {  	v5 =	vld [tilespmem:s13+$0xFFFFFFF0]  }
0x18: {  	s12 =	simm.s32 $0x1420;
	v0 =	vld [tilespmem:s13+$0x0]  }
0x19: {  	v6 =	vld [tilespmem:s12+$0x10]  }
0x1a: {  	v7 =	vld [tilespmem:s12+$0xFFFFFFF0]  }
0x1b: {  	v3 =	vld [tilespmem:s12+$0x0]  }
0x1c: {  	v1 =	vld [tilespmem:s13+$0xFFFFFFE0]  }
0x1d: {  	v2 =	vld [tilespmem:s12+$0xFFFFFFE0]  }
0x1e: {  	[tilespmem:v4+s10+$0x0] =	vst.idx.add.f32.msk $0xffff, v6  }
0x1f: {  	s14 =	simm.s32 $0x60;
	s13 =	simm.s32 $0x0;
	[tilespmem:v5+s10+$0x0] =	vst.idx.add.f32.msk $0xffff, v7  }
.LBB2_2:
0x20: {  	v4 =	vld [tilespmem:s14+$0x10];
	s13 =	sadd.s32 $0x4, s13;
	v5 =	vmov v3  }
0x21: {  	v6 =	vld [tilespmem:s14+$0xFFFFFFF0];
	p0 =	slt.u32 s13, $0x138  }
0x22: {  	s12 =	sadd.s32 $0x40, s12;
	v7 =	vld [tilespmem:s14+$0x0]  }
0x23: {  	v8 =	vld [tilespmem:s12+$0x10]  }
0x24: {  	v9 =	vld [tilespmem:s14+$0xFFFFFFE0]  }
0x25: {  	v10 =	vld [tilespmem:s12+$0xFFFFFFE0]  }
0x26: {  	v11 =	vld [tilespmem:s12+$0xFFFFFFF0]  }
.Ltmp0:
0x27: {  	v3 =	vld [tilespmem:s12+$0x0];
	(pc) =	sbr.rel @p0 .LBB2_2-.Ltmp0, $4  }
0x28: {  	[tilespmem:v4+s10+$0x0] =	vst.idx.add.f32.msk $0xffff, v8  }
0x29: {  	[tilespmem:v1+s10+$0x0] =	vst.idx.add.f32.msk $0xffff, v2;
	v1 =	vmov v9  }
0x2a: {  	[tilespmem:v0+s10+$0x0] =	vst.idx.add.f32.msk $0xffff, v5;
	v0 =	vmov v7;
	v2 =	vmov v10  }
0x2b: {  	s14 =	sadd.s32 $0x40, s14;
	[tilespmem:v6+s10+$0x0] =	vst.idx.add.f32.msk $0xffff, v11  }
0x2c: {  	_ =	sdelay $0x2  }
0x2d: {  	s11 =	sadd.s32 $0x1, s11  }
0x2e: {  	[tilespmem:v1+s10+$0x0] =	vst.idx.add.f32.msk $0xffff, v2;
	p0 =	sne.s32 s11, s7  }
.Ltmp1:
0x2f: {  	[tilespmem:v0+s10+$0x0] =	vst.idx.add.f32.msk $0xffff, v3;
	(pc) =	sbr.rel @p0 .LBB2_1-.Ltmp1, $4  }
0x30: {  	[hbm4b:s6+s2] =	stream.linear.scatter [tilespmem:s10], [sflag:$0x1], $0x2710, $0x38;
	[tilespmem:$0x4F80] =	vst v63  }
0x31: {  	_ =	swait.ge [sflag:s8], $0x2710  }
0x32: {  	[sflag:s8] =	ssyncset.done $0x0  }
0x33: {  	[sflag:s8] =	ssyncadd.s32 $0xFFFFD8F0  }
0x34: {  	_ =	sfence.sel $0x180000  }
0x35: {  	[bflag:$0x0] =	sbarrier.arrive $0xFFFF  }
0x36: {  	p0 =	sne.s32 s0, $0x0;
	_ =	strace $0x90000047  }
0x37: {  	s0 =	sadd.s32 @!p0 $0x100000, s1;
	[bflag:$0x2] =	sbarrier.arrive $0xFFFF  }
0x38: {  	[sflag:s0] =	ssyncadd.tile.s32 @!p0 $0x1;
	_ =	shalt  }
.Lfunc_end2:
_tile_overlayer_lowered:
.L_overlay_start_2:
0x39: {  	(tag) =	ssettag $0x2  }
0x3a: {  	s0 =	rddreg [dreg:$0x0];
	s2 =	stileid.u32  }
0x3b: {  	s1 =	rddreg [dreg:$0x1];
	p0 =	sne.s32 s2, $0x0  }
0x3c: {  	s3 =	rddreg [dreg:$0x2];
	[bflag:$0x3] =	sbarrier.arrive $0xFFFF;
	s2 =	simm.s32 @!p0 $0x1C01  }
0x3d: {  	[timem:s3], [sflag:s2] =	dma.local @!p0 [hbm:s0], s1  }
0x3e: {  	s0 =	simm.s32 @!p0 $0x1  }
0x3f: {  	_ =	swait.ge @!p0 [sflag:s0], s1  }
0x40: {  	s1 =	ssub.s32 @!p0 $0x0, s1;
	[sflag:s0] =	ssyncset.done @!p0 $0x0  }
0x41: {  	[sflag:s0] =	ssyncadd.s32 @!p0 s1  }
0x42: {  	[bflag:$0x3] =	sbarrier.arrive $0xFFFF  }
0x43: {  	_ =	shalt  }

</sc_bundles>
